<compile_context>
chip_gen: v7x
topology: tpu7x:2x2x1
jax: 0.10.2.dev20260603
libtpu: 0.0.44.dev20260713+nightly
codegen_flags: <defaults>
</compile_context>

<pallas_src>
import jax
import jax.numpy as jnp
from jax import lax
from jax.experimental import pallas as pl
from jax.experimental.pallas import tpu as pltpu
from jax.experimental.pallas import tpu_sc as plsc

N = 10000
NPAD = 10240
E = 320000
NW = 32
EPT = E // NW
CH = 128
NF = EPT // CH
TAIL = EPT - NF * CH
RPS = NPAD // 16
SCP = pltpu.CompilerParams(use_tc_tiling_on_sc=False)


def _stage_idx(dst_chunk, idx_all, base, n16):
    for k in range(n16):
        dst_chunk[pl.ds(16 * k, 16)] = idx_all[pl.ds(base + 16 * k, 16)]


def _deg_body(ei_hbm, ones_hbm, z_hbm, out_hbm, didx, ones_v, dchunk,
              dchunkT, vbuf, dv, acc):
    cid = lax.axis_index("c")
    sid = lax.axis_index("s")
    wid = cid * 16 + sid
    pltpu.sync_copy(ei_hbm.at[1, pl.ds(wid * EPT, EPT)], didx)
    pltpu.sync_copy(ones_hbm, ones_v)
    pltpu.sync_copy(z_hbm, acc.at[pl.ds(sid * RPS, RPS)])
    plsc.subcore_barrier()

    def body(j, carry):
        _stage_idx(dchunk, didx, j * CH, 8)
        pltpu.sync_copy(ones_v, acc.at[dchunk], add=True)
        return carry

    lax.fori_loop(0, NF, body, 0)
    _stage_idx(dchunkT, didx, NF * CH, 1)
    pltpu.sync_copy(ones_v.at[pl.ds(0, TAIL)], acc.at[dchunkT], add=True)
    plsc.subcore_barrier()
    pltpu.sync_copy(acc.at[pl.ds(sid * RPS, RPS)], vbuf)
    zero16 = jnp.zeros((16,), jnp.int32)
    row16 = lax.iota(jnp.int32, 16)

    def ext(i, carry):
        vals = plsc.load_gather(vbuf, [row16 + 16 * i, zero16])
        dv[pl.ds(16 * i, 16)] = vals
        return carry

    lax.fori_loop(0, RPS // 16, ext, 0)
    pltpu.sync_copy(dv, out_hbm.at[pl.ds(cid * NPAD + sid * RPS, RPS)])


def _deg_partials(ei):
    mesh = plsc.VectorSubcoreMesh(core_axis_name="c", subcore_axis_name="s")
    fn = pl.kernel(
        _deg_body,
        out_type=jax.ShapeDtypeStruct((2 * NPAD,), jnp.float32),
        mesh=mesh,
        scratch_types=[
            pltpu.VMEM((EPT,), jnp.int32),
            pltpu.VMEM((CH, 8), jnp.float32),
            pltpu.VMEM((CH,), jnp.int32),
            pltpu.VMEM((TAIL,), jnp.int32),
            pltpu.VMEM((RPS, 8), jnp.float32),
            pltpu.VMEM((RPS,), jnp.float32),
            pltpu.VMEM_SHARED((NPAD, 8), jnp.float32),
        ],
        compiler_params=pltpu.CompilerParams(
            use_tc_tiling_on_sc=False, needs_layout_passes=False),
    )
    return fn(ei, jnp.ones((CH, 8), jnp.float32), jnp.zeros((RPS, 8), jnp.float32))


def _edge_body(feat_hbm, ei_hbm, z_hbm, out_hbm,
               sidx, didx, dchunk0, dchunk1, dchunkT,
               rows0, rows1, rows2, rows3, rowsT,
               gs0, gs1, gs2, gs3, ss0, ss1, ss2, ss3, acc):
    cid = lax.axis_index("c")
    sid = lax.axis_index("s")
    wid = cid * 16 + sid
    base = wid * EPT
    pltpu.sync_copy(ei_hbm.at[0, pl.ds(base, EPT)], sidx)
    pltpu.sync_copy(ei_hbm.at[1, pl.ds(base, EPT)], didx)
    pltpu.sync_copy(z_hbm, acc.at[pl.ds(sid * RPS, RPS)])
    plsc.subcore_barrier()

    rows = (rows0, rows1, rows2, rows3)
    gsem = (gs0, gs1, gs2, gs3)
    ssem = (ss0, ss1, ss2, ss3)
    dch = (dchunk0, dchunk1)

    def gissue(j, b):
        pltpu.async_copy(feat_hbm.at[sidx.at[pl.ds(j * CH, CH)]],
                         rows[b], gsem[b])

    def gwait(j, b):
        pltpu.make_async_copy(feat_hbm.at[sidx.at[pl.ds(j * CH, CH)]],
                              rows[b], gsem[b]).wait()

    def sissue(b, dc):
        pltpu.async_copy(rows[b], acc.at[dc], ssem[b], add=True)

    def swait(b, dc):
        pltpu.make_async_copy(rows[b], acc.at[dc], ssem[b]).wait()

    gissue(0, 0)
    gissue(1, 1)

    def body(u, carry):
        j0 = 4 * u
        for k in range(4):
            j = j0 + k
            dc = dch[k % 2]
            dcp = dch[(k + 1) % 2]
            _stage_idx(dc, didx, j * CH, 8)
            gwait(j, k)
            sissue(k, dc)
            if k == 0:
                @pl.when(u > 0)
                def _():
                    swait(3, dcp)
            else:
                swait(k - 1, dcp)
            gissue(j + 2, (k + 2) % 4)
        return carry

    lax.fori_loop(0, NF // 4, body, 0)
    _stage_idx(dchunk0, didx, (NF - 2) * CH, 8)
    gwait(NF - 2, 0)
    sissue(0, dchunk0)
    swait(3, dchunk1)
    _stage_idx(dchunk1, didx, (NF - 1) * CH, 8)
    gwait(NF - 1, 1)
    sissue(1, dchunk1)
    swait(0, dchunk0)
    _stage_idx(dchunkT, didx, NF * CH, 1)
    pltpu.async_copy(
        feat_hbm.at[sidx.at[pl.ds(NF * CH, TAIL)]], rowsT, gs2).wait()
    pltpu.sync_copy(rowsT, acc.at[dchunkT], add=True)
    swait(1, dchunk1)
    plsc.subcore_barrier()
    pltpu.sync_copy(acc.at[pl.ds(sid * RPS, RPS)],
                    out_hbm.at[pl.ds(cid * NPAD + sid * RPS, RPS)])


def _edge_partials(feat, ei, d):
    mesh = plsc.VectorSubcoreMesh(core_axis_name="c", subcore_axis_name="s")
    fn = pl.kernel(
        _edge_body,
        out_type=jax.ShapeDtypeStruct((2 * NPAD, d), jnp.float32),
        mesh=mesh,
        scratch_types=[
            pltpu.VMEM((EPT,), jnp.int32),
            pltpu.VMEM((EPT,), jnp.int32),
            pltpu.VMEM((CH,), jnp.int32),
            pltpu.VMEM((CH,), jnp.int32),
            pltpu.VMEM((TAIL,), jnp.int32),
            pltpu.VMEM((CH, d), jnp.float32),
            pltpu.VMEM((CH, d), jnp.float32),
            pltpu.VMEM((CH, d), jnp.float32),
            pltpu.VMEM((CH, d), jnp.float32),
            pltpu.VMEM((TAIL, d), jnp.float32),
            pltpu.SemaphoreType.DMA,
            pltpu.SemaphoreType.DMA,
            pltpu.SemaphoreType.DMA,
            pltpu.SemaphoreType.DMA,
            pltpu.SemaphoreType.DMA,
            pltpu.SemaphoreType.DMA,
            pltpu.SemaphoreType.DMA,
            pltpu.SemaphoreType.DMA,
            pltpu.VMEM_SHARED((NPAD, d), jnp.float32),
        ],
        compiler_params=SCP,
    )
    return fn(feat, ei, jnp.zeros((RPS, d), jnp.float32))


def _dinv_col(p_ref):
    dinv = lax.rsqrt(p_ref[0:1, 0:NPAD] + p_ref[0:1, NPAD:2 * NPAD] + 1.0)
    return dinv.reshape(NPAD, 1)


def _dense1_body(p_ref, x_ref, w1_ref, hs_ref):
    h = jnp.dot(x_ref[...], w1_ref[...], preferred_element_type=jnp.float32)
    hs_ref[...] = h * _dinv_col(p_ref)


def _dense1(degp, x, w1):
    return pl.pallas_call(
        _dense1_body,
        grid=(1,),
        in_specs=[
            pl.BlockSpec((1, 2 * NPAD), lambda i: (0, 0)),
            pl.BlockSpec((NPAD, 128), lambda i: (0, 0)),
            pl.BlockSpec((128, 16), lambda i: (0, 0)),
        ],
        out_specs=pl.BlockSpec((NPAD, 16), lambda i: (0, 0)),
        out_shape=jax.ShapeDtypeStruct((NPAD, 16), jnp.float32),
    )(degp, x, w1)


def _dense2_body(p_ref, q0_ref, q1_ref, hs_ref, b1_ref, w2_ref, gs_ref):
    dinv = _dinv_col(p_ref)
    o1 = dinv * (q0_ref[...] + q1_ref[...] + hs_ref[...]) + b1_ref[...]
    o1 = jnp.maximum(o1, 0.0)
    g = jnp.dot(o1, w2_ref[...], preferred_element_type=jnp.float32)
    gs_ref[...] = g * dinv


def _dense2(degp, q, hs, b1, w2p):
    return pl.pallas_call(
        _dense2_body,
        grid=(1,),
        in_specs=[
            pl.BlockSpec((1, 2 * NPAD), lambda i: (0, 0)),
            pl.BlockSpec((NPAD, 16), lambda i: (0, 0)),
            pl.BlockSpec((NPAD, 16), lambda i: (1, 0)),
            pl.BlockSpec((NPAD, 16), lambda i: (0, 0)),
            pl.BlockSpec((1, 16), lambda i: (0, 0)),
            pl.BlockSpec((16, 8), lambda i: (0, 0)),
        ],
        out_specs=pl.BlockSpec((NPAD, 8), lambda i: (0, 0)),
        out_shape=jax.ShapeDtypeStruct((NPAD, 8), jnp.float32),
    )(degp, q, q, hs, b1, w2p)


def _dense3_body(p_ref, r0_ref, r1_ref, gs_ref, b2_ref, out_ref):
    dinv = _dinv_col(p_ref)
    o2 = dinv * (r0_ref[...] + r1_ref[...] + gs_ref[...]) + b2_ref[...]
    logits = o2[:, :7]
    m = jnp.max(logits, axis=1, keepdims=True)
    z = logits - m
    out_ref[...] = z - jnp.log(jnp.sum(jnp.exp(z), axis=1, keepdims=True))


def _dense3(degp, r, gs, b2p):
    return pl.pallas_call(
        _dense3_body,
        grid=(1,),
        in_specs=[
            pl.BlockSpec((1, 2 * NPAD), lambda i: (0, 0)),
            pl.BlockSpec((NPAD, 8), lambda i: (0, 0)),
            pl.BlockSpec((NPAD, 8), lambda i: (1, 0)),
            pl.BlockSpec((NPAD, 8), lambda i: (0, 0)),
            pl.BlockSpec((1, 8), lambda i: (0, 0)),
        ],
        out_specs=pl.BlockSpec((NPAD, 7), lambda i: (0, 0)),
        out_shape=jax.ShapeDtypeStruct((N, 7), jnp.float32),
    )(degp, r, r, gs, b2p)


@jax.jit
def kernel(x, edge_index, W1, b1, W2, b2):
    ei = edge_index.astype(jnp.int32)

    degp = _deg_partials(ei).reshape(1, 2 * NPAD)
    hs = _dense1(degp, x, W1)

    q = _edge_partials(hs, ei, 16)
    w2p = jnp.zeros((16, 8), jnp.float32).at[:, :7].set(W2)
    gs = _dense2(degp, q, hs, b1.reshape(1, 16), w2p)

    r = _edge_partials(gs, ei, 8)
    b2p = jnp.zeros((1, 8), jnp.float32).at[0, :7].set(b2)
    return _dense3(degp, r, gs, b2p)

# --- scband reference (transcript-rebuilt; emitter-appended) ---
"""Pipeline reference for scband-gcn-7576322310639 (READ-ONLY COPY).

The authoritative reference and input builder live on the scoring server;
editing this copy changes nothing except your own understanding.
"""

import jax, jax.numpy as jnp
import numpy as np

N_NODES = 10000
D_FEAT = 128
HIDDEN = 16
N_CLASSES = 7
N_EDGES = 320000


def _gcn_conv(x, src, dst, W, b, num_nodes):
    # symmetric-normalized GCN conv with self-loops: D^-1/2 (A+I) D^-1/2 X W + b
    loop = jnp.arange(num_nodes, dtype=src.dtype)
    s = jnp.concatenate([src, loop])
    d = jnp.concatenate([dst, loop])
    deg = jnp.zeros((num_nodes,), jnp.float32).at[d].add(1.0)
    dinv = jnp.where(deg > 0, 1.0 / jnp.sqrt(deg), 0.0)
    norm = dinv[s] * dinv[d]
    h = x @ W
    msg = jnp.take(h, s, axis=0) * norm[:, None]
    out = jnp.zeros((num_nodes, W.shape[1]), h.dtype).at[d].add(msg)
    return out + b


def setup_inputs(seed: int = 0) -> dict:
    key = jax.random.key(seed)
    k1, k2, k3, k4 = jax.random.split(key, 4)
    x = jax.random.normal(k1, (N_NODES, D_FEAT), dtype=jnp.float32)
    edge_index = jax.random.randint(k2, (2, N_EDGES), 0, N_NODES, dtype=jnp.int64)
    W1 = jax.random.normal(k3, (D_FEAT, HIDDEN), dtype=jnp.float32) * (1.0 / np.sqrt(D_FEAT))
    b1 = jnp.zeros((HIDDEN,), jnp.float32)
    W2 = jax.random.normal(k4, (HIDDEN, N_CLASSES), dtype=jnp.float32) * (1.0 / np.sqrt(HIDDEN))
    b2 = jnp.zeros((N_CLASSES,), jnp.float32)
    return {"x": x, "edge_index": edge_index, "W1": W1, "b1": b1, "W2": W2, "b2": b2}


def reference(x, edge_index, W1, b1, W2, b2):
    num_nodes = x.shape[0]
    src, dst = edge_index[0], edge_index[1]
    h = _gcn_conv(x, src, dst, W1, b1, num_nodes)
    h = jax.nn.relu(h)
    out = _gcn_conv(h, src, dst, W2, b2, num_nodes)
    return jax.nn.log_softmax(out, axis=1)

if __name__ == "__main__":
    import jax
    _d = setup_inputs()
    print(jax.jit(kernel)(*tuple(_d.values())))

</pallas_src>

<mosaic_0001>
#map = affine_map<(d0, d1) -> (0, 0)>
module attributes {stable_mosaic.version = 14 : i64} {
  func.func @_edge_body(%arg0: i32, %arg1: i32, %arg2: memref<10240x16xf32, #tpu.memory_space<hbm>>, %arg3: memref<2x320000xi32, #tpu.memory_space<hbm>>, %arg4: memref<640x16xf32, #tpu.memory_space<hbm>>, %arg5: memref<20480x16xf32, #tpu.memory_space<hbm>>, %arg6: memref<10000xi32, #tpu.memory_space<vmem>>, %arg7: memref<10000xi32, #tpu.memory_space<vmem>>, %arg8: memref<128xi32, #tpu.memory_space<vmem>>, %arg9: memref<128xi32, #tpu.memory_space<vmem>>, %arg10: memref<16xi32, #tpu.memory_space<vmem>>, %arg11: memref<128x16xf32, #tpu.memory_space<vmem>>, %arg12: memref<128x16xf32, #tpu.memory_space<vmem>>, %arg13: memref<128x16xf32, #tpu.memory_space<vmem>>, %arg14: memref<128x16xf32, #tpu.memory_space<vmem>>, %arg15: memref<16x16xf32, #tpu.memory_space<vmem>>, %arg16: memref<!tpu.dma_semaphore, #tpu.memory_space<semaphore_mem>>, %arg17: memref<!tpu.dma_semaphore, #tpu.memory_space<semaphore_mem>>, %arg18: memref<!tpu.dma_semaphore, #tpu.memory_space<semaphore_mem>>, %arg19: memref<!tpu.dma_semaphore, #tpu.memory_space<semaphore_mem>>, %arg20: memref<!tpu.dma_semaphore, #tpu.memory_space<semaphore_mem>>, %arg21: memref<!tpu.dma_semaphore, #tpu.memory_space<semaphore_mem>>, %arg22: memref<!tpu.dma_semaphore, #tpu.memory_space<semaphore_mem>>, %arg23: memref<!tpu.dma_semaphore, #tpu.memory_space<semaphore_mem>>, %arg24: memref<10240x16xf32, #tpu.memory_space<vmem_shared>>) attributes {dimension_semantics = [#tpu.dimension_semantics<core_parallel>, #tpu.dimension_semantics<subcore_parallel>], iteration_bounds = array<i64: 2, 16>, scalar_prefetch = 0 : i64, scratch_operands = 19 : i64, tpu.core_type = #tpu.core_type<sc_vector_subcore>, window_params = [{transform_indices = #map}, {transform_indices = #map}, {transform_indices = #map}, {transform_indices = #map}]} {
    %mul3A = arith.constant 16 : i32
    %mul3A_0 = arith.muli %arg0, %mul3A : i32
    %add3A = arith.addi %mul3A_0, %arg1 : i32
    %mul3A_1 = arith.constant 10000 : i32
    %mul3A_2 = arith.muli %add3A, %mul3A_1 : i32
    %run_scoped3A = arith.constant 0 : i32
    "tpu.region"() ({
      %run_scoped3A_144 = tpu.sem_alloc : memref<!tpu.dma_semaphore, #tpu.memory_space<semaphore_mem>>
      %dma_start3A_145 = tpu.memref_slice %arg3[%run_scoped3A, %mul3A_2] : memref<2x320000xi32, #tpu.memory_space<hbm>> -> memref<1x10000xi32, #tpu.memory_space<hbm>>
      %dma_start3A_146 = tpu.memref_squeeze %dma_start3A_145 : memref<1x10000xi32, #tpu.memory_space<hbm>> -> memref<10000xi32, #tpu.memory_space<hbm>>
      %dma_start3A_147 = tpu.memref_slice %arg3[%run_scoped3A, %mul3A_2] : memref<2x320000xi32, #tpu.memory_space<hbm>> -> memref<1x10000xi32, #tpu.memory_space<hbm>>
      %dma_start3A_148 = tpu.memref_squeeze %dma_start3A_147 : memref<1x10000xi32, #tpu.memory_space<hbm>> -> memref<10000xi32, #tpu.memory_space<hbm>>
      tpu.enqueue_dma source(%dma_start3A_148 : memref<10000xi32, #tpu.memory_space<hbm>>) target(%arg6 : memref<10000xi32, #tpu.memory_space<vmem>>) target_semaphore(%run_scoped3A_144 : memref<!tpu.dma_semaphore, #tpu.memory_space<semaphore_mem>>)
      %dma_wait3A_149 = tpu.memref_slice %arg3[%run_scoped3A, %mul3A_2] : memref<2x320000xi32, #tpu.memory_space<hbm>> -> memref<1x10000xi32, #tpu.memory_space<hbm>>
      %dma_wait3A_150 = tpu.memref_squeeze %dma_wait3A_149 : memref<1x10000xi32, #tpu.memory_space<hbm>> -> memref<10000xi32, #tpu.memory_space<hbm>>
      %dma_wait3A_151 = tpu.memref_slice %arg3[%run_scoped3A, %mul3A_2] : memref<2x320000xi32, #tpu.memory_space<hbm>> -> memref<1x10000xi32, #tpu.memory_space<hbm>>
      %dma_wait3A_152 = tpu.memref_squeeze %dma_wait3A_151 : memref<1x10000xi32, #tpu.memory_space<hbm>> -> memref<10000xi32, #tpu.memory_space<hbm>>
      tpu.wait_dma2 semaphore(%run_scoped3A_144 : memref<!tpu.dma_semaphore, #tpu.memory_space<semaphore_mem>>) src(%dma_wait3A_152 : memref<10000xi32, #tpu.memory_space<hbm>>) dst(%arg6 : memref<10000xi32, #tpu.memory_space<vmem>>)
      tpu.yield
    }) : () -> ()
    %run_scoped3A_3 = arith.constant 1 : i32
    "tpu.region"() ({
      %run_scoped3A_144 = tpu.sem_alloc : memref<!tpu.dma_semaphore, #tpu.memory_space<semaphore_mem>>
      %dma_start3A_145 = tpu.memref_slice %arg3[%run_scoped3A_3, %mul3A_2] : memref<2x320000xi32, #tpu.memory_space<hbm>> -> memref<1x10000xi32, #tpu.memory_space<hbm>>
      %dma_start3A_146 = tpu.memref_squeeze %dma_start3A_145 : memref<1x10000xi32, #tpu.memory_space<hbm>> -> memref<10000xi32, #tpu.memory_space<hbm>>
      %dma_start3A_147 = tpu.memref_slice %arg3[%run_scoped3A_3, %mul3A_2] : memref<2x320000xi32, #tpu.memory_space<hbm>> -> memref<1x10000xi32, #tpu.memory_space<hbm>>
      %dma_start3A_148 = tpu.memref_squeeze %dma_start3A_147 : memref<1x10000xi32, #tpu.memory_space<hbm>> -> memref<10000xi32, #tpu.memory_space<hbm>>
      tpu.enqueue_dma source(%dma_start3A_148 : memref<10000xi32, #tpu.memory_space<hbm>>) target(%arg7 : memref<10000xi32, #tpu.memory_space<vmem>>) target_semaphore(%run_scoped3A_144 : memref<!tpu.dma_semaphore, #tpu.memory_space<semaphore_mem>>)
      %dma_wait3A_149 = tpu.memref_slice %arg3[%run_scoped3A_3, %mul3A_2] : memref<2x320000xi32, #tpu.memory_space<hbm>> -> memref<1x10000xi32, #tpu.memory_space<hbm>>
      %dma_wait3A_150 = tpu.memref_squeeze %dma_wait3A_149 : memref<1x10000xi32, #tpu.memory_space<hbm>> -> memref<10000xi32, #tpu.memory_space<hbm>>
      %dma_wait3A_151 = tpu.memref_slice %arg3[%run_scoped3A_3, %mul3A_2] : memref<2x320000xi32, #tpu.memory_space<hbm>> -> memref<1x10000xi32, #tpu.memory_space<hbm>>
      %dma_wait3A_152 = tpu.memref_squeeze %dma_wait3A_151 : memref<1x10000xi32, #tpu.memory_space<hbm>> -> memref<10000xi32, #tpu.memory_space<hbm>>
      tpu.wait_dma2 semaphore(%run_scoped3A_144 : memref<!tpu.dma_semaphore, #tpu.memory_space<semaphore_mem>>) src(%dma_wait3A_152 : memref<10000xi32, #tpu.memory_space<hbm>>) dst(%arg7 : memref<10000xi32, #tpu.memory_space<vmem>>)
      tpu.yield
    }) : () -> ()
    %mul3A_4 = arith.constant 640 : i32
    %mul3A_5 = arith.muli %arg1, %mul3A_4 : i32
    "tpu.region"() ({
      %run_scoped3A_144 = tpu.sem_alloc : memref<!tpu.dma_semaphore, #tpu.memory_space<semaphore_mem>>
      %dma_start3A_145 = arith.constant 0 : i32
      %dma_start3A_146 = tpu.memref_slice %arg24[%mul3A_5, %dma_start3A_145] : memref<10240x16xf32, #tpu.memory_space<vmem_shared>> -> memref<640x16xf32, #tpu.memory_space<vmem_shared>>
      tpu.enqueue_dma source(%arg4 : memref<640x16xf32, #tpu.memory_space<hbm>>) target(%dma_start3A_146 : memref<640x16xf32, #tpu.memory_space<vmem_shared>>) target_semaphore(%run_scoped3A_144 : memref<!tpu.dma_semaphore, #tpu.memory_space<semaphore_mem>>)
      %dma_wait3A_147 = arith.constant 0 : i32
      %dma_wait3A_148 = tpu.memref_slice %arg24[%mul3A_5, %dma_wait3A_147] : memref<10240x16xf32, #tpu.memory_space<vmem_shared>> -> memref<640x16xf32, #tpu.memory_space<vmem_shared>>
      tpu.wait_dma2 semaphore(%run_scoped3A_144 : memref<!tpu.dma_semaphore, #tpu.memory_space<semaphore_mem>>) src(%arg4 : memref<640x16xf32, #tpu.memory_space<hbm>>) dst(%dma_wait3A_148 : memref<640x16xf32, #tpu.memory_space<vmem_shared>>)
      tpu.yield
    }) : () -> ()
    %barrier3A = arith.constant 0 : index
    tpu.barrier barrier_id(%barrier3A)
    %dma_start3A = arith.constant 0 : i32
    %dma_start3A_6 = tpu.memref_slice %arg6[%dma_start3A] : memref<10000xi32, #tpu.memory_space<vmem>> -> memref<128xi32, #tpu.memory_space<vmem>>
    %dma_start3A_7 = arith.constant 0 : i32
    %dma_start3A_8 = arith.constant 0 : i32
    %dma_start3A_9 = tpu.memref_slice %arg2[%dma_start3A_7, %dma_start3A_8] : memref<10240x16xf32, #tpu.memory_space<hbm>> -> memref<10240x16xf32, #tpu.memory_space<hbm>>
    tpu.enqueue_indirect_dma source(%dma_start3A_9 : memref<10240x16xf32, #tpu.memory_space<hbm>>) target(%arg11 : memref<128x16xf32, #tpu.memory_space<vmem>>) offsets(%dma_start3A_6 : memref<128xi32, #tpu.memory_space<vmem>>) semaphore(%arg16 : memref<!tpu.dma_semaphore, #tpu.memory_space<semaphore_mem>>)
    %dma_start3A_10 = arith.constant 128 : i32
    %dma_start3A_11 = tpu.memref_slice %arg6[%dma_start3A_10] : memref<10000xi32, #tpu.memory_space<vmem>> -> memref<128xi32, #tpu.memory_space<vmem>>
    %dma_start3A_12 = arith.constant 0 : i32
    %dma_start3A_13 = arith.constant 0 : i32
    %dma_start3A_14 = tpu.memref_slice %arg2[%dma_start3A_12, %dma_start3A_13] : memref<10240x16xf32, #tpu.memory_space<hbm>> -> memref<10240x16xf32, #tpu.memory_space<hbm>>
    tpu.enqueue_indirect_dma source(%dma_start3A_14 : memref<10240x16xf32, #tpu.memory_space<hbm>>) target(%arg12 : memref<128x16xf32, #tpu.memory_space<vmem>>) offsets(%dma_start3A_11 : memref<128xi32, #tpu.memory_space<vmem>>) semaphore(%arg17 : memref<!tpu.dma_semaphore, #tpu.memory_space<semaphore_mem>>)
    %scan3A = arith.constant 0 : i32
    %scan3A_15 = arith.constant 0 : i32
    %scan3A_16 = arith.constant 19 : i32
    %scan3A_17 = arith.addi %scan3A_15, %scan3A_16 : i32
    %scan3A_18 = arith.constant 1 : i32
    scf.for %scan3A_144 = %scan3A_15 to %scan3A_17 step %scan3A_18  : i32 {
      %mul3A_145 = arith.constant 4 : i32
      %mul3A_146 = arith.muli %mul3A_145, %scan3A_144 : i32
      %add3A_147 = arith.constant 0 : i32
      %add3A_148 = arith.addi %mul3A_146, %add3A_147 : i32
      %mul3A_149 = arith.constant 128 : i32
      %mul3A_150 = arith.muli %add3A_148, %mul3A_149 : i32
      %add3A_151 = arith.constant 0 : i32
      %add3A_152 = arith.addi %mul3A_150, %add3A_151 : i32
      %get3A_153 = arith.index_cast %add3A_152 : i32 to index
      %get3A_154 = tpu.vector_load %arg7[%get3A_153] {strides = array<i32>} : memref<10000xi32, #tpu.memory_space<vmem>>, vector<16xi32>,
      %swap3A_155 = arith.constant 0 : index
      %swap3A_156 = tpu.vector_load %arg8[%swap3A_155] {strides = array<i32>} : memref<128xi32, #tpu.memory_space<vmem>>, vector<16xi32>,
      tpu.vector_store %arg8[%swap3A_155], %get3A_154 {strides = array<i32>} : memref<128xi32, #tpu.memory_space<vmem>>, vector<16xi32>,
      %add3A_157 = arith.constant 16 : i32
      %add3A_158 = arith.addi %mul3A_150, %add3A_157 : i32
      %get3A_159 = arith.index_cast %add3A_158 : i32 to index
      %get3A_160 = tpu.vector_load %arg7[%get3A_159] {strides = array<i32>} : memref<10000xi32, #tpu.memory_space<vmem>>, vector<16xi32>,
      %swap3A_161 = arith.constant 16 : index
      %swap3A_162 = tpu.vector_load %arg8[%swap3A_161] {strides = array<i32>} : memref<128xi32, #tpu.memory_space<vmem>>, vector<16xi32>,
      tpu.vector_store %arg8[%swap3A_161], %get3A_160 {strides = array<i32>} : memref<128xi32, #tpu.memory_space<vmem>>, vector<16xi32>,
      %add3A_163 = arith.constant 32 : i32
      %add3A_164 = arith.addi %mul3A_150, %add3A_163 : i32
      %get3A_165 = arith.index_cast %add3A_164 : i32 to index
      %get3A_166 = tpu.vector_load %arg7[%get3A_165] {strides = array<i32>} : memref<10000xi32, #tpu.memory_space<vmem>>, vector<16xi32>,
      %swap3A_167 = arith.constant 32 : index
      %swap3A_168 = tpu.vector_load %arg8[%swap3A_167] {strides = array<i32>} : memref<128xi32, #tpu.memory_space<vmem>>, vector<16xi32>,
      tpu.vector_store %arg8[%swap3A_167], %get3A_166 {strides = array<i32>} : memref<128xi32, #tpu.memory_space<vmem>>, vector<16xi32>,
      %add3A_169 = arith.constant 48 : i32
      %add3A_170 = arith.addi %mul3A_150, %add3A_169 : i32
      %get3A_171 = arith.index_cast %add3A_170 : i32 to index
      %get3A_172 = tpu.vector_load %arg7[%get3A_171] {strides = array<i32>} : memref<10000xi32, #tpu.memory_space<vmem>>, vector<16xi32>,
      %swap3A_173 = arith.constant 48 : index
      %swap3A_174 = tpu.vector_load %arg8[%swap3A_173] {strides = array<i32>} : memref<128xi32, #tpu.memory_space<vmem>>, vector<16xi32>,
      tpu.vector_store %arg8[%swap3A_173], %get3A_172 {strides = array<i32>} : memref<128xi32, #tpu.memory_space<vmem>>, vector<16xi32>,
      %add3A_175 = arith.constant 64 : i32
      %add3A_176 = arith.addi %mul3A_150, %add3A_175 : i32
      %get3A_177 = arith.index_cast %add3A_176 : i32 to index
      %get3A_178 = tpu.vector_load %arg7[%get3A_177] {strides = array<i32>} : memref<10000xi32, #tpu.memory_space<vmem>>, vector<16xi32>,
      %swap3A_179 = arith.constant 64 : index
      %swap3A_180 = tpu.vector_load %arg8[%swap3A_179] {strides = array<i32>} : memref<128xi32, #tpu.memory_space<vmem>>, vector<16xi32>,
      tpu.vector_store %arg8[%swap3A_179], %get3A_178 {strides = array<i32>} : memref<128xi32, #tpu.memory_space<vmem>>, vector<16xi32>,
      %add3A_181 = arith.constant 80 : i32
      %add3A_182 = arith.addi %mul3A_150, %add3A_181 : i32
      %get3A_183 = arith.index_cast %add3A_182 : i32 to index
      %get3A_184 = tpu.vector_load %arg7[%get3A_183] {strides = array<i32>} : memref<10000xi32, #tpu.memory_space<vmem>>, vector<16xi32>,
      %swap3A_185 = arith.constant 80 : index
      %swap3A_186 = tpu.vector_load %arg8[%swap3A_185] {strides = array<i32>} : memref<128xi32, #tpu.memory_space<vmem>>, vector<16xi32>,
      tpu.vector_store %arg8[%swap3A_185], %get3A_184 {strides = array<i32>} : memref<128xi32, #tpu.memory_space<vmem>>, vector<16xi32>,
      %add3A_187 = arith.constant 96 : i32
      %add3A_188 = arith.addi %mul3A_150, %add3A_187 : i32
      %get3A_189 = arith.index_cast %add3A_188 : i32 to index
      %get3A_190 = tpu.vector_load %arg7[%get3A_189] {strides = array<i32>} : memref<10000xi32, #tpu.memory_space<vmem>>, vector<16xi32>,
      %swap3A_191 = arith.constant 96 : index
      %swap3A_192 = tpu.vector_load %arg8[%swap3A_191] {strides = array<i32>} : memref<128xi32, #tpu.memory_space<vmem>>, vector<16xi32>,
      tpu.vector_store %arg8[%swap3A_191], %get3A_190 {strides = array<i32>} : memref<128xi32, #tpu.memory_space<vmem>>, vector<16xi32>,
      %add3A_193 = arith.constant 112 : i32
      %add3A_194 = arith.addi %mul3A_150, %add3A_193 : i32
      %get3A_195 = arith.index_cast %add3A_194 : i32 to index
      %get3A_196 = tpu.vector_load %arg7[%get3A_195] {strides = array<i32>} : memref<10000xi32, #tpu.memory_space<vmem>>, vector<16xi32>,
      %swap3A_197 = arith.constant 112 : index
      %swap3A_198 = tpu.vector_load %arg8[%swap3A_197] {strides = array<i32>} : memref<128xi32, #tpu.memory_space<vmem>>, vector<16xi32>,
      tpu.vector_store %arg8[%swap3A_197], %get3A_196 {strides = array<i32>} : memref<128xi32, #tpu.memory_space<vmem>>, vector<16xi32>,
      %mul3A_199 = arith.constant 128 : i32
      %mul3A_200 = arith.muli %add3A_148, %mul3A_199 : i32
      %dma_wait3A_201 = tpu.memref_slice %arg6[%mul3A_200] : memref<10000xi32, #tpu.memory_space<vmem>> -> memref<128xi32, #tpu.memory_space<vmem>>
      %dma_wait3A_202 = arith.constant 0 : i32
      %dma_wait3A_203 = arith.constant 0 : i32
      %dma_wait3A_204 = tpu.memref_slice %arg2[%dma_wait3A_202, %dma_wait3A_203] : memref<10240x16xf32, #tpu.memory_space<hbm>> -> memref<10240x16xf32, #tpu.memory_space<hbm>>
      tpu.wait_indirect_dma semaphore(%arg16 : memref<!tpu.dma_semaphore, #tpu.memory_space<semaphore_mem>>) src(%dma_wait3A_204 : memref<10240x16xf32, #tpu.memory_space<hbm>>) dst(%arg11 : memref<128x16xf32, #tpu.memory_space<vmem>>)
      %dma_start3A_205 = arith.constant 0 : i32
      %dma_start3A_206 = arith.constant 0 : i32
      %dma_start3A_207 = tpu.memref_slice %arg24[%dma_start3A_205, %dma_start3A_206] : memref<10240x16xf32, #tpu.memory_space<vmem_shared>> -> memref<10240x16xf32, #tpu.memory_space<vmem_shared>>
      tpu.enqueue_indirect_dma source(%arg11 : memref<128x16xf32, #tpu.memory_space<vmem>>) target(%dma_start3A_207 : memref<10240x16xf32, #tpu.memory_space<vmem_shared>>) offsets(%arg8 : memref<128xi32, #tpu.memory_space<vmem>>) semaphore(%arg20 : memref<!tpu.dma_semaphore, #tpu.memory_space<semaphore_mem>>) {add = true}
      %gt3A = arith.constant 0 : i32
      %gt3A_208 = arith.cmpi sgt, %scan3A_144, %gt3A : i32
      %convert_element_type3A = arith.extui %gt3A_208 : i1 to i32
      %cond3A = arith.constant 0 : i32
      %cond3A_209 = arith.cmpi ne, %convert_element_type3A, %cond3A : i32
      scf.if %cond3A_209 {
        %dma_wait3A_434 = arith.constant 0 : i32
        %dma_wait3A_435 = arith.constant 0 : i32
        %dma_wait3A_436 = tpu.memref_slice %arg24[%dma_wait3A_434, %dma_wait3A_435] : memref<10240x16xf32, #tpu.memory_space<vmem_shared>> -> memref<10240x16xf32, #tpu.memory_space<vmem_shared>>
        tpu.wait_indirect_dma semaphore(%arg23 : memref<!tpu.dma_semaphore, #tpu.memory_space<semaphore_mem>>) src(%arg14 : memref<128x16xf32, #tpu.memory_space<vmem>>) dst(%dma_wait3A_436 : memref<10240x16xf32, #tpu.memory_space<vmem_shared>>)
      } else {
      }
      %add3A_210 = arith.constant 2 : i32
      %add3A_211 = arith.addi %add3A_148, %add3A_210 : i32
      %mul3A_212 = arith.constant 128 : i32
      %mul3A_213 = arith.muli %add3A_211, %mul3A_212 : i32
      %dma_start3A_214 = tpu.memref_slice %arg6[%mul3A_213] : memref<10000xi32, #tpu.memory_space<vmem>> -> memref<128xi32, #tpu.memory_space<vmem>>
      %dma_start3A_215 = arith.constant 0 : i32
      %dma_start3A_216 = arith.constant 0 : i32
      %dma_start3A_217 = tpu.memref_slice %arg2[%dma_start3A_215, %dma_start3A_216] : memref<10240x16xf32, #tpu.memory_space<hbm>> -> memref<10240x16xf32, #tpu.memory_space<hbm>>
      tpu.enqueue_indirect_dma source(%dma_start3A_217 : memref<10240x16xf32, #tpu.memory_space<hbm>>) target(%arg13 : memref<128x16xf32, #tpu.memory_space<vmem>>) offsets(%dma_start3A_214 : memref<128xi32, #tpu.memory_space<vmem>>) semaphore(%arg18 : memref<!tpu.dma_semaphore, #tpu.memory_space<semaphore_mem>>)
      %add3A_218 = arith.constant 1 : i32
      %add3A_219 = arith.addi %mul3A_146, %add3A_218 : i32
      %mul3A_220 = arith.constant 128 : i32
      %mul3A_221 = arith.muli %add3A_219, %mul3A_220 : i32
      %add3A_222 = arith.constant 0 : i32
      %add3A_223 = arith.addi %mul3A_221, %add3A_222 : i32
      %get3A_224 = arith.index_cast %add3A_223 : i32 to index
      %get3A_225 = tpu.vector_load %arg7[%get3A_224] {strides = array<i32>} : memref<10000xi32, #tpu.memory_space<vmem>>, vector<16xi32>,
      %swap3A_226 = arith.constant 0 : index
      %swap3A_227 = tpu.vector_load %arg9[%swap3A_226] {strides = array<i32>} : memref<128xi32, #tpu.memory_space<vmem>>, vector<16xi32>,
      tpu.vector_store %arg9[%swap3A_226], %get3A_225 {strides = array<i32>} : memref<128xi32, #tpu.memory_space<vmem>>, vector<16xi32>,
      %add3A_228 = arith.constant 16 : i32
      %add3A_229 = arith.addi %mul3A_221, %add3A_228 : i32
      %get3A_230 = arith.index_cast %add3A_229 : i32 to index
      %get3A_231 = tpu.vector_load %arg7[%get3A_230] {strides = array<i32>} : memref<10000xi32, #tpu.memory_space<vmem>>, vector<16xi32>,
      %swap3A_232 = arith.constant 16 : index
      %swap3A_233 = tpu.vector_load %arg9[%swap3A_232] {strides = array<i32>} : memref<128xi32, #tpu.memory_space<vmem>>, vector<16xi32>,
      tpu.vector_store %arg9[%swap3A_232], %get3A_231 {strides = array<i32>} : memref<128xi32, #tpu.memory_space<vmem>>, vector<16xi32>,
      %add3A_234 = arith.constant 32 : i32
      %add3A_235 = arith.addi %mul3A_221, %add3A_234 : i32
      %get3A_236 = arith.index_cast %add3A_235 : i32 to index
      %get3A_237 = tpu.vector_load %arg7[%get3A_236] {strides = array<i32>} : memref<10000xi32, #tpu.memory_space<vmem>>, vector<16xi32>,
      %swap3A_238 = arith.constant 32 : index
      %swap3A_239 = tpu.vector_load %arg9[%swap3A_238] {strides = array<i32>} : memref<128xi32, #tpu.memory_space<vmem>>, vector<16xi32>,
      tpu.vector_store %arg9[%swap3A_238], %get3A_237 {strides = array<i32>} : memref<128xi32, #tpu.memory_space<vmem>>, vector<16xi32>,
      %add3A_240 = arith.constant 48 : i32
      %add3A_241 = arith.addi %mul3A_221, %add3A_240 : i32
      %get3A_242 = arith.index_cast %add3A_241 : i32 to index
      %get3A_243 = tpu.vector_load %arg7[%get3A_242] {strides = array<i32>} : memref<10000xi32, #tpu.memory_space<vmem>>, vector<16xi32>,
      %swap3A_244 = arith.constant 48 : index
      %swap3A_245 = tpu.vector_load %arg9[%swap3A_244] {strides = array<i32>} : memref<128xi32, #tpu.memory_space<vmem>>, vector<16xi32>,
      tpu.vector_store %arg9[%swap3A_244], %get3A_243 {strides = array<i32>} : memref<128xi32, #tpu.memory_space<vmem>>, vector<16xi32>,
      %add3A_246 = arith.constant 64 : i32
      %add3A_247 = arith.addi %mul3A_221, %add3A_246 : i32
      %get3A_248 = arith.index_cast %add3A_247 : i32 to index
      %get3A_249 = tpu.vector_load %arg7[%get3A_248] {strides = array<i32>} : memref<10000xi32, #tpu.memory_space<vmem>>, vector<16xi32>,
      %swap3A_250 = arith.constant 64 : index
      %swap3A_251 = tpu.vector_load %arg9[%swap3A_250] {strides = array<i32>} : memref<128xi32, #tpu.memory_space<vmem>>, vector<16xi32>,
      tpu.vector_store %arg9[%swap3A_250], %get3A_249 {strides = array<i32>} : memref<128xi32, #tpu.memory_space<vmem>>, vector<16xi32>,
      %add3A_252 = arith.constant 80 : i32
      %add3A_253 = arith.addi %mul3A_221, %add3A_252 : i32
      %get3A_254 = arith.index_cast %add3A_253 : i32 to index
      %get3A_255 = tpu.vector_load %arg7[%get3A_254] {strides = array<i32>} : memref<10000xi32, #tpu.memory_space<vmem>>, vector<16xi32>,
      %swap3A_256 = arith.constant 80 : index
      %swap3A_257 = tpu.vector_load %arg9[%swap3A_256] {strides = array<i32>} : memref<128xi32, #tpu.memory_space<vmem>>, vector<16xi32>,
      tpu.vector_store %arg9[%swap3A_256], %get3A_255 {strides = array<i32>} : memref<128xi32, #tpu.memory_space<vmem>>, vector<16xi32>,
      %add3A_258 = arith.constant 96 : i32
      %add3A_259 = arith.addi %mul3A_221, %add3A_258 : i32
      %get3A_260 = arith.index_cast %add3A_259 : i32 to index
      %get3A_261 = tpu.vector_load %arg7[%get3A_260] {strides = array<i32>} : memref<10000xi32, #tpu.memory_space<vmem>>, vector<16xi32>,
      %swap3A_262 = arith.constant 96 : index
      %swap3A_263 = tpu.vector_load %arg9[%swap3A_262] {strides = array<i32>} : memref<128xi32, #tpu.memory_space<vmem>>, vector<16xi32>,
      tpu.vector_store %arg9[%swap3A_262], %get3A_261 {strides = array<i32>} : memref<128xi32, #tpu.memory_space<vmem>>, vector<16xi32>,
      %add3A_264 = arith.constant 112 : i32
      %add3A_265 = arith.addi %mul3A_221, %add3A_264 : i32
      %get3A_266 = arith.index_cast %add3A_265 : i32 to index
      %get3A_267 = tpu.vector_load %arg7[%get3A_266] {strides = array<i32>} : memref<10000xi32, #tpu.memory_space<vmem>>, vector<16xi32>,
      %swap3A_268 = arith.constant 112 : index
      %swap3A_269 = tpu.vector_load %arg9[%swap3A_268] {strides = array<i32>} : memref<128xi32, #tpu.memory_space<vmem>>, vector<16xi32>,
      tpu.vector_store %arg9[%swap3A_268], %get3A_267 {strides = array<i32>} : memref<128xi32, #tpu.memory_space<vmem>>, vector<16xi32>,
      %mul3A_270 = arith.constant 128 : i32
      %mul3A_271 = arith.muli %add3A_219, %mul3A_270 : i32
      %dma_wait3A_272 = tpu.memref_slice %arg6[%mul3A_271] : memref<10000xi32, #tpu.memory_space<vmem>> -> memref<128xi32, #tpu.memory_space<vmem>>
      %dma_wait3A_273 = arith.constant 0 : i32
      %dma_wait3A_274 = arith.constant 0 : i32
      %dma_wait3A_275 = tpu.memref_slice %arg2[%dma_wait3A_273, %dma_wait3A_274] : memref<10240x16xf32, #tpu.memory_space<hbm>> -> memref<10240x16xf32, #tpu.memory_space<hbm>>
      tpu.wait_indirect_dma semaphore(%arg17 : memref<!tpu.dma_semaphore, #tpu.memory_space<semaphore_mem>>) src(%dma_wait3A_275 : memref<10240x16xf32, #tpu.memory_space<hbm>>) dst(%arg12 : memref<128x16xf32, #tpu.memory_space<vmem>>)
      %dma_start3A_276 = arith.constant 0 : i32
      %dma_start3A_277 = arith.constant 0 : i32
      %dma_start3A_278 = tpu.memref_slice %arg24[%dma_start3A_276, %dma_start3A_277] : memref<10240x16xf32, #tpu.memory_space<vmem_shared>> -> memref<10240x16xf32, #tpu.memory_space<vmem_shared>>
      tpu.enqueue_indirect_dma source(%arg12 : memref<128x16xf32, #tpu.memory_space<vmem>>) target(%dma_start3A_278 : memref<10240x16xf32, #tpu.memory_space<vmem_shared>>) offsets(%arg9 : memref<128xi32, #tpu.memory_space<vmem>>) semaphore(%arg21 : memref<!tpu.dma_semaphore, #tpu.memory_space<semaphore_mem>>) {add = true}
      %dma_wait3A_279 = arith.constant 0 : i32
      %dma_wait3A_280 = arith.constant 0 : i32
      %dma_wait3A_281 = tpu.memref_slice %arg24[%dma_wait3A_279, %dma_wait3A_280] : memref<10240x16xf32, #tpu.memory_space<vmem_shared>> -> memref<10240x16xf32, #tpu.memory_space<vmem_shared>>
      tpu.wait_indirect_dma semaphore(%arg20 : memref<!tpu.dma_semaphore, #tpu.memory_space<semaphore_mem>>) src(%arg11 : memref<128x16xf32, #tpu.memory_space<vmem>>) dst(%dma_wait3A_281 : memref<10240x16xf32, #tpu.memory_space<vmem_shared>>)
      %add3A_282 = arith.constant 2 : i32
      %add3A_283 = arith.addi %add3A_219, %add3A_282 : i32
      %mul3A_284 = arith.constant 128 : i32
      %mul3A_285 = arith.muli %add3A_283, %mul3A_284 : i32
      %dma_start3A_286 = tpu.memref_slice %arg6[%mul3A_285] : memref<10000xi32, #tpu.memory_space<vmem>> -> memref<128xi32, #tpu.memory_space<vmem>>
      %dma_start3A_287 = arith.constant 0 : i32
      %dma_start3A_288 = arith.constant 0 : i32
      %dma_start3A_289 = tpu.memref_slice %arg2[%dma_start3A_287, %dma_start3A_288] : memref<10240x16xf32, #tpu.memory_space<hbm>> -> memref<10240x16xf32, #tpu.memory_space<hbm>>
      tpu.enqueue_indirect_dma source(%dma_start3A_289 : memref<10240x16xf32, #tpu.memory_space<hbm>>) target(%arg14 : memref<128x16xf32, #tpu.memory_space<vmem>>) offsets(%dma_start3A_286 : memref<128xi32, #tpu.memory_space<vmem>>) semaphore(%arg19 : memref<!tpu.dma_semaphore, #tpu.memory_space<semaphore_mem>>)
      %add3A_290 = arith.constant 2 : i32
      %add3A_291 = arith.addi %mul3A_146, %add3A_290 : i32
      %mul3A_292 = arith.constant 128 : i32
      %mul3A_293 = arith.muli %add3A_291, %mul3A_292 : i32
      %add3A_294 = arith.constant 0 : i32
      %add3A_295 = arith.addi %mul3A_293, %add3A_294 : i32
      %get3A_296 = arith.index_cast %add3A_295 : i32 to index
      %get3A_297 = tpu.vector_load %arg7[%get3A_296] {strides = array<i32>} : memref<10000xi32, #tpu.memory_space<vmem>>, vector<16xi32>,
      %swap3A_298 = arith.constant 0 : index
      %swap3A_299 = tpu.vector_load %arg8[%swap3A_298] {strides = array<i32>} : memref<128xi32, #tpu.memory_space<vmem>>, vector<16xi32>,
      tpu.vector_store %arg8[%swap3A_298], %get3A_297 {strides = array<i32>} : memref<128xi32, #tpu.memory_space<vmem>>, vector<16xi32>,
      %add3A_300 = arith.constant 16 : i32
      %add3A_301 = arith.addi %mul3A_293, %add3A_300 : i32
      %get3A_302 = arith.index_cast %add3A_301 : i32 to index
      %get3A_303 = tpu.vector_load %arg7[%get3A_302] {strides = array<i32>} : memref<10000xi32, #tpu.memory_space<vmem>>, vector<16xi32>,
      %swap3A_304 = arith.constant 16 : index
      %swap3A_305 = tpu.vector_load %arg8[%swap3A_304] {strides = array<i32>} : memref<128xi32, #tpu.memory_space<vmem>>, vector<16xi32>,
      tpu.vector_store %arg8[%swap3A_304], %get3A_303 {strides = array<i32>} : memref<128xi32, #tpu.memory_space<vmem>>, vector<16xi32>,
      %add3A_306 = arith.constant 32 : i32
      %add3A_307 = arith.addi %mul3A_293, %add3A_306 : i32
      %get3A_308 = arith.index_cast %add3A_307 : i32 to index
      %get3A_309 = tpu.vector_load %arg7[%get3A_308] {strides = array<i32>} : memref<10000xi32, #tpu.memory_space<vmem>>, vector<16xi32>,
      %swap3A_310 = arith.constant 32 : index
      %swap3A_311 = tpu.vector_load %arg8[%swap3A_310] {strides = array<i32>} : memref<128xi32, #tpu.memory_space<vmem>>, vector<16xi32>,
      tpu.vector_store %arg8[%swap3A_310], %get3A_309 {strides = array<i32>} : memref<128xi32, #tpu.memory_space<vmem>>, vector<16xi32>,
      %add3A_312 = arith.constant 48 : i32
      %add3A_313 = arith.addi %mul3A_293, %add3A_312 : i32
      %get3A_314 = arith.index_cast %add3A_313 : i32 to index
      %get3A_315 = tpu.vector_load %arg7[%get3A_314] {strides = array<i32>} : memref<10000xi32, #tpu.memory_space<vmem>>, vector<16xi32>,
      %swap3A_316 = arith.constant 48 : index
      %swap3A_317 = tpu.vector_load %arg8[%swap3A_316] {strides = array<i32>} : memref<128xi32, #tpu.memory_space<vmem>>, vector<16xi32>,
      tpu.vector_store %arg8[%swap3A_316], %get3A_315 {strides = array<i32>} : memref<128xi32, #tpu.memory_space<vmem>>, vector<16xi32>,
      %add3A_318 = arith.constant 64 : i32
      %add3A_319 = arith.addi %mul3A_293, %add3A_318 : i32
      %get3A_320 = arith.index_cast %add3A_319 : i32 to index
      %get3A_321 = tpu.vector_load %arg7[%get3A_320] {strides = array<i32>} : memref<10000xi32, #tpu.memory_space<vmem>>, vector<16xi32>,
      %swap3A_322 = arith.constant 64 : index
      %swap3A_323 = tpu.vector_load %arg8[%swap3A_322] {strides = array<i32>} : memref<128xi32, #tpu.memory_space<vmem>>, vector<16xi32>,
      tpu.vector_store %arg8[%swap3A_322], %get3A_321 {strides = array<i32>} : memref<128xi32, #tpu.memory_space<vmem>>, vector<16xi32>,
      %add3A_324 = arith.constant 80 : i32
      %add3A_325 = arith.addi %mul3A_293, %add3A_324 : i32
      %get3A_326 = arith.index_cast %add3A_325 : i32 to index
      %get3A_327 = tpu.vector_load %arg7[%get3A_326] {strides = array<i32>} : memref<10000xi32, #tpu.memory_space<vmem>>, vector<16xi32>,
      %swap3A_328 = arith.constant 80 : index
      %swap3A_329 = tpu.vector_load %arg8[%swap3A_328] {strides = array<i32>} : memref<128xi32, #tpu.memory_space<vmem>>, vector<16xi32>,
      tpu.vector_store %arg8[%swap3A_328], %get3A_327 {strides = array<i32>} : memref<128xi32, #tpu.memory_space<vmem>>, vector<16xi32>,
      %add3A_330 = arith.constant 96 : i32
      %add3A_331 = arith.addi %mul3A_293, %add3A_330 : i32
      %get3A_332 = arith.index_cast %add3A_331 : i32 to index
      %get3A_333 = tpu.vector_load %arg7[%get3A_332] {strides = array<i32>} : memref<10000xi32, #tpu.memory_space<vmem>>, vector<16xi32>,
      %swap3A_334 = arith.constant 96 : index
      %swap3A_335 = tpu.vector_load %arg8[%swap3A_334] {strides = array<i32>} : memref<128xi32, #tpu.memory_space<vmem>>, vector<16xi32>,
      tpu.vector_store %arg8[%swap3A_334], %get3A_333 {strides = array<i32>} : memref<128xi32, #tpu.memory_space<vmem>>, vector<16xi32>,
      %add3A_336 = arith.constant 112 : i32
      %add3A_337 = arith.addi %mul3A_293, %add3A_336 : i32
      %get3A_338 = arith.index_cast %add3A_337 : i32 to index
      %get3A_339 = tpu.vector_load %arg7[%get3A_338] {strides = array<i32>} : memref<10000xi32, #tpu.memory_space<vmem>>, vector<16xi32>,
      %swap3A_340 = arith.constant 112 : index
      %swap3A_341 = tpu.vector_load %arg8[%swap3A_340] {strides = array<i32>} : memref<128xi32, #tpu.memory_space<vmem>>, vector<16xi32>,
      tpu.vector_store %arg8[%swap3A_340], %get3A_339 {strides = array<i32>} : memref<128xi32, #tpu.memory_space<vmem>>, vector<16xi32>,
      %mul3A_342 = arith.constant 128 : i32
      %mul3A_343 = arith.muli %add3A_291, %mul3A_342 : i32
      %dma_wait3A_344 = tpu.memref_slice %arg6[%mul3A_343] : memref<10000xi32, #tpu.memory_space<vmem>> -> memref<128xi32, #tpu.memory_space<vmem>>
      %dma_wait3A_345 = arith.constant 0 : i32
      %dma_wait3A_346 = arith.constant 0 : i32
      %dma_wait3A_347 = tpu.memref_slice %arg2[%dma_wait3A_345, %dma_wait3A_346] : memref<10240x16xf32, #tpu.memory_space<hbm>> -> memref<10240x16xf32, #tpu.memory_space<hbm>>
      tpu.wait_indirect_dma semaphore(%arg18 : memref<!tpu.dma_semaphore, #tpu.memory_space<semaphore_mem>>) src(%dma_wait3A_347 : memref<10240x16xf32, #tpu.memory_space<hbm>>) dst(%arg13 : memref<128x16xf32, #tpu.memory_space<vmem>>)
      %dma_start3A_348 = arith.constant 0 : i32
      %dma_start3A_349 = arith.constant 0 : i32
      %dma_start3A_350 = tpu.memref_slice %arg24[%dma_start3A_348, %dma_start3A_349] : memref<10240x16xf32, #tpu.memory_space<vmem_shared>> -> memref<10240x16xf32, #tpu.memory_space<vmem_shared>>
      tpu.enqueue_indirect_dma source(%arg13 : memref<128x16xf32, #tpu.memory_space<vmem>>) target(%dma_start3A_350 : memref<10240x16xf32, #tpu.memory_space<vmem_shared>>) offsets(%arg8 : memref<128xi32, #tpu.memory_space<vmem>>) semaphore(%arg22 : memref<!tpu.dma_semaphore, #tpu.memory_space<semaphore_mem>>) {add = true}
      %dma_wait3A_351 = arith.constant 0 : i32
      %dma_wait3A_352 = arith.constant 0 : i32
      %dma_wait3A_353 = tpu.memref_slice %arg24[%dma_wait3A_351, %dma_wait3A_352] : memref<10240x16xf32, #tpu.memory_space<vmem_shared>> -> memref<10240x16xf32, #tpu.memory_space<vmem_shared>>
      tpu.wait_indirect_dma semaphore(%arg21 : memref<!tpu.dma_semaphore, #tpu.memory_space<semaphore_mem>>) src(%arg12 : memref<128x16xf32, #tpu.memory_space<vmem>>) dst(%dma_wait3A_353 : memref<10240x16xf32, #tpu.memory_space<vmem_shared>>)
      %add3A_354 = arith.constant 2 : i32
      %add3A_355 = arith.addi %add3A_291, %add3A_354 : i32
      %mul3A_356 = arith.constant 128 : i32
      %mul3A_357 = arith.muli %add3A_355, %mul3A_356 : i32
      %dma_start3A_358 = tpu.memref_slice %arg6[%mul3A_357] : memref<10000xi32, #tpu.memory_space<vmem>> -> memref<128xi32, #tpu.memory_space<vmem>>
      %dma_start3A_359 = arith.constant 0 : i32
      %dma_start3A_360 = arith.constant 0 : i32
      %dma_start3A_361 = tpu.memref_slice %arg2[%dma_start3A_359, %dma_start3A_360] : memref<10240x16xf32, #tpu.memory_space<hbm>> -> memref<10240x16xf32, #tpu.memory_space<hbm>>
      tpu.enqueue_indirect_dma source(%dma_start3A_361 : memref<10240x16xf32, #tpu.memory_space<hbm>>) target(%arg11 : memref<128x16xf32, #tpu.memory_space<vmem>>) offsets(%dma_start3A_358 : memref<128xi32, #tpu.memory_space<vmem>>) semaphore(%arg16 : memref<!tpu.dma_semaphore, #tpu.memory_space<semaphore_mem>>)
      %add3A_362 = arith.constant 3 : i32
      %add3A_363 = arith.addi %mul3A_146, %add3A_362 : i32
      %mul3A_364 = arith.constant 128 : i32
      %mul3A_365 = arith.muli %add3A_363, %mul3A_364 : i32
      %add3A_366 = arith.constant 0 : i32
      %add3A_367 = arith.addi %mul3A_365, %add3A_366 : i32
      %get3A_368 = arith.index_cast %add3A_367 : i32 to index
      %get3A_369 = tpu.vector_load %arg7[%get3A_368] {strides = array<i32>} : memref<10000xi32, #tpu.memory_space<vmem>>, vector<16xi32>,
      %swap3A_370 = arith.constant 0 : index
      %swap3A_371 = tpu.vector_load %arg9[%swap3A_370] {strides = array<i32>} : memref<128xi32, #tpu.memory_space<vmem>>, vector<16xi32>,
      tpu.vector_store %arg9[%swap3A_370], %get3A_369 {strides = array<i32>} : memref<128xi32, #tpu.memory_space<vmem>>, vector<16xi32>,
      %add3A_372 = arith.constant 16 : i32
      %add3A_373 = arith.addi %mul3A_365, %add3A_372 : i32
      %get3A_374 = arith.index_cast %add3A_373 : i32 to index
      %get3A_375 = tpu.vector_load %arg7[%get3A_374] {strides = array<i32>} : memref<10000xi32, #tpu.memory_space<vmem>>, vector<16xi32>,
      %swap3A_376 = arith.constant 16 : index
      %swap3A_377 = tpu.vector_load %arg9[%swap3A_376] {strides = array<i32>} : memref<128xi32, #tpu.memory_space<vmem>>, vector<16xi32>,
      tpu.vector_store %arg9[%swap3A_376], %get3A_375 {strides = array<i32>} : memref<128xi32, #tpu.memory_space<vmem>>, vector<16xi32>,
      %add3A_378 = arith.constant 32 : i32
      %add3A_379 = arith.addi %mul3A_365, %add3A_378 : i32
      %get3A_380 = arith.index_cast %add3A_379 : i32 to index
      %get3A_381 = tpu.vector_load %arg7[%get3A_380] {strides = array<i32>} : memref<10000xi32, #tpu.memory_space<vmem>>, vector<16xi32>,
      %swap3A_382 = arith.constant 32 : index
      %swap3A_383 = tpu.vector_load %arg9[%swap3A_382] {strides = array<i32>} : memref<128xi32, #tpu.memory_space<vmem>>, vector<16xi32>,
      tpu.vector_store %arg9[%swap3A_382], %get3A_381 {strides = array<i32>} : memref<128xi32, #tpu.memory_space<vmem>>, vector<16xi32>,
      %add3A_384 = arith.constant 48 : i32
      %add3A_385 = arith.addi %mul3A_365, %add3A_384 : i32
      %get3A_386 = arith.index_cast %add3A_385 : i32 to index
      %get3A_387 = tpu.vector_load %arg7[%get3A_386] {strides = array<i32>} : memref<10000xi32, #tpu.memory_space<vmem>>, vector<16xi32>,
      %swap3A_388 = arith.constant 48 : index
      %swap3A_389 = tpu.vector_load %arg9[%swap3A_388] {strides = array<i32>} : memref<128xi32, #tpu.memory_space<vmem>>, vector<16xi32>,
      tpu.vector_store %arg9[%swap3A_388], %get3A_387 {strides = array<i32>} : memref<128xi32, #tpu.memory_space<vmem>>, vector<16xi32>,
      %add3A_390 = arith.constant 64 : i32
      %add3A_391 = arith.addi %mul3A_365, %add3A_390 : i32
      %get3A_392 = arith.index_cast %add3A_391 : i32 to index
      %get3A_393 = tpu.vector_load %arg7[%get3A_392] {strides = array<i32>} : memref<10000xi32, #tpu.memory_space<vmem>>, vector<16xi32>,
      %swap3A_394 = arith.constant 64 : index
      %swap3A_395 = tpu.vector_load %arg9[%swap3A_394] {strides = array<i32>} : memref<128xi32, #tpu.memory_space<vmem>>, vector<16xi32>,
      tpu.vector_store %arg9[%swap3A_394], %get3A_393 {strides = array<i32>} : memref<128xi32, #tpu.memory_space<vmem>>, vector<16xi32>,
      %add3A_396 = arith.constant 80 : i32
      %add3A_397 = arith.addi %mul3A_365, %add3A_396 : i32
      %get3A_398 = arith.index_cast %add3A_397 : i32 to index
      %get3A_399 = tpu.vector_load %arg7[%get3A_398] {strides = array<i32>} : memref<10000xi32, #tpu.memory_space<vmem>>, vector<16xi32>,
      %swap3A_400 = arith.constant 80 : index
      %swap3A_401 = tpu.vector_load %arg9[%swap3A_400] {strides = array<i32>} : memref<128xi32, #tpu.memory_space<vmem>>, vector<16xi32>,
      tpu.vector_store %arg9[%swap3A_400], %get3A_399 {strides = array<i32>} : memref<128xi32, #tpu.memory_space<vmem>>, vector<16xi32>,
      %add3A_402 = arith.constant 96 : i32
      %add3A_403 = arith.addi %mul3A_365, %add3A_402 : i32
      %get3A_404 = arith.index_cast %add3A_403 : i32 to index
      %get3A_405 = tpu.vector_load %arg7[%get3A_404] {strides = array<i32>} : memref<10000xi32, #tpu.memory_space<vmem>>, vector<16xi32>,
      %swap3A_406 = arith.constant 96 : index
      %swap3A_407 = tpu.vector_load %arg9[%swap3A_406] {strides = array<i32>} : memref<128xi32, #tpu.memory_space<vmem>>, vector<16xi32>,
      tpu.vector_store %arg9[%swap3A_406], %get3A_405 {strides = array<i32>} : memref<128xi32, #tpu.memory_space<vmem>>, vector<16xi32>,
      %add3A_408 = arith.constant 112 : i32
      %add3A_409 = arith.addi %mul3A_365, %add3A_408 : i32
      %get3A_410 = arith.index_cast %add3A_409 : i32 to index
      %get3A_411 = tpu.vector_load %arg7[%get3A_410] {strides = array<i32>} : memref<10000xi32, #tpu.memory_space<vmem>>, vector<16xi32>,
      %swap3A_412 = arith.constant 112 : index
      %swap3A_413 = tpu.vector_load %arg9[%swap3A_412] {strides = array<i32>} : memref<128xi32, #tpu.memory_space<vmem>>, vector<16xi32>,
      tpu.vector_store %arg9[%swap3A_412], %get3A_411 {strides = array<i32>} : memref<128xi32, #tpu.memory_space<vmem>>, vector<16xi32>,
      %mul3A_414 = arith.constant 128 : i32
      %mul3A_415 = arith.muli %add3A_363, %mul3A_414 : i32
      %dma_wait3A_416 = tpu.memref_slice %arg6[%mul3A_415] : memref<10000xi32, #tpu.memory_space<vmem>> -> memref<128xi32, #tpu.memory_space<vmem>>
      %dma_wait3A_417 = arith.constant 0 : i32
      %dma_wait3A_418 = arith.constant 0 : i32
      %dma_wait3A_419 = tpu.memref_slice %arg2[%dma_wait3A_417, %dma_wait3A_418] : memref<10240x16xf32, #tpu.memory_space<hbm>> -> memref<10240x16xf32, #tpu.memory_space<hbm>>
      tpu.wait_indirect_dma semaphore(%arg19 : memref<!tpu.dma_semaphore, #tpu.memory_space<semaphore_mem>>) src(%dma_wait3A_419 : memref<10240x16xf32, #tpu.memory_space<hbm>>) dst(%arg14 : memref<128x16xf32, #tpu.memory_space<vmem>>)
      %dma_start3A_420 = arith.constant 0 : i32
      %dma_start3A_421 = arith.constant 0 : i32
      %dma_start3A_422 = tpu.memref_slice %arg24[%dma_start3A_420, %dma_start3A_421] : memref<10240x16xf32, #tpu.memory_space<vmem_shared>> -> memref<10240x16xf32, #tpu.memory_space<vmem_shared>>
      tpu.enqueue_indirect_dma source(%arg14 : memref<128x16xf32, #tpu.memory_space<vmem>>) target(%dma_start3A_422 : memref<10240x16xf32, #tpu.memory_space<vmem_shared>>) offsets(%arg9 : memref<128xi32, #tpu.memory_space<vmem>>) semaphore(%arg23 : memref<!tpu.dma_semaphore, #tpu.memory_space<semaphore_mem>>) {add = true}
      %dma_wait3A_423 = arith.constant 0 : i32
      %dma_wait3A_424 = arith.constant 0 : i32
      %dma_wait3A_425 = tpu.memref_slice %arg24[%dma_wait3A_423, %dma_wait3A_424] : memref<10240x16xf32, #tpu.memory_space<vmem_shared>> -> memref<10240x16xf32, #tpu.memory_space<vmem_shared>>
      tpu.wait_indirect_dma semaphore(%arg22 : memref<!tpu.dma_semaphore, #tpu.memory_space<semaphore_mem>>) src(%arg13 : memref<128x16xf32, #tpu.memory_space<vmem>>) dst(%dma_wait3A_425 : memref<10240x16xf32, #tpu.memory_space<vmem_shared>>)
      %add3A_426 = arith.constant 2 : i32
      %add3A_427 = arith.addi %add3A_363, %add3A_426 : i32
      %mul3A_428 = arith.constant 128 : i32
      %mul3A_429 = arith.muli %add3A_427, %mul3A_428 : i32
      %dma_start3A_430 = tpu.memref_slice %arg6[%mul3A_429] : memref<10000xi32, #tpu.memory_space<vmem>> -> memref<128xi32, #tpu.memory_space<vmem>>
      %dma_start3A_431 = arith.constant 0 : i32
      %dma_start3A_432 = arith.constant 0 : i32
      %dma_start3A_433 = tpu.memref_slice %arg2[%dma_start3A_431, %dma_start3A_432] : memref<10240x16xf32, #tpu.memory_space<hbm>> -> memref<10240x16xf32, #tpu.memory_space<hbm>>
      tpu.enqueue_indirect_dma source(%dma_start3A_433 : memref<10240x16xf32, #tpu.memory_space<hbm>>) target(%arg12 : memref<128x16xf32, #tpu.memory_space<vmem>>) offsets(%dma_start3A_430 : memref<128xi32, #tpu.memory_space<vmem>>) semaphore(%arg17 : memref<!tpu.dma_semaphore, #tpu.memory_space<semaphore_mem>>)
    }
    %scan3A_19 = arith.constant 19 : i32
    %get3A = arith.constant 9728 : index
    %get3A_20 = tpu.vector_load %arg7[%get3A] {strides = array<i32>} : memref<10000xi32, #tpu.memory_space<vmem>>, vector<16xi32>,
    %get3A_21 = vector.shape_cast %get3A_20 : vector<16xi32> to vector<16xi32>
    %swap3A = arith.constant 0 : index
    %swap3A_22 = tpu.vector_load %arg8[%swap3A] {strides = array<i32>} : memref<128xi32, #tpu.memory_space<vmem>>, vector<16xi32>,
    tpu.vector_store %arg8[%swap3A], %get3A_21 {strides = array<i32>} : memref<128xi32, #tpu.memory_space<vmem>>, vector<16xi32>,
    %get3A_23 = arith.constant 9744 : index
    %get3A_24 = tpu.vector_load %arg7[%get3A_23] {strides = array<i32>} : memref<10000xi32, #tpu.memory_space<vmem>>, vector<16xi32>,
    %get3A_25 = vector.shape_cast %get3A_24 : vector<16xi32> to vector<16xi32>
    %swap3A_26 = arith.constant 16 : index
    %swap3A_27 = tpu.vector_load %arg8[%swap3A_26] {strides = array<i32>} : memref<128xi32, #tpu.memory_space<vmem>>, vector<16xi32>,
    tpu.vector_store %arg8[%swap3A_26], %get3A_25 {strides = array<i32>} : memref<128xi32, #tpu.memory_space<vmem>>, vector<16xi32>,
    %get3A_28 = arith.constant 9760 : index
    %get3A_29 = tpu.vector_load %arg7[%get3A_28] {strides = array<i32>} : memref<10000xi32, #tpu.memory_space<vmem>>, vector<16xi32>,
    %get3A_30 = vector.shape_cast %get3A_29 : vector<16xi32> to vector<16xi32>
    %swap3A_31 = arith.constant 32 : index
    %swap3A_32 = tpu.vector_load %arg8[%swap3A_31] {strides = array<i32>} : memref<128xi32, #tpu.memory_space<vmem>>, vector<16xi32>,
    tpu.vector_store %arg8[%swap3A_31], %get3A_30 {strides = array<i32>} : memref<128xi32, #tpu.memory_space<vmem>>, vector<16xi32>,
    %get3A_33 = arith.constant 9776 : index
    %get3A_34 = tpu.vector_load %arg7[%get3A_33] {strides = array<i32>} : memref<10000xi32, #tpu.memory_space<vmem>>, vector<16xi32>,
    %get3A_35 = vector.shape_cast %get3A_34 : vector<16xi32> to vector<16xi32>
    %swap3A_36 = arith.constant 48 : index
    %swap3A_37 = tpu.vector_load %arg8[%swap3A_36] {strides = array<i32>} : memref<128xi32, #tpu.memory_space<vmem>>, vector<16xi32>,
    tpu.vector_store %arg8[%swap3A_36], %get3A_35 {strides = array<i32>} : memref<128xi32, #tpu.memory_space<vmem>>, vector<16xi32>,
    %get3A_38 = arith.constant 9792 : index
    %get3A_39 = tpu.vector_load %arg7[%get3A_38] {strides = array<i32>} : memref<10000xi32, #tpu.memory_space<vmem>>, vector<16xi32>,
    %get3A_40 = vector.shape_cast %get3A_39 : vector<16xi32> to vector<16xi32>
    %swap3A_41 = arith.constant 64 : index
    %swap3A_42 = tpu.vector_load %arg8[%swap3A_41] {strides = array<i32>} : memref<128xi32, #tpu.memory_space<vmem>>, vector<16xi32>,
    tpu.vector_store %arg8[%swap3A_41], %get3A_40 {strides = array<i32>} : memref<128xi32, #tpu.memory_space<vmem>>, vector<16xi32>,
    %get3A_43 = arith.constant 9808 : index
    %get3A_44 = tpu.vector_load %arg7[%get3A_43] {strides = array<i32>} : memref<10000xi32, #tpu.memory_space<vmem>>, vector<16xi32>,
    %get3A_45 = vector.shape_cast %get3A_44 : vector<16xi32> to vector<16xi32>
    %swap3A_46 = arith.constant 80 : index
    %swap3A_47 = tpu.vector_load %arg8[%swap3A_46] {strides = array<i32>} : memref<128xi32, #tpu.memory_space<vmem>>, vector<16xi32>,
    tpu.vector_store %arg8[%swap3A_46], %get3A_45 {strides = array<i32>} : memref<128xi32, #tpu.memory_space<vmem>>, vector<16xi32>,
    %get3A_48 = arith.constant 9824 : index
    %get3A_49 = tpu.vector_load %arg7[%get3A_48] {strides = array<i32>} : memref<10000xi32, #tpu.memory_space<vmem>>, vector<16xi32>,
    %get3A_50 = vector.shape_cast %get3A_49 : vector<16xi32> to vector<16xi32>
    %swap3A_51 = arith.constant 96 : index
    %swap3A_52 = tpu.vector_load %arg8[%swap3A_51] {strides = array<i32>} : memref<128xi32, #tpu.memory_space<vmem>>, vector<16xi32>,
    tpu.vector_store %arg8[%swap3A_51], %get3A_50 {strides = array<i32>} : memref<128xi32, #tpu.memory_space<vmem>>, vector<16xi32>,
    %get3A_53 = arith.constant 9840 : index
    %get3A_54 = tpu.vector_load %arg7[%get3A_53] {strides = array<i32>} : memref<10000xi32, #tpu.memory_space<vmem>>, vector<16xi32>,
    %get3A_55 = vector.shape_cast %get3A_54 : vector<16xi32> to vector<16xi32>
    %swap3A_56 = arith.constant 112 : index
    %swap3A_57 = tpu.vector_load %arg8[%swap3A_56] {strides = array<i32>} : memref<128xi32, #tpu.memory_space<vmem>>, vector<16xi32>,
    tpu.vector_store %arg8[%swap3A_56], %get3A_55 {strides = array<i32>} : memref<128xi32, #tpu.memory_space<vmem>>, vector<16xi32>,
    %dma_wait3A = arith.constant 9728 : i32
    %dma_wait3A_58 = tpu.memref_slice %arg6[%dma_wait3A] : memref<10000xi32, #tpu.memory_space<vmem>> -> memref<128xi32, #tpu.memory_space<vmem>>
    %dma_wait3A_59 = arith.constant 0 : i32
    %dma_wait3A_60 = arith.constant 0 : i32
    %dma_wait3A_61 = tpu.memref_slice %arg2[%dma_wait3A_59, %dma_wait3A_60] : memref<10240x16xf32, #tpu.memory_space<hbm>> -> memref<10240x16xf32, #tpu.memory_space<hbm>>
    tpu.wait_indirect_dma semaphore(%arg16 : memref<!tpu.dma_semaphore, #tpu.memory_space<semaphore_mem>>) src(%dma_wait3A_61 : memref<10240x16xf32, #tpu.memory_space<hbm>>) dst(%arg11 : memref<128x16xf32, #tpu.memory_space<vmem>>)
    %dma_start3A_62 = arith.constant 0 : i32
    %dma_start3A_63 = arith.constant 0 : i32
    %dma_start3A_64 = tpu.memref_slice %arg24[%dma_start3A_62, %dma_start3A_63] : memref<10240x16xf32, #tpu.memory_space<vmem_shared>> -> memref<10240x16xf32, #tpu.memory_space<vmem_shared>>
    tpu.enqueue_indirect_dma source(%arg11 : memref<128x16xf32, #tpu.memory_space<vmem>>) target(%dma_start3A_64 : memref<10240x16xf32, #tpu.memory_space<vmem_shared>>) offsets(%arg8 : memref<128xi32, #tpu.memory_space<vmem>>) semaphore(%arg20 : memref<!tpu.dma_semaphore, #tpu.memory_space<semaphore_mem>>) {add = true}
    %dma_wait3A_65 = arith.constant 0 : i32
    %dma_wait3A_66 = arith.constant 0 : i32
    %dma_wait3A_67 = tpu.memref_slice %arg24[%dma_wait3A_65, %dma_wait3A_66] : memref<10240x16xf32, #tpu.memory_space<vmem_shared>> -> memref<10240x16xf32, #tpu.memory_space<vmem_shared>>
    tpu.wait_indirect_dma semaphore(%arg23 : memref<!tpu.dma_semaphore, #tpu.memory_space<semaphore_mem>>) src(%arg14 : memref<128x16xf32, #tpu.memory_space<vmem>>) dst(%dma_wait3A_67 : memref<10240x16xf32, #tpu.memory_space<vmem_shared>>)
    %get3A_68 = arith.constant 9856 : index
    %get3A_69 = tpu.vector_load %arg7[%get3A_68] {strides = array<i32>} : memref<10000xi32, #tpu.memory_space<vmem>>, vector<16xi32>,
    %get3A_70 = vector.shape_cast %get3A_69 : vector<16xi32> to vector<16xi32>
    %swap3A_71 = arith.constant 0 : index
    %swap3A_72 = tpu.vector_load %arg9[%swap3A_71] {strides = array<i32>} : memref<128xi32, #tpu.memory_space<vmem>>, vector<16xi32>,
    tpu.vector_store %arg9[%swap3A_71], %get3A_70 {strides = array<i32>} : memref<128xi32, #tpu.memory_space<vmem>>, vector<16xi32>,
    %get3A_73 = arith.constant 9872 : index
    %get3A_74 = tpu.vector_load %arg7[%get3A_73] {strides = array<i32>} : memref<10000xi32, #tpu.memory_space<vmem>>, vector<16xi32>,
    %get3A_75 = vector.shape_cast %get3A_74 : vector<16xi32> to vector<16xi32>
    %swap3A_76 = arith.constant 16 : index
    %swap3A_77 = tpu.vector_load %arg9[%swap3A_76] {strides = array<i32>} : memref<128xi32, #tpu.memory_space<vmem>>, vector<16xi32>,
    tpu.vector_store %arg9[%swap3A_76], %get3A_75 {strides = array<i32>} : memref<128xi32, #tpu.memory_space<vmem>>, vector<16xi32>,
    %get3A_78 = arith.constant 9888 : index
    %get3A_79 = tpu.vector_load %arg7[%get3A_78] {strides = array<i32>} : memref<10000xi32, #tpu.memory_space<vmem>>, vector<16xi32>,
    %get3A_80 = vector.shape_cast %get3A_79 : vector<16xi32> to vector<16xi32>
    %swap3A_81 = arith.constant 32 : index
    %swap3A_82 = tpu.vector_load %arg9[%swap3A_81] {strides = array<i32>} : memref<128xi32, #tpu.memory_space<vmem>>, vector<16xi32>,
    tpu.vector_store %arg9[%swap3A_81], %get3A_80 {strides = array<i32>} : memref<128xi32, #tpu.memory_space<vmem>>, vector<16xi32>,
    %get3A_83 = arith.constant 9904 : index
    %get3A_84 = tpu.vector_load %arg7[%get3A_83] {strides = array<i32>} : memref<10000xi32, #tpu.memory_space<vmem>>, vector<16xi32>,
    %get3A_85 = vector.shape_cast %get3A_84 : vector<16xi32> to vector<16xi32>
    %swap3A_86 = arith.constant 48 : index
    %swap3A_87 = tpu.vector_load %arg9[%swap3A_86] {strides = array<i32>} : memref<128xi32, #tpu.memory_space<vmem>>, vector<16xi32>,
    tpu.vector_store %arg9[%swap3A_86], %get3A_85 {strides = array<i32>} : memref<128xi32, #tpu.memory_space<vmem>>, vector<16xi32>,
    %get3A_88 = arith.constant 9920 : index
    %get3A_89 = tpu.vector_load %arg7[%get3A_88] {strides = array<i32>} : memref<10000xi32, #tpu.memory_space<vmem>>, vector<16xi32>,
    %get3A_90 = vector.shape_cast %get3A_89 : vector<16xi32> to vector<16xi32>
    %swap3A_91 = arith.constant 64 : index
    %swap3A_92 = tpu.vector_load %arg9[%swap3A_91] {strides = array<i32>} : memref<128xi32, #tpu.memory_space<vmem>>, vector<16xi32>,
    tpu.vector_store %arg9[%swap3A_91], %get3A_90 {strides = array<i32>} : memref<128xi32, #tpu.memory_space<vmem>>, vector<16xi32>,
    %get3A_93 = arith.constant 9936 : index
    %get3A_94 = tpu.vector_load %arg7[%get3A_93] {strides = array<i32>} : memref<10000xi32, #tpu.memory_space<vmem>>, vector<16xi32>,
    %get3A_95 = vector.shape_cast %get3A_94 : vector<16xi32> to vector<16xi32>
    %swap3A_96 = arith.constant 80 : index
    %swap3A_97 = tpu.vector_load %arg9[%swap3A_96] {strides = array<i32>} : memref<128xi32, #tpu.memory_space<vmem>>, vector<16xi32>,
    tpu.vector_store %arg9[%swap3A_96], %get3A_95 {strides = array<i32>} : memref<128xi32, #tpu.memory_space<vmem>>, vector<16xi32>,
    %get3A_98 = arith.constant 9952 : index
    %get3A_99 = tpu.vector_load %arg7[%get3A_98] {strides = array<i32>} : memref<10000xi32, #tpu.memory_space<vmem>>, vector<16xi32>,
    %get3A_100 = vector.shape_cast %get3A_99 : vector<16xi32> to vector<16xi32>
    %swap3A_101 = arith.constant 96 : index
    %swap3A_102 = tpu.vector_load %arg9[%swap3A_101] {strides = array<i32>} : memref<128xi32, #tpu.memory_space<vmem>>, vector<16xi32>,
    tpu.vector_store %arg9[%swap3A_101], %get3A_100 {strides = array<i32>} : memref<128xi32, #tpu.memory_space<vmem>>, vector<16xi32>,
    %get3A_103 = arith.constant 9968 : index
    %get3A_104 = tpu.vector_load %arg7[%get3A_103] {strides = array<i32>} : memref<10000xi32, #tpu.memory_space<vmem>>, vector<16xi32>,
    %get3A_105 = vector.shape_cast %get3A_104 : vector<16xi32> to vector<16xi32>
    %swap3A_106 = arith.constant 112 : index
    %swap3A_107 = tpu.vector_load %arg9[%swap3A_106] {strides = array<i32>} : memref<128xi32, #tpu.memory_space<vmem>>, vector<16xi32>,
    tpu.vector_store %arg9[%swap3A_106], %get3A_105 {strides = array<i32>} : memref<128xi32, #tpu.memory_space<vmem>>, vector<16xi32>,
    %dma_wait3A_108 = arith.constant 9856 : i32
    %dma_wait3A_109 = tpu.memref_slice %arg6[%dma_wait3A_108] : memref<10000xi32, #tpu.memory_space<vmem>> -> memref<128xi32, #tpu.memory_space<vmem>>
    %dma_wait3A_110 = arith.constant 0 : i32
    %dma_wait3A_111 = arith.constant 0 : i32
    %dma_wait3A_112 = tpu.memref_slice %arg2[%dma_wait3A_110, %dma_wait3A_111] : memref<10240x16xf32, #tpu.memory_space<hbm>> -> memref<10240x16xf32, #tpu.memory_space<hbm>>
    tpu.wait_indirect_dma semaphore(%arg17 : memref<!tpu.dma_semaphore, #tpu.memory_space<semaphore_mem>>) src(%dma_wait3A_112 : memref<10240x16xf32, #tpu.memory_space<hbm>>) dst(%arg12 : memref<128x16xf32, #tpu.memory_space<vmem>>)
    %dma_start3A_113 = arith.constant 0 : i32
    %dma_start3A_114 = arith.constant 0 : i32
    %dma_start3A_115 = tpu.memref_slice %arg24[%dma_start3A_113, %dma_start3A_114] : memref<10240x16xf32, #tpu.memory_space<vmem_shared>> -> memref<10240x16xf32, #tpu.memory_space<vmem_shared>>
    tpu.enqueue_indirect_dma source(%arg12 : memref<128x16xf32, #tpu.memory_space<vmem>>) target(%dma_start3A_115 : memref<10240x16xf32, #tpu.memory_space<vmem_shared>>) offsets(%arg9 : memref<128xi32, #tpu.memory_space<vmem>>) semaphore(%arg21 : memref<!tpu.dma_semaphore, #tpu.memory_space<semaphore_mem>>) {add = true}
    %dma_wait3A_116 = arith.constant 0 : i32
    %dma_wait3A_117 = arith.constant 0 : i32
    %dma_wait3A_118 = tpu.memref_slice %arg24[%dma_wait3A_116, %dma_wait3A_117] : memref<10240x16xf32, #tpu.memory_space<vmem_shared>> -> memref<10240x16xf32, #tpu.memory_space<vmem_shared>>
    tpu.wait_indirect_dma semaphore(%arg20 : memref<!tpu.dma_semaphore, #tpu.memory_space<semaphore_mem>>) src(%arg11 : memref<128x16xf32, #tpu.memory_space<vmem>>) dst(%dma_wait3A_118 : memref<10240x16xf32, #tpu.memory_space<vmem_shared>>)
    %get3A_119 = arith.constant 9984 : index
    %get3A_120 = tpu.vector_load %arg7[%get3A_119] {strides = array<i32>} : memref<10000xi32, #tpu.memory_space<vmem>>, vector<16xi32>,
    %swap3A_121 = arith.constant 0 : index
    %swap3A_122 = tpu.vector_load %arg10[%swap3A_121] {strides = array<i32>} : memref<16xi32, #tpu.memory_space<vmem>>, vector<16xi32>,
    tpu.vector_store %arg10[%swap3A_121], %get3A_120 {strides = array<i32>} : memref<16xi32, #tpu.memory_space<vmem>>, vector<16xi32>,
    %dma_start3A_123 = arith.constant 9984 : i32
    %dma_start3A_124 = tpu.memref_slice %arg6[%dma_start3A_123] : memref<10000xi32, #tpu.memory_space<vmem>> -> memref<16xi32, #tpu.memory_space<vmem>>
    %dma_start3A_125 = arith.constant 0 : i32
    %dma_start3A_126 = arith.constant 0 : i32
    %dma_start3A_127 = tpu.memref_slice %arg2[%dma_start3A_125, %dma_start3A_126] : memref<10240x16xf32, #tpu.memory_space<hbm>> -> memref<10240x16xf32, #tpu.memory_space<hbm>>
    tpu.enqueue_indirect_dma source(%dma_start3A_127 : memref<10240x16xf32, #tpu.memory_space<hbm>>) target(%arg15 : memref<16x16xf32, #tpu.memory_space<vmem>>) offsets(%dma_start3A_124 : memref<16xi32, #tpu.memory_space<vmem>>) semaphore(%arg18 : memref<!tpu.dma_semaphore, #tpu.memory_space<semaphore_mem>>)
    %dma_wait3A_128 = arith.constant 9984 : i32
    %dma_wait3A_129 = tpu.memref_slice %arg6[%dma_wait3A_128] : memref<10000xi32, #tpu.memory_space<vmem>> -> memref<16xi32, #tpu.memory_space<vmem>>
    %dma_wait3A_130 = arith.constant 0 : i32
    %dma_wait3A_131 = arith.constant 0 : i32
    %dma_wait3A_132 = tpu.memref_slice %arg2[%dma_wait3A_130, %dma_wait3A_131] : memref<10240x16xf32, #tpu.memory_space<hbm>> -> memref<10240x16xf32, #tpu.memory_space<hbm>>
    tpu.wait_indirect_dma semaphore(%arg18 : memref<!tpu.dma_semaphore, #tpu.memory_space<semaphore_mem>>) src(%dma_wait3A_132 : memref<10240x16xf32, #tpu.memory_space<hbm>>) dst(%arg15 : memref<16x16xf32, #tpu.memory_space<vmem>>)
    "tpu.region"() ({
      %run_scoped3A_144 = tpu.sem_alloc : memref<!tpu.dma_semaphore, #tpu.memory_space<semaphore_mem>>
      %dma_start3A_145 = arith.constant 0 : i32
      %dma_start3A_146 = arith.constant 0 : i32
      %dma_start3A_147 = tpu.memref_slice %arg24[%dma_start3A_145, %dma_start3A_146] : memref<10240x16xf32, #tpu.memory_space<vmem_shared>> -> memref<10240x16xf32, #tpu.memory_space<vmem_shared>>
      tpu.enqueue_indirect_dma source(%arg15 : memref<16x16xf32, #tpu.memory_space<vmem>>) target(%dma_start3A_147 : memref<10240x16xf32, #tpu.memory_space<vmem_shared>>) offsets(%arg10 : memref<16xi32, #tpu.memory_space<vmem>>) semaphore(%run_scoped3A_144 : memref<!tpu.dma_semaphore, #tpu.memory_space<semaphore_mem>>) {add = true}
      %dma_wait3A_148 = arith.constant 0 : i32
      %dma_wait3A_149 = arith.constant 0 : i32
      %dma_wait3A_150 = tpu.memref_slice %arg24[%dma_wait3A_148, %dma_wait3A_149] : memref<10240x16xf32, #tpu.memory_space<vmem_shared>> -> memref<10240x16xf32, #tpu.memory_space<vmem_shared>>
      tpu.wait_indirect_dma semaphore(%run_scoped3A_144 : memref<!tpu.dma_semaphore, #tpu.memory_space<semaphore_mem>>) src(%arg15 : memref<16x16xf32, #tpu.memory_space<vmem>>) dst(%dma_wait3A_150 : memref<10240x16xf32, #tpu.memory_space<vmem_shared>>)
      tpu.yield
    }) : () -> ()
    %dma_wait3A_133 = arith.constant 0 : i32
    %dma_wait3A_134 = arith.constant 0 : i32
    %dma_wait3A_135 = tpu.memref_slice %arg24[%dma_wait3A_133, %dma_wait3A_134] : memref<10240x16xf32, #tpu.memory_space<vmem_shared>> -> memref<10240x16xf32, #tpu.memory_space<vmem_shared>>
    tpu.wait_indirect_dma semaphore(%arg21 : memref<!tpu.dma_semaphore, #tpu.memory_space<semaphore_mem>>) src(%arg12 : memref<128x16xf32, #tpu.memory_space<vmem>>) dst(%dma_wait3A_135 : memref<10240x16xf32, #tpu.memory_space<vmem_shared>>)
    %barrier3A_136 = arith.constant 0 : index
    tpu.barrier barrier_id(%barrier3A_136)
    %mul3A_137 = arith.constant 640 : i32
    %mul3A_138 = arith.muli %arg1, %mul3A_137 : i32
    %mul3A_139 = arith.constant 10240 : i32
    %mul3A_140 = arith.muli %arg0, %mul3A_139 : i32
    %mul3A_141 = arith.constant 640 : i32
    %mul3A_142 = arith.muli %arg1, %mul3A_141 : i32
    %add3A_143 = arith.addi %mul3A_140, %mul3A_142 : i32
    "tpu.region"() ({
      %run_scoped3A_144 = tpu.sem_alloc : memref<!tpu.dma_semaphore, #tpu.memory_space<semaphore_mem>>
      %dma_start3A_145 = arith.constant 0 : i32
      %dma_start3A_146 = tpu.memref_slice %arg5[%add3A_143, %dma_start3A_145] : memref<20480x16xf32, #tpu.memory_space<hbm>> -> memref<640x16xf32, #tpu.memory_space<hbm>>
      %dma_start3A_147 = arith.constant 0 : i32
      %dma_start3A_148 = tpu.memref_slice %arg24[%mul3A_138, %dma_start3A_147] : memref<10240x16xf32, #tpu.memory_space<vmem_shared>> -> memref<640x16xf32, #tpu.memory_space<vmem_shared>>
      tpu.enqueue_dma source(%dma_start3A_148 : memref<640x16xf32, #tpu.memory_space<vmem_shared>>) target(%dma_start3A_146 : memref<640x16xf32, #tpu.memory_space<hbm>>) target_semaphore(%run_scoped3A_144 : memref<!tpu.dma_semaphore, #tpu.memory_space<semaphore_mem>>)
      %dma_wait3A_149 = arith.constant 0 : i32
      %dma_wait3A_150 = tpu.memref_slice %arg5[%add3A_143, %dma_wait3A_149] : memref<20480x16xf32, #tpu.memory_space<hbm>> -> memref<640x16xf32, #tpu.memory_space<hbm>>
      %dma_wait3A_151 = arith.constant 0 : i32
      %dma_wait3A_152 = tpu.memref_slice %arg24[%mul3A_138, %dma_wait3A_151] : memref<10240x16xf32, #tpu.memory_space<vmem_shared>> -> memref<640x16xf32, #tpu.memory_space<vmem_shared>>
      tpu.wait_dma2 semaphore(%run_scoped3A_144 : memref<!tpu.dma_semaphore, #tpu.memory_space<semaphore_mem>>) src(%dma_wait3A_152 : memref<640x16xf32, #tpu.memory_space<vmem_shared>>) dst(%dma_wait3A_150 : memref<640x16xf32, #tpu.memory_space<hbm>>)
      tpu.yield
    }) : () -> ()
    return
  }
}

#map = affine_map<(d0, d1) -> (0, 0)>
#map1 = affine_map<(d0, d1) -> (0)>
module attributes {stable_mosaic.version = 14 : i64} {
  func.func @_deg_body(%arg0: i32, %arg1: i32, %arg2: memref<2x320000xi32, #tpu.memory_space<hbm>>, %arg3: memref<128x8xf32, #tpu.memory_space<hbm>>, %arg4: memref<640x8xf32, #tpu.memory_space<hbm>>, %arg5: memref<20480xf32, #tpu.memory_space<hbm>>, %arg6: memref<10000xi32, #tpu.memory_space<vmem>>, %arg7: memref<128x8xf32, #tpu.memory_space<vmem>>, %arg8: memref<128xi32, #tpu.memory_space<vmem>>, %arg9: memref<16xi32, #tpu.memory_space<vmem>>, %arg10: memref<640x8xf32, #tpu.memory_space<vmem>>, %arg11: memref<640xf32, #tpu.memory_space<vmem>>, %arg12: memref<10240x8xf32, #tpu.memory_space<vmem_shared>>) attributes {dimension_semantics = [#tpu.dimension_semantics<core_parallel>, #tpu.dimension_semantics<subcore_parallel>], iteration_bounds = array<i64: 2, 16>, scalar_prefetch = 0 : i64, scratch_operands = 7 : i64, tpu.core_type = #tpu.core_type<sc_vector_subcore>, window_params = [{transform_indices = #map}, {transform_indices = #map}, {transform_indices = #map}, {transform_indices = #map1}]} {
    %mul3A = arith.constant 16 : i32
    %mul3A_0 = arith.muli %arg0, %mul3A : i32
    %add3A = arith.addi %mul3A_0, %arg1 : i32
    %mul3A_1 = arith.constant 10000 : i32
    %mul3A_2 = arith.muli %add3A, %mul3A_1 : i32
    %run_scoped3A = arith.constant 1 : i32
    "tpu.region"() ({
      %run_scoped3A_27 = tpu.sem_alloc : memref<!tpu.dma_semaphore, #tpu.memory_space<semaphore_mem>>
      %dma_start3A = tpu.memref_slice %arg2[%run_scoped3A, %mul3A_2] : memref<2x320000xi32, #tpu.memory_space<hbm>> -> memref<1x10000xi32, #tpu.memory_space<hbm>>
      %dma_start3A_28 = tpu.memref_squeeze %dma_start3A : memref<1x10000xi32, #tpu.memory_space<hbm>> -> memref<10000xi32, #tpu.memory_space<hbm>>
      %dma_start3A_29 = tpu.memref_slice %arg2[%run_scoped3A, %mul3A_2] : memref<2x320000xi32, #tpu.memory_space<hbm>> -> memref<1x10000xi32, #tpu.memory_space<hbm>>
      %dma_start3A_30 = tpu.memref_squeeze %dma_start3A_29 : memref<1x10000xi32, #tpu.memory_space<hbm>> -> memref<10000xi32, #tpu.memory_space<hbm>>
      tpu.enqueue_dma source(%dma_start3A_30 : memref<10000xi32, #tpu.memory_space<hbm>>) target(%arg6 : memref<10000xi32, #tpu.memory_space<vmem>>) target_semaphore(%run_scoped3A_27 : memref<!tpu.dma_semaphore, #tpu.memory_space<semaphore_mem>>)
      %dma_wait3A = tpu.memref_slice %arg2[%run_scoped3A, %mul3A_2] : memref<2x320000xi32, #tpu.memory_space<hbm>> -> memref<1x10000xi32, #tpu.memory_space<hbm>>
      %dma_wait3A_31 = tpu.memref_squeeze %dma_wait3A : memref<1x10000xi32, #tpu.memory_space<hbm>> -> memref<10000xi32, #tpu.memory_space<hbm>>
      %dma_wait3A_32 = tpu.memref_slice %arg2[%run_scoped3A, %mul3A_2] : memref<2x320000xi32, #tpu.memory_space<hbm>> -> memref<1x10000xi32, #tpu.memory_space<hbm>>
      %dma_wait3A_33 = tpu.memref_squeeze %dma_wait3A_32 : memref<1x10000xi32, #tpu.memory_space<hbm>> -> memref<10000xi32, #tpu.memory_space<hbm>>
      tpu.wait_dma2 semaphore(%run_scoped3A_27 : memref<!tpu.dma_semaphore, #tpu.memory_space<semaphore_mem>>) src(%dma_wait3A_33 : memref<10000xi32, #tpu.memory_space<hbm>>) dst(%arg6 : memref<10000xi32, #tpu.memory_space<vmem>>)
      tpu.yield
    }) : () -> ()
    "tpu.region"() ({
      %run_scoped3A_27 = tpu.sem_alloc : memref<!tpu.dma_semaphore, #tpu.memory_space<semaphore_mem>>
      tpu.enqueue_dma source(%arg3 : memref<128x8xf32, #tpu.memory_space<hbm>>) target(%arg7 : memref<128x8xf32, #tpu.memory_space<vmem>>) target_semaphore(%run_scoped3A_27 : memref<!tpu.dma_semaphore, #tpu.memory_space<semaphore_mem>>)
      tpu.wait_dma2 semaphore(%run_scoped3A_27 : memref<!tpu.dma_semaphore, #tpu.memory_space<semaphore_mem>>) src(%arg3 : memref<128x8xf32, #tpu.memory_space<hbm>>) dst(%arg7 : memref<128x8xf32, #tpu.memory_space<vmem>>)
      tpu.yield
    }) : () -> ()
    %mul3A_3 = arith.constant 640 : i32
    %mul3A_4 = arith.muli %arg1, %mul3A_3 : i32
    "tpu.region"() ({
      %run_scoped3A_27 = tpu.sem_alloc : memref<!tpu.dma_semaphore, #tpu.memory_space<semaphore_mem>>
      %dma_start3A = arith.constant 0 : i32
      %dma_start3A_28 = tpu.memref_slice %arg12[%mul3A_4, %dma_start3A] : memref<10240x8xf32, #tpu.memory_space<vmem_shared>> -> memref<640x8xf32, #tpu.memory_space<vmem_shared>>
      tpu.enqueue_dma source(%arg4 : memref<640x8xf32, #tpu.memory_space<hbm>>) target(%dma_start3A_28 : memref<640x8xf32, #tpu.memory_space<vmem_shared>>) target_semaphore(%run_scoped3A_27 : memref<!tpu.dma_semaphore, #tpu.memory_space<semaphore_mem>>)
      %dma_wait3A = arith.constant 0 : i32
      %dma_wait3A_29 = tpu.memref_slice %arg12[%mul3A_4, %dma_wait3A] : memref<10240x8xf32, #tpu.memory_space<vmem_shared>> -> memref<640x8xf32, #tpu.memory_space<vmem_shared>>
      tpu.wait_dma2 semaphore(%run_scoped3A_27 : memref<!tpu.dma_semaphore, #tpu.memory_space<semaphore_mem>>) src(%arg4 : memref<640x8xf32, #tpu.memory_space<hbm>>) dst(%dma_wait3A_29 : memref<640x8xf32, #tpu.memory_space<vmem_shared>>)
      tpu.yield
    }) : () -> ()
    %barrier3A = arith.constant 0 : index
    tpu.barrier barrier_id(%barrier3A)
    %scan3A = arith.constant 0 : i32
    %scan3A_5 = arith.constant 0 : i32
    %scan3A_6 = arith.constant 78 : i32
    %scan3A_7 = arith.addi %scan3A_5, %scan3A_6 : i32
    %scan3A_8 = arith.constant 1 : i32
    scf.for %scan3A_27 = %scan3A_5 to %scan3A_7 step %scan3A_8  : i32 {
      %mul3A_28 = arith.constant 128 : i32
      %mul3A_29 = arith.muli %scan3A_27, %mul3A_28 : i32
      %add3A_30 = arith.constant 0 : i32
      %add3A_31 = arith.addi %mul3A_29, %add3A_30 : i32
      %get3A_32 = arith.index_cast %add3A_31 : i32 to index
      %get3A_33 = tpu.vector_load %arg6[%get3A_32] {strides = array<i32>} : memref<10000xi32, #tpu.memory_space<vmem>>, vector<16xi32>,
      %swap3A_34 = arith.constant 0 : index
      %swap3A_35 = tpu.vector_load %arg8[%swap3A_34] {strides = array<i32>} : memref<128xi32, #tpu.memory_space<vmem>>, vector<16xi32>,
      tpu.vector_store %arg8[%swap3A_34], %get3A_33 {strides = array<i32>} : memref<128xi32, #tpu.memory_space<vmem>>, vector<16xi32>,
      %add3A_36 = arith.constant 16 : i32
      %add3A_37 = arith.addi %mul3A_29, %add3A_36 : i32
      %get3A_38 = arith.index_cast %add3A_37 : i32 to index
      %get3A_39 = tpu.vector_load %arg6[%get3A_38] {strides = array<i32>} : memref<10000xi32, #tpu.memory_space<vmem>>, vector<16xi32>,
      %swap3A_40 = arith.constant 16 : index
      %swap3A_41 = tpu.vector_load %arg8[%swap3A_40] {strides = array<i32>} : memref<128xi32, #tpu.memory_space<vmem>>, vector<16xi32>,
      tpu.vector_store %arg8[%swap3A_40], %get3A_39 {strides = array<i32>} : memref<128xi32, #tpu.memory_space<vmem>>, vector<16xi32>,
      %add3A_42 = arith.constant 32 : i32
      %add3A_43 = arith.addi %mul3A_29, %add3A_42 : i32
      %get3A_44 = arith.index_cast %add3A_43 : i32 to index
      %get3A_45 = tpu.vector_load %arg6[%get3A_44] {strides = array<i32>} : memref<10000xi32, #tpu.memory_space<vmem>>, vector<16xi32>,
      %swap3A_46 = arith.constant 32 : index
      %swap3A_47 = tpu.vector_load %arg8[%swap3A_46] {strides = array<i32>} : memref<128xi32, #tpu.memory_space<vmem>>, vector<16xi32>,
      tpu.vector_store %arg8[%swap3A_46], %get3A_45 {strides = array<i32>} : memref<128xi32, #tpu.memory_space<vmem>>, vector<16xi32>,
      %add3A_48 = arith.constant 48 : i32
      %add3A_49 = arith.addi %mul3A_29, %add3A_48 : i32
      %get3A_50 = arith.index_cast %add3A_49 : i32 to index
      %get3A_51 = tpu.vector_load %arg6[%get3A_50] {strides = array<i32>} : memref<10000xi32, #tpu.memory_space<vmem>>, vector<16xi32>,
      %swap3A_52 = arith.constant 48 : index
      %swap3A_53 = tpu.vector_load %arg8[%swap3A_52] {strides = array<i32>} : memref<128xi32, #tpu.memory_space<vmem>>, vector<16xi32>,
      tpu.vector_store %arg8[%swap3A_52], %get3A_51 {strides = array<i32>} : memref<128xi32, #tpu.memory_space<vmem>>, vector<16xi32>,
      %add3A_54 = arith.constant 64 : i32
      %add3A_55 = arith.addi %mul3A_29, %add3A_54 : i32
      %get3A_56 = arith.index_cast %add3A_55 : i32 to index
      %get3A_57 = tpu.vector_load %arg6[%get3A_56] {strides = array<i32>} : memref<10000xi32, #tpu.memory_space<vmem>>, vector<16xi32>,
      %swap3A_58 = arith.constant 64 : index
      %swap3A_59 = tpu.vector_load %arg8[%swap3A_58] {strides = array<i32>} : memref<128xi32, #tpu.memory_space<vmem>>, vector<16xi32>,
      tpu.vector_store %arg8[%swap3A_58], %get3A_57 {strides = array<i32>} : memref<128xi32, #tpu.memory_space<vmem>>, vector<16xi32>,
      %add3A_60 = arith.constant 80 : i32
      %add3A_61 = arith.addi %mul3A_29, %add3A_60 : i32
      %get3A_62 = arith.index_cast %add3A_61 : i32 to index
      %get3A_63 = tpu.vector_load %arg6[%get3A_62] {strides = array<i32>} : memref<10000xi32, #tpu.memory_space<vmem>>, vector<16xi32>,
      %swap3A_64 = arith.constant 80 : index
      %swap3A_65 = tpu.vector_load %arg8[%swap3A_64] {strides = array<i32>} : memref<128xi32, #tpu.memory_space<vmem>>, vector<16xi32>,
      tpu.vector_store %arg8[%swap3A_64], %get3A_63 {strides = array<i32>} : memref<128xi32, #tpu.memory_space<vmem>>, vector<16xi32>,
      %add3A_66 = arith.constant 96 : i32
      %add3A_67 = arith.addi %mul3A_29, %add3A_66 : i32
      %get3A_68 = arith.index_cast %add3A_67 : i32 to index
      %get3A_69 = tpu.vector_load %arg6[%get3A_68] {strides = array<i32>} : memref<10000xi32, #tpu.memory_space<vmem>>, vector<16xi32>,
      %swap3A_70 = arith.constant 96 : index
      %swap3A_71 = tpu.vector_load %arg8[%swap3A_70] {strides = array<i32>} : memref<128xi32, #tpu.memory_space<vmem>>, vector<16xi32>,
      tpu.vector_store %arg8[%swap3A_70], %get3A_69 {strides = array<i32>} : memref<128xi32, #tpu.memory_space<vmem>>, vector<16xi32>,
      %add3A_72 = arith.constant 112 : i32
      %add3A_73 = arith.addi %mul3A_29, %add3A_72 : i32
      %get3A_74 = arith.index_cast %add3A_73 : i32 to index
      %get3A_75 = tpu.vector_load %arg6[%get3A_74] {strides = array<i32>} : memref<10000xi32, #tpu.memory_space<vmem>>, vector<16xi32>,
      %swap3A_76 = arith.constant 112 : index
      %swap3A_77 = tpu.vector_load %arg8[%swap3A_76] {strides = array<i32>} : memref<128xi32, #tpu.memory_space<vmem>>, vector<16xi32>,
      tpu.vector_store %arg8[%swap3A_76], %get3A_75 {strides = array<i32>} : memref<128xi32, #tpu.memory_space<vmem>>, vector<16xi32>,
      "tpu.region"() ({
        %run_scoped3A_78 = tpu.sem_alloc : memref<!tpu.dma_semaphore, #tpu.memory_space<semaphore_mem>>
        %dma_start3A = arith.constant 0 : i32
        %dma_start3A_79 = arith.constant 0 : i32
        %dma_start3A_80 = tpu.memref_slice %arg12[%dma_start3A, %dma_start3A_79] : memref<10240x8xf32, #tpu.memory_space<vmem_shared>> -> memref<10240x8xf32, #tpu.memory_space<vmem_shared>>
        tpu.enqueue_indirect_dma source(%arg7 : memref<128x8xf32, #tpu.memory_space<vmem>>) target(%dma_start3A_80 : memref<10240x8xf32, #tpu.memory_space<vmem_shared>>) offsets(%arg8 : memref<128xi32, #tpu.memory_space<vmem>>) semaphore(%run_scoped3A_78 : memref<!tpu.dma_semaphore, #tpu.memory_space<semaphore_mem>>) {add = true}
        %dma_wait3A = arith.constant 0 : i32
        %dma_wait3A_81 = arith.constant 0 : i32
        %dma_wait3A_82 = tpu.memref_slice %arg12[%dma_wait3A, %dma_wait3A_81] : memref<10240x8xf32, #tpu.memory_space<vmem_shared>> -> memref<10240x8xf32, #tpu.memory_space<vmem_shared>>
        tpu.wait_indirect_dma semaphore(%run_scoped3A_78 : memref<!tpu.dma_semaphore, #tpu.memory_space<semaphore_mem>>) src(%arg7 : memref<128x8xf32, #tpu.memory_space<vmem>>) dst(%dma_wait3A_82 : memref<10240x8xf32, #tpu.memory_space<vmem_shared>>)
        tpu.yield
      }) : () -> ()
    }
    %scan3A_9 = arith.constant 78 : i32
    %get3A = arith.constant 9984 : index
    %get3A_10 = tpu.vector_load %arg6[%get3A] {strides = array<i32>} : memref<10000xi32, #tpu.memory_space<vmem>>, vector<16xi32>,
    %swap3A = arith.constant 0 : index
    %swap3A_11 = tpu.vector_load %arg9[%swap3A] {strides = array<i32>} : memref<16xi32, #tpu.memory_space<vmem>>, vector<16xi32>,
    tpu.vector_store %arg9[%swap3A], %get3A_10 {strides = array<i32>} : memref<16xi32, #tpu.memory_space<vmem>>, vector<16xi32>,
    "tpu.region"() ({
      %run_scoped3A_27 = tpu.sem_alloc : memref<!tpu.dma_semaphore, #tpu.memory_space<semaphore_mem>>
      %dma_start3A = arith.constant 0 : i32
      %dma_start3A_28 = arith.constant 0 : i32
      %dma_start3A_29 = tpu.memref_slice %arg7[%dma_start3A, %dma_start3A_28] : memref<128x8xf32, #tpu.memory_space<vmem>> -> memref<16x8xf32, #tpu.memory_space<vmem>>
      %dma_start3A_30 = arith.constant 0 : i32
      %dma_start3A_31 = arith.constant 0 : i32
      %dma_start3A_32 = tpu.memref_slice %arg12[%dma_start3A_30, %dma_start3A_31] : memref<10240x8xf32, #tpu.memory_space<vmem_shared>> -> memref<10240x8xf32, #tpu.memory_space<vmem_shared>>
      tpu.enqueue_indirect_dma source(%dma_start3A_29 : memref<16x8xf32, #tpu.memory_space<vmem>>) target(%dma_start3A_32 : memref<10240x8xf32, #tpu.memory_space<vmem_shared>>) offsets(%arg9 : memref<16xi32, #tpu.memory_space<vmem>>) semaphore(%run_scoped3A_27 : memref<!tpu.dma_semaphore, #tpu.memory_space<semaphore_mem>>) {add = true}
      %dma_wait3A = arith.constant 0 : i32
      %dma_wait3A_33 = arith.constant 0 : i32
      %dma_wait3A_34 = tpu.memref_slice %arg7[%dma_wait3A, %dma_wait3A_33] : memref<128x8xf32, #tpu.memory_space<vmem>> -> memref<16x8xf32, #tpu.memory_space<vmem>>
      %dma_wait3A_35 = arith.constant 0 : i32
      %dma_wait3A_36 = arith.constant 0 : i32
      %dma_wait3A_37 = tpu.memref_slice %arg12[%dma_wait3A_35, %dma_wait3A_36] : memref<10240x8xf32, #tpu.memory_space<vmem_shared>> -> memref<10240x8xf32, #tpu.memory_space<vmem_shared>>
      tpu.wait_indirect_dma semaphore(%run_scoped3A_27 : memref<!tpu.dma_semaphore, #tpu.memory_space<semaphore_mem>>) src(%dma_wait3A_34 : memref<16x8xf32, #tpu.memory_space<vmem>>) dst(%dma_wait3A_37 : memref<10240x8xf32, #tpu.memory_space<vmem_shared>>)
      tpu.yield
    }) : () -> ()
    %barrier3A_12 = arith.constant 0 : index
    tpu.barrier barrier_id(%barrier3A_12)
    %mul3A_13 = arith.constant 640 : i32
    %mul3A_14 = arith.muli %arg1, %mul3A_13 : i32
    "tpu.region"() ({
      %run_scoped3A_27 = tpu.sem_alloc : memref<!tpu.dma_semaphore, #tpu.memory_space<semaphore_mem>>
      %dma_start3A = arith.constant 0 : i32
      %dma_start3A_28 = tpu.memref_slice %arg12[%mul3A_14, %dma_start3A] : memref<10240x8xf32, #tpu.memory_space<vmem_shared>> -> memref<640x8xf32, #tpu.memory_space<vmem_shared>>
      %dma_start3A_29 = arith.constant 0 : i32
      %dma_start3A_30 = tpu.memref_slice %arg12[%mul3A_14, %dma_start3A_29] : memref<10240x8xf32, #tpu.memory_space<vmem_shared>> -> memref<640x8xf32, #tpu.memory_space<vmem_shared>>
      tpu.enqueue_dma source(%dma_start3A_30 : memref<640x8xf32, #tpu.memory_space<vmem_shared>>) target(%arg10 : memref<640x8xf32, #tpu.memory_space<vmem>>) target_semaphore(%run_scoped3A_27 : memref<!tpu.dma_semaphore, #tpu.memory_space<semaphore_mem>>)
      %dma_wait3A = arith.constant 0 : i32
      %dma_wait3A_31 = tpu.memref_slice %arg12[%mul3A_14, %dma_wait3A] : memref<10240x8xf32, #tpu.memory_space<vmem_shared>> -> memref<640x8xf32, #tpu.memory_space<vmem_shared>>
      %dma_wait3A_32 = arith.constant 0 : i32
      %dma_wait3A_33 = tpu.memref_slice %arg12[%mul3A_14, %dma_wait3A_32] : memref<10240x8xf32, #tpu.memory_space<vmem_shared>> -> memref<640x8xf32, #tpu.memory_space<vmem_shared>>
      tpu.wait_dma2 semaphore(%run_scoped3A_27 : memref<!tpu.dma_semaphore, #tpu.memory_space<semaphore_mem>>) src(%dma_wait3A_33 : memref<640x8xf32, #tpu.memory_space<vmem_shared>>) dst(%arg10 : memref<640x8xf32, #tpu.memory_space<vmem>>)
      tpu.yield
    }) : () -> ()
    %broadcast_in_dim3A = arith.constant 0 : i32
    %broadcast_in_dim3A_15 = vector.broadcast %broadcast_in_dim3A : i32 to vector<16xi32>
    %iota3A = tpu.iota {dimensions = array<i32: 0>} : vector<16xi32>
    %scan3A_16 = arith.constant 0 : i32
    %scan3A_17 = arith.constant 0 : i32
    %scan3A_18 = arith.constant 40 : i32
    %scan3A_19 = arith.addi %scan3A_17, %scan3A_18 : i32
    %scan3A_20 = arith.constant 1 : i32
    scf.for %scan3A_27 = %scan3A_17 to %scan3A_19 step %scan3A_20  : i32 {
      %mul3A_28 = arith.constant 16 : i32
      %mul3A_29 = arith.muli %mul3A_28, %scan3A_27 : i32
      %add3A_30 = vector.broadcast %mul3A_29 : i32 to vector<16xi32>
      %add3A_31 = arith.addi %iota3A, %add3A_30 : vector<16xi32>
      %gather3A = tpu.vector_load_idx %arg10[%add3A_31, %broadcast_in_dim3A_15] : memref<640x8xf32, #tpu.memory_space<vmem>>[vector<16xi32>, vector<16xi32>], vector<16xf32>,
      %mul3A_32 = arith.constant 16 : i32
      %mul3A_33 = arith.muli %mul3A_32, %scan3A_27 : i32
      %swap3A_34 = arith.index_cast %mul3A_33 : i32 to index
      %swap3A_35 = tpu.vector_load %arg11[%swap3A_34] {strides = array<i32>} : memref<640xf32, #tpu.memory_space<vmem>>, vector<16xf32>,
      tpu.vector_store %arg11[%swap3A_34], %gather3A {strides = array<i32>} : memref<640xf32, #tpu.memory_space<vmem>>, vector<16xf32>,
    }
    %scan3A_21 = arith.constant 40 : i32
    %mul3A_22 = arith.constant 10240 : i32
    %mul3A_23 = arith.muli %arg0, %mul3A_22 : i32
    %mul3A_24 = arith.constant 640 : i32
    %mul3A_25 = arith.muli %arg1, %mul3A_24 : i32
    %add3A_26 = arith.addi %mul3A_23, %mul3A_25 : i32
    "tpu.region"() ({
      %run_scoped3A_27 = tpu.sem_alloc : memref<!tpu.dma_semaphore, #tpu.memory_space<semaphore_mem>>
      %dma_start3A = tpu.memref_slice %arg5[%add3A_26] : memref<20480xf32, #tpu.memory_space<hbm>> -> memref<640xf32, #tpu.memory_space<hbm>>
      %dma_start3A_28 = tpu.memref_slice %arg5[%add3A_26] : memref<20480xf32, #tpu.memory_space<hbm>> -> memref<640xf32, #tpu.memory_space<hbm>>
      tpu.enqueue_dma source(%arg11 : memref<640xf32, #tpu.memory_space<vmem>>) target(%dma_start3A_28 : memref<640xf32, #tpu.memory_space<hbm>>) target_semaphore(%run_scoped3A_27 : memref<!tpu.dma_semaphore, #tpu.memory_space<semaphore_mem>>)
      %dma_wait3A = tpu.memref_slice %arg5[%add3A_26] : memref<20480xf32, #tpu.memory_space<hbm>> -> memref<640xf32, #tpu.memory_space<hbm>>
      %dma_wait3A_29 = tpu.memref_slice %arg5[%add3A_26] : memref<20480xf32, #tpu.memory_space<hbm>> -> memref<640xf32, #tpu.memory_space<hbm>>
      tpu.wait_dma2 semaphore(%run_scoped3A_27 : memref<!tpu.dma_semaphore, #tpu.memory_space<semaphore_mem>>) src(%arg11 : memref<640xf32, #tpu.memory_space<vmem>>) dst(%dma_wait3A_29 : memref<640xf32, #tpu.memory_space<hbm>>)
      tpu.yield
    }) : () -> ()
    return
  }
}

#map = affine_map<(d0, d1) -> (0, 0)>
module attributes {stable_mosaic.version = 14 : i64} {
  func.func @_edge_body(%arg0: i32, %arg1: i32, %arg2: memref<10240x8xf32, #tpu.memory_space<hbm>>, %arg3: memref<2x320000xi32, #tpu.memory_space<hbm>>, %arg4: memref<640x8xf32, #tpu.memory_space<hbm>>, %arg5: memref<20480x8xf32, #tpu.memory_space<hbm>>, %arg6: memref<10000xi32, #tpu.memory_space<vmem>>, %arg7: memref<10000xi32, #tpu.memory_space<vmem>>, %arg8: memref<128xi32, #tpu.memory_space<vmem>>, %arg9: memref<128xi32, #tpu.memory_space<vmem>>, %arg10: memref<16xi32, #tpu.memory_space<vmem>>, %arg11: memref<128x8xf32, #tpu.memory_space<vmem>>, %arg12: memref<128x8xf32, #tpu.memory_space<vmem>>, %arg13: memref<128x8xf32, #tpu.memory_space<vmem>>, %arg14: memref<128x8xf32, #tpu.memory_space<vmem>>, %arg15: memref<16x8xf32, #tpu.memory_space<vmem>>, %arg16: memref<!tpu.dma_semaphore, #tpu.memory_space<semaphore_mem>>, %arg17: memref<!tpu.dma_semaphore, #tpu.memory_space<semaphore_mem>>, %arg18: memref<!tpu.dma_semaphore, #tpu.memory_space<semaphore_mem>>, %arg19: memref<!tpu.dma_semaphore, #tpu.memory_space<semaphore_mem>>, %arg20: memref<!tpu.dma_semaphore, #tpu.memory_space<semaphore_mem>>, %arg21: memref<!tpu.dma_semaphore, #tpu.memory_space<semaphore_mem>>, %arg22: memref<!tpu.dma_semaphore, #tpu.memory_space<semaphore_mem>>, %arg23: memref<!tpu.dma_semaphore, #tpu.memory_space<semaphore_mem>>, %arg24: memref<10240x8xf32, #tpu.memory_space<vmem_shared>>) attributes {dimension_semantics = [#tpu.dimension_semantics<core_parallel>, #tpu.dimension_semantics<subcore_parallel>], iteration_bounds = array<i64: 2, 16>, scalar_prefetch = 0 : i64, scratch_operands = 19 : i64, tpu.core_type = #tpu.core_type<sc_vector_subcore>, window_params = [{transform_indices = #map}, {transform_indices = #map}, {transform_indices = #map}, {transform_indices = #map}]} {
    %mul3A = arith.constant 16 : i32
    %mul3A_0 = arith.muli %arg0, %mul3A : i32
    %add3A = arith.addi %mul3A_0, %arg1 : i32
    %mul3A_1 = arith.constant 10000 : i32
    %mul3A_2 = arith.muli %add3A, %mul3A_1 : i32
    %run_scoped3A = arith.constant 0 : i32
    "tpu.region"() ({
      %run_scoped3A_144 = tpu.sem_alloc : memref<!tpu.dma_semaphore, #tpu.memory_space<semaphore_mem>>
      %dma_start3A_145 = tpu.memref_slice %arg3[%run_scoped3A, %mul3A_2] : memref<2x320000xi32, #tpu.memory_space<hbm>> -> memref<1x10000xi32, #tpu.memory_space<hbm>>
      %dma_start3A_146 = tpu.memref_squeeze %dma_start3A_145 : memref<1x10000xi32, #tpu.memory_space<hbm>> -> memref<10000xi32, #tpu.memory_space<hbm>>
      %dma_start3A_147 = tpu.memref_slice %arg3[%run_scoped3A, %mul3A_2] : memref<2x320000xi32, #tpu.memory_space<hbm>> -> memref<1x10000xi32, #tpu.memory_space<hbm>>
      %dma_start3A_148 = tpu.memref_squeeze %dma_start3A_147 : memref<1x10000xi32, #tpu.memory_space<hbm>> -> memref<10000xi32, #tpu.memory_space<hbm>>
      tpu.enqueue_dma source(%dma_start3A_148 : memref<10000xi32, #tpu.memory_space<hbm>>) target(%arg6 : memref<10000xi32, #tpu.memory_space<vmem>>) target_semaphore(%run_scoped3A_144 : memref<!tpu.dma_semaphore, #tpu.memory_space<semaphore_mem>>)
      %dma_wait3A_149 = tpu.memref_slice %arg3[%run_scoped3A, %mul3A_2] : memref<2x320000xi32, #tpu.memory_space<hbm>> -> memref<1x10000xi32, #tpu.memory_space<hbm>>
      %dma_wait3A_150 = tpu.memref_squeeze %dma_wait3A_149 : memref<1x10000xi32, #tpu.memory_space<hbm>> -> memref<10000xi32, #tpu.memory_space<hbm>>
      %dma_wait3A_151 = tpu.memref_slice %arg3[%run_scoped3A, %mul3A_2] : memref<2x320000xi32, #tpu.memory_space<hbm>> -> memref<1x10000xi32, #tpu.memory_space<hbm>>
      %dma_wait3A_152 = tpu.memref_squeeze %dma_wait3A_151 : memref<1x10000xi32, #tpu.memory_space<hbm>> -> memref<10000xi32, #tpu.memory_space<hbm>>
      tpu.wait_dma2 semaphore(%run_scoped3A_144 : memref<!tpu.dma_semaphore, #tpu.memory_space<semaphore_mem>>) src(%dma_wait3A_152 : memref<10000xi32, #tpu.memory_space<hbm>>) dst(%arg6 : memref<10000xi32, #tpu.memory_space<vmem>>)
      tpu.yield
    }) : () -> ()
    %run_scoped3A_3 = arith.constant 1 : i32
    "tpu.region"() ({
      %run_scoped3A_144 = tpu.sem_alloc : memref<!tpu.dma_semaphore, #tpu.memory_space<semaphore_mem>>
      %dma_start3A_145 = tpu.memref_slice %arg3[%run_scoped3A_3, %mul3A_2] : memref<2x320000xi32, #tpu.memory_space<hbm>> -> memref<1x10000xi32, #tpu.memory_space<hbm>>
      %dma_start3A_146 = tpu.memref_squeeze %dma_start3A_145 : memref<1x10000xi32, #tpu.memory_space<hbm>> -> memref<10000xi32, #tpu.memory_space<hbm>>
      %dma_start3A_147 = tpu.memref_slice %arg3[%run_scoped3A_3, %mul3A_2] : memref<2x320000xi32, #tpu.memory_space<hbm>> -> memref<1x10000xi32, #tpu.memory_space<hbm>>
      %dma_start3A_148 = tpu.memref_squeeze %dma_start3A_147 : memref<1x10000xi32, #tpu.memory_space<hbm>> -> memref<10000xi32, #tpu.memory_space<hbm>>
      tpu.enqueue_dma source(%dma_start3A_148 : memref<10000xi32, #tpu.memory_space<hbm>>) target(%arg7 : memref<10000xi32, #tpu.memory_space<vmem>>) target_semaphore(%run_scoped3A_144 : memref<!tpu.dma_semaphore, #tpu.memory_space<semaphore_mem>>)
      %dma_wait3A_149 = tpu.memref_slice %arg3[%run_scoped3A_3, %mul3A_2] : memref<2x320000xi32, #tpu.memory_space<hbm>> -> memref<1x10000xi32, #tpu.memory_space<hbm>>
      %dma_wait3A_150 = tpu.memref_squeeze %dma_wait3A_149 : memref<1x10000xi32, #tpu.memory_space<hbm>> -> memref<10000xi32, #tpu.memory_space<hbm>>
      %dma_wait3A_151 = tpu.memref_slice %arg3[%run_scoped3A_3, %mul3A_2] : memref<2x320000xi32, #tpu.memory_space<hbm>> -> memref<1x10000xi32, #tpu.memory_space<hbm>>
      %dma_wait3A_152 = tpu.memref_squeeze %dma_wait3A_151 : memref<1x10000xi32, #tpu.memory_space<hbm>> -> memref<10000xi32, #tpu.memory_space<hbm>>
      tpu.wait_dma2 semaphore(%run_scoped3A_144 : memref<!tpu.dma_semaphore, #tpu.memory_space<semaphore_mem>>) src(%dma_wait3A_152 : memref<10000xi32, #tpu.memory_space<hbm>>) dst(%arg7 : memref<10000xi32, #tpu.memory_space<vmem>>)
      tpu.yield
    }) : () -> ()
    %mul3A_4 = arith.constant 640 : i32
    %mul3A_5 = arith.muli %arg1, %mul3A_4 : i32
    "tpu.region"() ({
      %run_scoped3A_144 = tpu.sem_alloc : memref<!tpu.dma_semaphore, #tpu.memory_space<semaphore_mem>>
      %dma_start3A_145 = arith.constant 0 : i32
      %dma_start3A_146 = tpu.memref_slice %arg24[%mul3A_5, %dma_start3A_145] : memref<10240x8xf32, #tpu.memory_space<vmem_shared>> -> memref<640x8xf32, #tpu.memory_space<vmem_shared>>
      tpu.enqueue_dma source(%arg4 : memref<640x8xf32, #tpu.memory_space<hbm>>) target(%dma_start3A_146 : memref<640x8xf32, #tpu.memory_space<vmem_shared>>) target_semaphore(%run_scoped3A_144 : memref<!tpu.dma_semaphore, #tpu.memory_space<semaphore_mem>>)
      %dma_wait3A_147 = arith.constant 0 : i32
      %dma_wait3A_148 = tpu.memref_slice %arg24[%mul3A_5, %dma_wait3A_147] : memref<10240x8xf32, #tpu.memory_space<vmem_shared>> -> memref<640x8xf32, #tpu.memory_space<vmem_shared>>
      tpu.wait_dma2 semaphore(%run_scoped3A_144 : memref<!tpu.dma_semaphore, #tpu.memory_space<semaphore_mem>>) src(%arg4 : memref<640x8xf32, #tpu.memory_space<hbm>>) dst(%dma_wait3A_148 : memref<640x8xf32, #tpu.memory_space<vmem_shared>>)
      tpu.yield
    }) : () -> ()
    %barrier3A = arith.constant 0 : index
    tpu.barrier barrier_id(%barrier3A)
    %dma_start3A = arith.constant 0 : i32
    %dma_start3A_6 = tpu.memref_slice %arg6[%dma_start3A] : memref<10000xi32, #tpu.memory_space<vmem>> -> memref<128xi32, #tpu.memory_space<vmem>>
    %dma_start3A_7 = arith.constant 0 : i32
    %dma_start3A_8 = arith.constant 0 : i32
    %dma_start3A_9 = tpu.memref_slice %arg2[%dma_start3A_7, %dma_start3A_8] : memref<10240x8xf32, #tpu.memory_space<hbm>> -> memref<10240x8xf32, #tpu.memory_space<hbm>>
    tpu.enqueue_indirect_dma source(%dma_start3A_9 : memref<10240x8xf32, #tpu.memory_space<hbm>>) target(%arg11 : memref<128x8xf32, #tpu.memory_space<vmem>>) offsets(%dma_start3A_6 : memref<128xi32, #tpu.memory_space<vmem>>) semaphore(%arg16 : memref<!tpu.dma_semaphore, #tpu.memory_space<semaphore_mem>>)
    %dma_start3A_10 = arith.constant 128 : i32
    %dma_start3A_11 = tpu.memref_slice %arg6[%dma_start3A_10] : memref<10000xi32, #tpu.memory_space<vmem>> -> memref<128xi32, #tpu.memory_space<vmem>>
    %dma_start3A_12 = arith.constant 0 : i32
    %dma_start3A_13 = arith.constant 0 : i32
    %dma_start3A_14 = tpu.memref_slice %arg2[%dma_start3A_12, %dma_start3A_13] : memref<10240x8xf32, #tpu.memory_space<hbm>> -> memref<10240x8xf32, #tpu.memory_space<hbm>>
    tpu.enqueue_indirect_dma source(%dma_start3A_14 : memref<10240x8xf32, #tpu.memory_space<hbm>>) target(%arg12 : memref<128x8xf32, #tpu.memory_space<vmem>>) offsets(%dma_start3A_11 : memref<128xi32, #tpu.memory_space<vmem>>) semaphore(%arg17 : memref<!tpu.dma_semaphore, #tpu.memory_space<semaphore_mem>>)
    %scan3A = arith.constant 0 : i32
    %scan3A_15 = arith.constant 0 : i32
    %scan3A_16 = arith.constant 19 : i32
    %scan3A_17 = arith.addi %scan3A_15, %scan3A_16 : i32
    %scan3A_18 = arith.constant 1 : i32
    scf.for %scan3A_144 = %scan3A_15 to %scan3A_17 step %scan3A_18  : i32 {
      %mul3A_145 = arith.constant 4 : i32
      %mul3A_146 = arith.muli %mul3A_145, %scan3A_144 : i32
      %add3A_147 = arith.constant 0 : i32
      %add3A_148 = arith.addi %mul3A_146, %add3A_147 : i32
      %mul3A_149 = arith.constant 128 : i32
      %mul3A_150 = arith.muli %add3A_148, %mul3A_149 : i32
      %add3A_151 = arith.constant 0 : i32
      %add3A_152 = arith.addi %mul3A_150, %add3A_151 : i32
      %get3A_153 = arith.index_cast %add3A_152 : i32 to index
      %get3A_154 = tpu.vector_load %arg7[%get3A_153] {strides = array<i32>} : memref<10000xi32, #tpu.memory_space<vmem>>, vector<16xi32>,
      %swap3A_155 = arith.constant 0 : index
      %swap3A_156 = tpu.vector_load %arg8[%swap3A_155] {strides = array<i32>} : memref<128xi32, #tpu.memory_space<vmem>>, vector<16xi32>,
      tpu.vector_store %arg8[%swap3A_155], %get3A_154 {strides = array<i32>} : memref<128xi32, #tpu.memory_space<vmem>>, vector<16xi32>,
      %add3A_157 = arith.constant 16 : i32
      %add3A_158 = arith.addi %mul3A_150, %add3A_157 : i32
      %get3A_159 = arith.index_cast %add3A_158 : i32 to index
      %get3A_160 = tpu.vector_load %arg7[%get3A_159] {strides = array<i32>} : memref<10000xi32, #tpu.memory_space<vmem>>, vector<16xi32>,
      %swap3A_161 = arith.constant 16 : index
      %swap3A_162 = tpu.vector_load %arg8[%swap3A_161] {strides = array<i32>} : memref<128xi32, #tpu.memory_space<vmem>>, vector<16xi32>,
      tpu.vector_store %arg8[%swap3A_161], %get3A_160 {strides = array<i32>} : memref<128xi32, #tpu.memory_space<vmem>>, vector<16xi32>,
      %add3A_163 = arith.constant 32 : i32
      %add3A_164 = arith.addi %mul3A_150, %add3A_163 : i32
      %get3A_165 = arith.index_cast %add3A_164 : i32 to index
      %get3A_166 = tpu.vector_load %arg7[%get3A_165] {strides = array<i32>} : memref<10000xi32, #tpu.memory_space<vmem>>, vector<16xi32>,
      %swap3A_167 = arith.constant 32 : index
      %swap3A_168 = tpu.vector_load %arg8[%swap3A_167] {strides = array<i32>} : memref<128xi32, #tpu.memory_space<vmem>>, vector<16xi32>,
      tpu.vector_store %arg8[%swap3A_167], %get3A_166 {strides = array<i32>} : memref<128xi32, #tpu.memory_space<vmem>>, vector<16xi32>,
      %add3A_169 = arith.constant 48 : i32
      %add3A_170 = arith.addi %mul3A_150, %add3A_169 : i32
      %get3A_171 = arith.index_cast %add3A_170 : i32 to index
      %get3A_172 = tpu.vector_load %arg7[%get3A_171] {strides = array<i32>} : memref<10000xi32, #tpu.memory_space<vmem>>, vector<16xi32>,
      %swap3A_173 = arith.constant 48 : index
      %swap3A_174 = tpu.vector_load %arg8[%swap3A_173] {strides = array<i32>} : memref<128xi32, #tpu.memory_space<vmem>>, vector<16xi32>,
      tpu.vector_store %arg8[%swap3A_173], %get3A_172 {strides = array<i32>} : memref<128xi32, #tpu.memory_space<vmem>>, vector<16xi32>,
      %add3A_175 = arith.constant 64 : i32
      %add3A_176 = arith.addi %mul3A_150, %add3A_175 : i32
      %get3A_177 = arith.index_cast %add3A_176 : i32 to index
      %get3A_178 = tpu.vector_load %arg7[%get3A_177] {strides = array<i32>} : memref<10000xi32, #tpu.memory_space<vmem>>, vector<16xi32>,
      %swap3A_179 = arith.constant 64 : index
      %swap3A_180 = tpu.vector_load %arg8[%swap3A_179] {strides = array<i32>} : memref<128xi32, #tpu.memory_space<vmem>>, vector<16xi32>,
      tpu.vector_store %arg8[%swap3A_179], %get3A_178 {strides = array<i32>} : memref<128xi32, #tpu.memory_space<vmem>>, vector<16xi32>,
      %add3A_181 = arith.constant 80 : i32
      %add3A_182 = arith.addi %mul3A_150, %add3A_181 : i32
      %get3A_183 = arith.index_cast %add3A_182 : i32 to index
      %get3A_184 = tpu.vector_load %arg7[%get3A_183] {strides = array<i32>} : memref<10000xi32, #tpu.memory_space<vmem>>, vector<16xi32>,
      %swap3A_185 = arith.constant 80 : index
      %swap3A_186 = tpu.vector_load %arg8[%swap3A_185] {strides = array<i32>} : memref<128xi32, #tpu.memory_space<vmem>>, vector<16xi32>,
      tpu.vector_store %arg8[%swap3A_185], %get3A_184 {strides = array<i32>} : memref<128xi32, #tpu.memory_space<vmem>>, vector<16xi32>,
      %add3A_187 = arith.constant 96 : i32
      %add3A_188 = arith.addi %mul3A_150, %add3A_187 : i32
      %get3A_189 = arith.index_cast %add3A_188 : i32 to index
      %get3A_190 = tpu.vector_load %arg7[%get3A_189] {strides = array<i32>} : memref<10000xi32, #tpu.memory_space<vmem>>, vector<16xi32>,
      %swap3A_191 = arith.constant 96 : index
      %swap3A_192 = tpu.vector_load %arg8[%swap3A_191] {strides = array<i32>} : memref<128xi32, #tpu.memory_space<vmem>>, vector<16xi32>,
      tpu.vector_store %arg8[%swap3A_191], %get3A_190 {strides = array<i32>} : memref<128xi32, #tpu.memory_space<vmem>>, vector<16xi32>,
      %add3A_193 = arith.constant 112 : i32
      %add3A_194 = arith.addi %mul3A_150, %add3A_193 : i32
      %get3A_195 = arith.index_cast %add3A_194 : i32 to index
      %get3A_196 = tpu.vector_load %arg7[%get3A_195] {strides = array<i32>} : memref<10000xi32, #tpu.memory_space<vmem>>, vector<16xi32>,
      %swap3A_197 = arith.constant 112 : index
      %swap3A_198 = tpu.vector_load %arg8[%swap3A_197] {strides = array<i32>} : memref<128xi32, #tpu.memory_space<vmem>>, vector<16xi32>,
      tpu.vector_store %arg8[%swap3A_197], %get3A_196 {strides = array<i32>} : memref<128xi32, #tpu.memory_space<vmem>>, vector<16xi32>,
      %mul3A_199 = arith.constant 128 : i32
      %mul3A_200 = arith.muli %add3A_148, %mul3A_199 : i32
      %dma_wait3A_201 = tpu.memref_slice %arg6[%mul3A_200] : memref<10000xi32, #tpu.memory_space<vmem>> -> memref<128xi32, #tpu.memory_space<vmem>>
      %dma_wait3A_202 = arith.constant 0 : i32
      %dma_wait3A_203 = arith.constant 0 : i32
      %dma_wait3A_204 = tpu.memref_slice %arg2[%dma_wait3A_202, %dma_wait3A_203] : memref<10240x8xf32, #tpu.memory_space<hbm>> -> memref<10240x8xf32, #tpu.memory_space<hbm>>
      tpu.wait_indirect_dma semaphore(%arg16 : memref<!tpu.dma_semaphore, #tpu.memory_space<semaphore_mem>>) src(%dma_wait3A_204 : memref<10240x8xf32, #tpu.memory_space<hbm>>) dst(%arg11 : memref<128x8xf32, #tpu.memory_space<vmem>>)
      %dma_start3A_205 = arith.constant 0 : i32
      %dma_start3A_206 = arith.constant 0 : i32
      %dma_start3A_207 = tpu.memref_slice %arg24[%dma_start3A_205, %dma_start3A_206] : memref<10240x8xf32, #tpu.memory_space<vmem_shared>> -> memref<10240x8xf32, #tpu.memory_space<vmem_shared>>
      tpu.enqueue_indirect_dma source(%arg11 : memref<128x8xf32, #tpu.memory_space<vmem>>) target(%dma_start3A_207 : memref<10240x8xf32, #tpu.memory_space<vmem_shared>>) offsets(%arg8 : memref<128xi32, #tpu.memory_space<vmem>>) semaphore(%arg20 : memref<!tpu.dma_semaphore, #tpu.memory_space<semaphore_mem>>) {add = true}
      %gt3A = arith.constant 0 : i32
      %gt3A_208 = arith.cmpi sgt, %scan3A_144, %gt3A : i32
      %convert_element_type3A = arith.extui %gt3A_208 : i1 to i32
      %cond3A = arith.constant 0 : i32
      %cond3A_209 = arith.cmpi ne, %convert_element_type3A, %cond3A : i32
      scf.if %cond3A_209 {
        %dma_wait3A_434 = arith.constant 0 : i32
        %dma_wait3A_435 = arith.constant 0 : i32
        %dma_wait3A_436 = tpu.memref_slice %arg24[%dma_wait3A_434, %dma_wait3A_435] : memref<10240x8xf32, #tpu.memory_space<vmem_shared>> -> memref<10240x8xf32, #tpu.memory_space<vmem_shared>>
        tpu.wait_indirect_dma semaphore(%arg23 : memref<!tpu.dma_semaphore, #tpu.memory_space<semaphore_mem>>) src(%arg14 : memref<128x8xf32, #tpu.memory_space<vmem>>) dst(%dma_wait3A_436 : memref<10240x8xf32, #tpu.memory_space<vmem_shared>>)
      } else {
      }
      %add3A_210 = arith.constant 2 : i32
      %add3A_211 = arith.addi %add3A_148, %add3A_210 : i32
      %mul3A_212 = arith.constant 128 : i32
      %mul3A_213 = arith.muli %add3A_211, %mul3A_212 : i32
      %dma_start3A_214 = tpu.memref_slice %arg6[%mul3A_213] : memref<10000xi32, #tpu.memory_space<vmem>> -> memref<128xi32, #tpu.memory_space<vmem>>
      %dma_start3A_215 = arith.constant 0 : i32
      %dma_start3A_216 = arith.constant 0 : i32
      %dma_start3A_217 = tpu.memref_slice %arg2[%dma_start3A_215, %dma_start3A_216] : memref<10240x8xf32, #tpu.memory_space<hbm>> -> memref<10240x8xf32, #tpu.memory_space<hbm>>
      tpu.enqueue_indirect_dma source(%dma_start3A_217 : memref<10240x8xf32, #tpu.memory_space<hbm>>) target(%arg13 : memref<128x8xf32, #tpu.memory_space<vmem>>) offsets(%dma_start3A_214 : memref<128xi32, #tpu.memory_space<vmem>>) semaphore(%arg18 : memref<!tpu.dma_semaphore, #tpu.memory_space<semaphore_mem>>)
      %add3A_218 = arith.constant 1 : i32
      %add3A_219 = arith.addi %mul3A_146, %add3A_218 : i32
      %mul3A_220 = arith.constant 128 : i32
      %mul3A_221 = arith.muli %add3A_219, %mul3A_220 : i32
      %add3A_222 = arith.constant 0 : i32
      %add3A_223 = arith.addi %mul3A_221, %add3A_222 : i32
      %get3A_224 = arith.index_cast %add3A_223 : i32 to index
      %get3A_225 = tpu.vector_load %arg7[%get3A_224] {strides = array<i32>} : memref<10000xi32, #tpu.memory_space<vmem>>, vector<16xi32>,
      %swap3A_226 = arith.constant 0 : index
      %swap3A_227 = tpu.vector_load %arg9[%swap3A_226] {strides = array<i32>} : memref<128xi32, #tpu.memory_space<vmem>>, vector<16xi32>,
      tpu.vector_store %arg9[%swap3A_226], %get3A_225 {strides = array<i32>} : memref<128xi32, #tpu.memory_space<vmem>>, vector<16xi32>,
      %add3A_228 = arith.constant 16 : i32
      %add3A_229 = arith.addi %mul3A_221, %add3A_228 : i32
      %get3A_230 = arith.index_cast %add3A_229 : i32 to index
      %get3A_231 = tpu.vector_load %arg7[%get3A_230] {strides = array<i32>} : memref<10000xi32, #tpu.memory_space<vmem>>, vector<16xi32>,
      %swap3A_232 = arith.constant 16 : index
      %swap3A_233 = tpu.vector_load %arg9[%swap3A_232] {strides = array<i32>} : memref<128xi32, #tpu.memory_space<vmem>>, vector<16xi32>,
      tpu.vector_store %arg9[%swap3A_232], %get3A_231 {strides = array<i32>} : memref<128xi32, #tpu.memory_space<vmem>>, vector<16xi32>,
      %add3A_234 = arith.constant 32 : i32
      %add3A_235 = arith.addi %mul3A_221, %add3A_234 : i32
      %get3A_236 = arith.index_cast %add3A_235 : i32 to index
      %get3A_237 = tpu.vector_load %arg7[%get3A_236] {strides = array<i32>} : memref<10000xi32, #tpu.memory_space<vmem>>, vector<16xi32>,
      %swap3A_238 = arith.constant 32 : index
      %swap3A_239 = tpu.vector_load %arg9[%swap3A_238] {strides = array<i32>} : memref<128xi32, #tpu.memory_space<vmem>>, vector<16xi32>,
      tpu.vector_store %arg9[%swap3A_238], %get3A_237 {strides = array<i32>} : memref<128xi32, #tpu.memory_space<vmem>>, vector<16xi32>,
      %add3A_240 = arith.constant 48 : i32
      %add3A_241 = arith.addi %mul3A_221, %add3A_240 : i32
      %get3A_242 = arith.index_cast %add3A_241 : i32 to index
      %get3A_243 = tpu.vector_load %arg7[%get3A_242] {strides = array<i32>} : memref<10000xi32, #tpu.memory_space<vmem>>, vector<16xi32>,
      %swap3A_244 = arith.constant 48 : index
      %swap3A_245 = tpu.vector_load %arg9[%swap3A_244] {strides = array<i32>} : memref<128xi32, #tpu.memory_space<vmem>>, vector<16xi32>,
      tpu.vector_store %arg9[%swap3A_244], %get3A_243 {strides = array<i32>} : memref<128xi32, #tpu.memory_space<vmem>>, vector<16xi32>,
      %add3A_246 = arith.constant 64 : i32
      %add3A_247 = arith.addi %mul3A_221, %add3A_246 : i32
      %get3A_248 = arith.index_cast %add3A_247 : i32 to index
      %get3A_249 = tpu.vector_load %arg7[%get3A_248] {strides = array<i32>} : memref<10000xi32, #tpu.memory_space<vmem>>, vector<16xi32>,
      %swap3A_250 = arith.constant 64 : index
      %swap3A_251 = tpu.vector_load %arg9[%swap3A_250] {strides = array<i32>} : memref<128xi32, #tpu.memory_space<vmem>>, vector<16xi32>,
      tpu.vector_store %arg9[%swap3A_250], %get3A_249 {strides = array<i32>} : memref<128xi32, #tpu.memory_space<vmem>>, vector<16xi32>,
      %add3A_252 = arith.constant 80 : i32
      %add3A_253 = arith.addi %mul3A_221, %add3A_252 : i32
      %get3A_254 = arith.index_cast %add3A_253 : i32 to index
      %get3A_255 = tpu.vector_load %arg7[%get3A_254] {strides = array<i32>} : memref<10000xi32, #tpu.memory_space<vmem>>, vector<16xi32>,
      %swap3A_256 = arith.constant 80 : index
      %swap3A_257 = tpu.vector_load %arg9[%swap3A_256] {strides = array<i32>} : memref<128xi32, #tpu.memory_space<vmem>>, vector<16xi32>,
      tpu.vector_store %arg9[%swap3A_256], %get3A_255 {strides = array<i32>} : memref<128xi32, #tpu.memory_space<vmem>>, vector<16xi32>,
      %add3A_258 = arith.constant 96 : i32
      %add3A_259 = arith.addi %mul3A_221, %add3A_258 : i32
      %get3A_260 = arith.index_cast %add3A_259 : i32 to index
      %get3A_261 = tpu.vector_load %arg7[%get3A_260] {strides = array<i32>} : memref<10000xi32, #tpu.memory_space<vmem>>, vector<16xi32>,
      %swap3A_262 = arith.constant 96 : index
      %swap3A_263 = tpu.vector_load %arg9[%swap3A_262] {strides = array<i32>} : memref<128xi32, #tpu.memory_space<vmem>>, vector<16xi32>,
      tpu.vector_store %arg9[%swap3A_262], %get3A_261 {strides = array<i32>} : memref<128xi32, #tpu.memory_space<vmem>>, vector<16xi32>,
      %add3A_264 = arith.constant 112 : i32
      %add3A_265 = arith.addi %mul3A_221, %add3A_264 : i32
      %get3A_266 = arith.index_cast %add3A_265 : i32 to index
      %get3A_267 = tpu.vector_load %arg7[%get3A_266] {strides = array<i32>} : memref<10000xi32, #tpu.memory_space<vmem>>, vector<16xi32>,
      %swap3A_268 = arith.constant 112 : index
      %swap3A_269 = tpu.vector_load %arg9[%swap3A_268] {strides = array<i32>} : memref<128xi32, #tpu.memory_space<vmem>>, vector<16xi32>,
      tpu.vector_store %arg9[%swap3A_268], %get3A_267 {strides = array<i32>} : memref<128xi32, #tpu.memory_space<vmem>>, vector<16xi32>,
      %mul3A_270 = arith.constant 128 : i32
      %mul3A_271 = arith.muli %add3A_219, %mul3A_270 : i32
      %dma_wait3A_272 = tpu.memref_slice %arg6[%mul3A_271] : memref<10000xi32, #tpu.memory_space<vmem>> -> memref<128xi32, #tpu.memory_space<vmem>>
      %dma_wait3A_273 = arith.constant 0 : i32
      %dma_wait3A_274 = arith.constant 0 : i32
      %dma_wait3A_275 = tpu.memref_slice %arg2[%dma_wait3A_273, %dma_wait3A_274] : memref<10240x8xf32, #tpu.memory_space<hbm>> -> memref<10240x8xf32, #tpu.memory_space<hbm>>
      tpu.wait_indirect_dma semaphore(%arg17 : memref<!tpu.dma_semaphore, #tpu.memory_space<semaphore_mem>>) src(%dma_wait3A_275 : memref<10240x8xf32, #tpu.memory_space<hbm>>) dst(%arg12 : memref<128x8xf32, #tpu.memory_space<vmem>>)
      %dma_start3A_276 = arith.constant 0 : i32
      %dma_start3A_277 = arith.constant 0 : i32
      %dma_start3A_278 = tpu.memref_slice %arg24[%dma_start3A_276, %dma_start3A_277] : memref<10240x8xf32, #tpu.memory_space<vmem_shared>> -> memref<10240x8xf32, #tpu.memory_space<vmem_shared>>
      tpu.enqueue_indirect_dma source(%arg12 : memref<128x8xf32, #tpu.memory_space<vmem>>) target(%dma_start3A_278 : memref<10240x8xf32, #tpu.memory_space<vmem_shared>>) offsets(%arg9 : memref<128xi32, #tpu.memory_space<vmem>>) semaphore(%arg21 : memref<!tpu.dma_semaphore, #tpu.memory_space<semaphore_mem>>) {add = true}
      %dma_wait3A_279 = arith.constant 0 : i32
      %dma_wait3A_280 = arith.constant 0 : i32
      %dma_wait3A_281 = tpu.memref_slice %arg24[%dma_wait3A_279, %dma_wait3A_280] : memref<10240x8xf32, #tpu.memory_space<vmem_shared>> -> memref<10240x8xf32, #tpu.memory_space<vmem_shared>>
      tpu.wait_indirect_dma semaphore(%arg20 : memref<!tpu.dma_semaphore, #tpu.memory_space<semaphore_mem>>) src(%arg11 : memref<128x8xf32, #tpu.memory_space<vmem>>) dst(%dma_wait3A_281 : memref<10240x8xf32, #tpu.memory_space<vmem_shared>>)
      %add3A_282 = arith.constant 2 : i32
      %add3A_283 = arith.addi %add3A_219, %add3A_282 : i32
      %mul3A_284 = arith.constant 128 : i32
      %mul3A_285 = arith.muli %add3A_283, %mul3A_284 : i32
      %dma_start3A_286 = tpu.memref_slice %arg6[%mul3A_285] : memref<10000xi32, #tpu.memory_space<vmem>> -> memref<128xi32, #tpu.memory_space<vmem>>
      %dma_start3A_287 = arith.constant 0 : i32
      %dma_start3A_288 = arith.constant 0 : i32
      %dma_start3A_289 = tpu.memref_slice %arg2[%dma_start3A_287, %dma_start3A_288] : memref<10240x8xf32, #tpu.memory_space<hbm>> -> memref<10240x8xf32, #tpu.memory_space<hbm>>
      tpu.enqueue_indirect_dma source(%dma_start3A_289 : memref<10240x8xf32, #tpu.memory_space<hbm>>) target(%arg14 : memref<128x8xf32, #tpu.memory_space<vmem>>) offsets(%dma_start3A_286 : memref<128xi32, #tpu.memory_space<vmem>>) semaphore(%arg19 : memref<!tpu.dma_semaphore, #tpu.memory_space<semaphore_mem>>)
      %add3A_290 = arith.constant 2 : i32
      %add3A_291 = arith.addi %mul3A_146, %add3A_290 : i32
      %mul3A_292 = arith.constant 128 : i32
      %mul3A_293 = arith.muli %add3A_291, %mul3A_292 : i32
      %add3A_294 = arith.constant 0 : i32
      %add3A_295 = arith.addi %mul3A_293, %add3A_294 : i32
      %get3A_296 = arith.index_cast %add3A_295 : i32 to index
      %get3A_297 = tpu.vector_load %arg7[%get3A_296] {strides = array<i32>} : memref<10000xi32, #tpu.memory_space<vmem>>, vector<16xi32>,
      %swap3A_298 = arith.constant 0 : index
      %swap3A_299 = tpu.vector_load %arg8[%swap3A_298] {strides = array<i32>} : memref<128xi32, #tpu.memory_space<vmem>>, vector<16xi32>,
      tpu.vector_store %arg8[%swap3A_298], %get3A_297 {strides = array<i32>} : memref<128xi32, #tpu.memory_space<vmem>>, vector<16xi32>,
      %add3A_300 = arith.constant 16 : i32
      %add3A_301 = arith.addi %mul3A_293, %add3A_300 : i32
      %get3A_302 = arith.index_cast %add3A_301 : i32 to index
      %get3A_303 = tpu.vector_load %arg7[%get3A_302] {strides = array<i32>} : memref<10000xi32, #tpu.memory_space<vmem>>, vector<16xi32>,
      %swap3A_304 = arith.constant 16 : index
      %swap3A_305 = tpu.vector_load %arg8[%swap3A_304] {strides = array<i32>} : memref<128xi32, #tpu.memory_space<vmem>>, vector<16xi32>,
      tpu.vector_store %arg8[%swap3A_304], %get3A_303 {strides = array<i32>} : memref<128xi32, #tpu.memory_space<vmem>>, vector<16xi32>,
      %add3A_306 = arith.constant 32 : i32
      %add3A_307 = arith.addi %mul3A_293, %add3A_306 : i32
      %get3A_308 = arith.index_cast %add3A_307 : i32 to index
      %get3A_309 = tpu.vector_load %arg7[%get3A_308] {strides = array<i32>} : memref<10000xi32, #tpu.memory_space<vmem>>, vector<16xi32>,
      %swap3A_310 = arith.constant 32 : index
      %swap3A_311 = tpu.vector_load %arg8[%swap3A_310] {strides = array<i32>} : memref<128xi32, #tpu.memory_space<vmem>>, vector<16xi32>,
      tpu.vector_store %arg8[%swap3A_310], %get3A_309 {strides = array<i32>} : memref<128xi32, #tpu.memory_space<vmem>>, vector<16xi32>,
      %add3A_312 = arith.constant 48 : i32
      %add3A_313 = arith.addi %mul3A_293, %add3A_312 : i32
      %get3A_314 = arith.index_cast %add3A_313 : i32 to index
      %get3A_315 = tpu.vector_load %arg7[%get3A_314] {strides = array<i32>} : memref<10000xi32, #tpu.memory_space<vmem>>, vector<16xi32>,
      %swap3A_316 = arith.constant 48 : index
      %swap3A_317 = tpu.vector_load %arg8[%swap3A_316] {strides = array<i32>} : memref<128xi32, #tpu.memory_space<vmem>>, vector<16xi32>,
      tpu.vector_store %arg8[%swap3A_316], %get3A_315 {strides = array<i32>} : memref<128xi32, #tpu.memory_space<vmem>>, vector<16xi32>,
      %add3A_318 = arith.constant 64 : i32
      %add3A_319 = arith.addi %mul3A_293, %add3A_318 : i32
      %get3A_320 = arith.index_cast %add3A_319 : i32 to index
      %get3A_321 = tpu.vector_load %arg7[%get3A_320] {strides = array<i32>} : memref<10000xi32, #tpu.memory_space<vmem>>, vector<16xi32>,
      %swap3A_322 = arith.constant 64 : index
      %swap3A_323 = tpu.vector_load %arg8[%swap3A_322] {strides = array<i32>} : memref<128xi32, #tpu.memory_space<vmem>>, vector<16xi32>,
      tpu.vector_store %arg8[%swap3A_322], %get3A_321 {strides = array<i32>} : memref<128xi32, #tpu.memory_space<vmem>>, vector<16xi32>,
      %add3A_324 = arith.constant 80 : i32
      %add3A_325 = arith.addi %mul3A_293, %add3A_324 : i32
      %get3A_326 = arith.index_cast %add3A_325 : i32 to index
      %get3A_327 = tpu.vector_load %arg7[%get3A_326] {strides = array<i32>} : memref<10000xi32, #tpu.memory_space<vmem>>, vector<16xi32>,
      %swap3A_328 = arith.constant 80 : index
      %swap3A_329 = tpu.vector_load %arg8[%swap3A_328] {strides = array<i32>} : memref<128xi32, #tpu.memory_space<vmem>>, vector<16xi32>,
      tpu.vector_store %arg8[%swap3A_328], %get3A_327 {strides = array<i32>} : memref<128xi32, #tpu.memory_space<vmem>>, vector<16xi32>,
      %add3A_330 = arith.constant 96 : i32
      %add3A_331 = arith.addi %mul3A_293, %add3A_330 : i32
      %get3A_332 = arith.index_cast %add3A_331 : i32 to index
      %get3A_333 = tpu.vector_load %arg7[%get3A_332] {strides = array<i32>} : memref<10000xi32, #tpu.memory_space<vmem>>, vector<16xi32>,
      %swap3A_334 = arith.constant 96 : index
      %swap3A_335 = tpu.vector_load %arg8[%swap3A_334] {strides = array<i32>} : memref<128xi32, #tpu.memory_space<vmem>>, vector<16xi32>,
      tpu.vector_store %arg8[%swap3A_334], %get3A_333 {strides = array<i32>} : memref<128xi32, #tpu.memory_space<vmem>>, vector<16xi32>,
      %add3A_336 = arith.constant 112 : i32
      %add3A_337 = arith.addi %mul3A_293, %add3A_336 : i32
      %get3A_338 = arith.index_cast %add3A_337 : i32 to index
      %get3A_339 = tpu.vector_load %arg7[%get3A_338] {strides = array<i32>} : memref<10000xi32, #tpu.memory_space<vmem>>, vector<16xi32>,
      %swap3A_340 = arith.constant 112 : index
      %swap3A_341 = tpu.vector_load %arg8[%swap3A_340] {strides = array<i32>} : memref<128xi32, #tpu.memory_space<vmem>>, vector<16xi32>,
      tpu.vector_store %arg8[%swap3A_340], %get3A_339 {strides = array<i32>} : memref<128xi32, #tpu.memory_space<vmem>>, vector<16xi32>,
      %mul3A_342 = arith.constant 128 : i32
      %mul3A_343 = arith.muli %add3A_291, %mul3A_342 : i32
      %dma_wait3A_344 = tpu.memref_slice %arg6[%mul3A_343] : memref<10000xi32, #tpu.memory_space<vmem>> -> memref<128xi32, #tpu.memory_space<vmem>>
      %dma_wait3A_345 = arith.constant 0 : i32
      %dma_wait3A_346 = arith.constant 0 : i32
      %dma_wait3A_347 = tpu.memref_slice %arg2[%dma_wait3A_345, %dma_wait3A_346] : memref<10240x8xf32, #tpu.memory_space<hbm>> -> memref<10240x8xf32, #tpu.memory_space<hbm>>
      tpu.wait_indirect_dma semaphore(%arg18 : memref<!tpu.dma_semaphore, #tpu.memory_space<semaphore_mem>>) src(%dma_wait3A_347 : memref<10240x8xf32, #tpu.memory_space<hbm>>) dst(%arg13 : memref<128x8xf32, #tpu.memory_space<vmem>>)
      %dma_start3A_348 = arith.constant 0 : i32
      %dma_start3A_349 = arith.constant 0 : i32
      %dma_start3A_350 = tpu.memref_slice %arg24[%dma_start3A_348, %dma_start3A_349] : memref<10240x8xf32, #tpu.memory_space<vmem_shared>> -> memref<10240x8xf32, #tpu.memory_space<vmem_shared>>
      tpu.enqueue_indirect_dma source(%arg13 : memref<128x8xf32, #tpu.memory_space<vmem>>) target(%dma_start3A_350 : memref<10240x8xf32, #tpu.memory_space<vmem_shared>>) offsets(%arg8 : memref<128xi32, #tpu.memory_space<vmem>>) semaphore(%arg22 : memref<!tpu.dma_semaphore, #tpu.memory_space<semaphore_mem>>) {add = true}
      %dma_wait3A_351 = arith.constant 0 : i32
      %dma_wait3A_352 = arith.constant 0 : i32
      %dma_wait3A_353 = tpu.memref_slice %arg24[%dma_wait3A_351, %dma_wait3A_352] : memref<10240x8xf32, #tpu.memory_space<vmem_shared>> -> memref<10240x8xf32, #tpu.memory_space<vmem_shared>>
      tpu.wait_indirect_dma semaphore(%arg21 : memref<!tpu.dma_semaphore, #tpu.memory_space<semaphore_mem>>) src(%arg12 : memref<128x8xf32, #tpu.memory_space<vmem>>) dst(%dma_wait3A_353 : memref<10240x8xf32, #tpu.memory_space<vmem_shared>>)
      %add3A_354 = arith.constant 2 : i32
      %add3A_355 = arith.addi %add3A_291, %add3A_354 : i32
      %mul3A_356 = arith.constant 128 : i32
      %mul3A_357 = arith.muli %add3A_355, %mul3A_356 : i32
      %dma_start3A_358 = tpu.memref_slice %arg6[%mul3A_357] : memref<10000xi32, #tpu.memory_space<vmem>> -> memref<128xi32, #tpu.memory_space<vmem>>
      %dma_start3A_359 = arith.constant 0 : i32
      %dma_start3A_360 = arith.constant 0 : i32
      %dma_start3A_361 = tpu.memref_slice %arg2[%dma_start3A_359, %dma_start3A_360] : memref<10240x8xf32, #tpu.memory_space<hbm>> -> memref<10240x8xf32, #tpu.memory_space<hbm>>
      tpu.enqueue_indirect_dma source(%dma_start3A_361 : memref<10240x8xf32, #tpu.memory_space<hbm>>) target(%arg11 : memref<128x8xf32, #tpu.memory_space<vmem>>) offsets(%dma_start3A_358 : memref<128xi32, #tpu.memory_space<vmem>>) semaphore(%arg16 : memref<!tpu.dma_semaphore, #tpu.memory_space<semaphore_mem>>)
      %add3A_362 = arith.constant 3 : i32
      %add3A_363 = arith.addi %mul3A_146, %add3A_362 : i32
      %mul3A_364 = arith.constant 128 : i32
      %mul3A_365 = arith.muli %add3A_363, %mul3A_364 : i32
      %add3A_366 = arith.constant 0 : i32
      %add3A_367 = arith.addi %mul3A_365, %add3A_366 : i32
      %get3A_368 = arith.index_cast %add3A_367 : i32 to index
      %get3A_369 = tpu.vector_load %arg7[%get3A_368] {strides = array<i32>} : memref<10000xi32, #tpu.memory_space<vmem>>, vector<16xi32>,
      %swap3A_370 = arith.constant 0 : index
      %swap3A_371 = tpu.vector_load %arg9[%swap3A_370] {strides = array<i32>} : memref<128xi32, #tpu.memory_space<vmem>>, vector<16xi32>,
      tpu.vector_store %arg9[%swap3A_370], %get3A_369 {strides = array<i32>} : memref<128xi32, #tpu.memory_space<vmem>>, vector<16xi32>,
      %add3A_372 = arith.constant 16 : i32
      %add3A_373 = arith.addi %mul3A_365, %add3A_372 : i32
      %get3A_374 = arith.index_cast %add3A_373 : i32 to index
      %get3A_375 = tpu.vector_load %arg7[%get3A_374] {strides = array<i32>} : memref<10000xi32, #tpu.memory_space<vmem>>, vector<16xi32>,
      %swap3A_376 = arith.constant 16 : index
      %swap3A_377 = tpu.vector_load %arg9[%swap3A_376] {strides = array<i32>} : memref<128xi32, #tpu.memory_space<vmem>>, vector<16xi32>,
      tpu.vector_store %arg9[%swap3A_376], %get3A_375 {strides = array<i32>} : memref<128xi32, #tpu.memory_space<vmem>>, vector<16xi32>,
      %add3A_378 = arith.constant 32 : i32
      %add3A_379 = arith.addi %mul3A_365, %add3A_378 : i32
      %get3A_380 = arith.index_cast %add3A_379 : i32 to index
      %get3A_381 = tpu.vector_load %arg7[%get3A_380] {strides = array<i32>} : memref<10000xi32, #tpu.memory_space<vmem>>, vector<16xi32>,
      %swap3A_382 = arith.constant 32 : index
      %swap3A_383 = tpu.vector_load %arg9[%swap3A_382] {strides = array<i32>} : memref<128xi32, #tpu.memory_space<vmem>>, vector<16xi32>,
      tpu.vector_store %arg9[%swap3A_382], %get3A_381 {strides = array<i32>} : memref<128xi32, #tpu.memory_space<vmem>>, vector<16xi32>,
      %add3A_384 = arith.constant 48 : i32
      %add3A_385 = arith.addi %mul3A_365, %add3A_384 : i32
      %get3A_386 = arith.index_cast %add3A_385 : i32 to index
      %get3A_387 = tpu.vector_load %arg7[%get3A_386] {strides = array<i32>} : memref<10000xi32, #tpu.memory_space<vmem>>, vector<16xi32>,
      %swap3A_388 = arith.constant 48 : index
      %swap3A_389 = tpu.vector_load %arg9[%swap3A_388] {strides = array<i32>} : memref<128xi32, #tpu.memory_space<vmem>>, vector<16xi32>,
      tpu.vector_store %arg9[%swap3A_388], %get3A_387 {strides = array<i32>} : memref<128xi32, #tpu.memory_space<vmem>>, vector<16xi32>,
      %add3A_390 = arith.constant 64 : i32
      %add3A_391 = arith.addi %mul3A_365, %add3A_390 : i32
      %get3A_392 = arith.index_cast %add3A_391 : i32 to index
      %get3A_393 = tpu.vector_load %arg7[%get3A_392] {strides = array<i32>} : memref<10000xi32, #tpu.memory_space<vmem>>, vector<16xi32>,
      %swap3A_394 = arith.constant 64 : index
      %swap3A_395 = tpu.vector_load %arg9[%swap3A_394] {strides = array<i32>} : memref<128xi32, #tpu.memory_space<vmem>>, vector<16xi32>,
      tpu.vector_store %arg9[%swap3A_394], %get3A_393 {strides = array<i32>} : memref<128xi32, #tpu.memory_space<vmem>>, vector<16xi32>,
      %add3A_396 = arith.constant 80 : i32
      %add3A_397 = arith.addi %mul3A_365, %add3A_396 : i32
      %get3A_398 = arith.index_cast %add3A_397 : i32 to index
      %get3A_399 = tpu.vector_load %arg7[%get3A_398] {strides = array<i32>} : memref<10000xi32, #tpu.memory_space<vmem>>, vector<16xi32>,
      %swap3A_400 = arith.constant 80 : index
      %swap3A_401 = tpu.vector_load %arg9[%swap3A_400] {strides = array<i32>} : memref<128xi32, #tpu.memory_space<vmem>>, vector<16xi32>,
      tpu.vector_store %arg9[%swap3A_400], %get3A_399 {strides = array<i32>} : memref<128xi32, #tpu.memory_space<vmem>>, vector<16xi32>,
      %add3A_402 = arith.constant 96 : i32
      %add3A_403 = arith.addi %mul3A_365, %add3A_402 : i32
      %get3A_404 = arith.index_cast %add3A_403 : i32 to index
      %get3A_405 = tpu.vector_load %arg7[%get3A_404] {strides = array<i32>} : memref<10000xi32, #tpu.memory_space<vmem>>, vector<16xi32>,
      %swap3A_406 = arith.constant 96 : index
      %swap3A_407 = tpu.vector_load %arg9[%swap3A_406] {strides = array<i32>} : memref<128xi32, #tpu.memory_space<vmem>>, vector<16xi32>,
      tpu.vector_store %arg9[%swap3A_406], %get3A_405 {strides = array<i32>} : memref<128xi32, #tpu.memory_space<vmem>>, vector<16xi32>,
      %add3A_408 = arith.constant 112 : i32
      %add3A_409 = arith.addi %mul3A_365, %add3A_408 : i32
      %get3A_410 = arith.index_cast %add3A_409 : i32 to index
      %get3A_411 = tpu.vector_load %arg7[%get3A_410] {strides = array<i32>} : memref<10000xi32, #tpu.memory_space<vmem>>, vector<16xi32>,
      %swap3A_412 = arith.constant 112 : index
      %swap3A_413 = tpu.vector_load %arg9[%swap3A_412] {strides = array<i32>} : memref<128xi32, #tpu.memory_space<vmem>>, vector<16xi32>,
      tpu.vector_store %arg9[%swap3A_412], %get3A_411 {strides = array<i32>} : memref<128xi32, #tpu.memory_space<vmem>>, vector<16xi32>,
      %mul3A_414 = arith.constant 128 : i32
      %mul3A_415 = arith.muli %add3A_363, %mul3A_414 : i32
      %dma_wait3A_416 = tpu.memref_slice %arg6[%mul3A_415] : memref<10000xi32, #tpu.memory_space<vmem>> -> memref<128xi32, #tpu.memory_space<vmem>>
      %dma_wait3A_417 = arith.constant 0 : i32
      %dma_wait3A_418 = arith.constant 0 : i32
      %dma_wait3A_419 = tpu.memref_slice %arg2[%dma_wait3A_417, %dma_wait3A_418] : memref<10240x8xf32, #tpu.memory_space<hbm>> -> memref<10240x8xf32, #tpu.memory_space<hbm>>
      tpu.wait_indirect_dma semaphore(%arg19 : memref<!tpu.dma_semaphore, #tpu.memory_space<semaphore_mem>>) src(%dma_wait3A_419 : memref<10240x8xf32, #tpu.memory_space<hbm>>) dst(%arg14 : memref<128x8xf32, #tpu.memory_space<vmem>>)
      %dma_start3A_420 = arith.constant 0 : i32
      %dma_start3A_421 = arith.constant 0 : i32
      %dma_start3A_422 = tpu.memref_slice %arg24[%dma_start3A_420, %dma_start3A_421] : memref<10240x8xf32, #tpu.memory_space<vmem_shared>> -> memref<10240x8xf32, #tpu.memory_space<vmem_shared>>
      tpu.enqueue_indirect_dma source(%arg14 : memref<128x8xf32, #tpu.memory_space<vmem>>) target(%dma_start3A_422 : memref<10240x8xf32, #tpu.memory_space<vmem_shared>>) offsets(%arg9 : memref<128xi32, #tpu.memory_space<vmem>>) semaphore(%arg23 : memref<!tpu.dma_semaphore, #tpu.memory_space<semaphore_mem>>) {add = true}
      %dma_wait3A_423 = arith.constant 0 : i32
      %dma_wait3A_424 = arith.constant 0 : i32
      %dma_wait3A_425 = tpu.memref_slice %arg24[%dma_wait3A_423, %dma_wait3A_424] : memref<10240x8xf32, #tpu.memory_space<vmem_shared>> -> memref<10240x8xf32, #tpu.memory_space<vmem_shared>>
      tpu.wait_indirect_dma semaphore(%arg22 : memref<!tpu.dma_semaphore, #tpu.memory_space<semaphore_mem>>) src(%arg13 : memref<128x8xf32, #tpu.memory_space<vmem>>) dst(%dma_wait3A_425 : memref<10240x8xf32, #tpu.memory_space<vmem_shared>>)
      %add3A_426 = arith.constant 2 : i32
      %add3A_427 = arith.addi %add3A_363, %add3A_426 : i32
      %mul3A_428 = arith.constant 128 : i32
      %mul3A_429 = arith.muli %add3A_427, %mul3A_428 : i32
      %dma_start3A_430 = tpu.memref_slice %arg6[%mul3A_429] : memref<10000xi32, #tpu.memory_space<vmem>> -> memref<128xi32, #tpu.memory_space<vmem>>
      %dma_start3A_431 = arith.constant 0 : i32
      %dma_start3A_432 = arith.constant 0 : i32
      %dma_start3A_433 = tpu.memref_slice %arg2[%dma_start3A_431, %dma_start3A_432] : memref<10240x8xf32, #tpu.memory_space<hbm>> -> memref<10240x8xf32, #tpu.memory_space<hbm>>
      tpu.enqueue_indirect_dma source(%dma_start3A_433 : memref<10240x8xf32, #tpu.memory_space<hbm>>) target(%arg12 : memref<128x8xf32, #tpu.memory_space<vmem>>) offsets(%dma_start3A_430 : memref<128xi32, #tpu.memory_space<vmem>>) semaphore(%arg17 : memref<!tpu.dma_semaphore, #tpu.memory_space<semaphore_mem>>)
    }
    %scan3A_19 = arith.constant 19 : i32
    %get3A = arith.constant 9728 : index
    %get3A_20 = tpu.vector_load %arg7[%get3A] {strides = array<i32>} : memref<10000xi32, #tpu.memory_space<vmem>>, vector<16xi32>,
    %get3A_21 = vector.shape_cast %get3A_20 : vector<16xi32> to vector<16xi32>
    %swap3A = arith.constant 0 : index
    %swap3A_22 = tpu.vector_load %arg8[%swap3A] {strides = array<i32>} : memref<128xi32, #tpu.memory_space<vmem>>, vector<16xi32>,
    tpu.vector_store %arg8[%swap3A], %get3A_21 {strides = array<i32>} : memref<128xi32, #tpu.memory_space<vmem>>, vector<16xi32>,
    %get3A_23 = arith.constant 9744 : index
    %get3A_24 = tpu.vector_load %arg7[%get3A_23] {strides = array<i32>} : memref<10000xi32, #tpu.memory_space<vmem>>, vector<16xi32>,
    %get3A_25 = vector.shape_cast %get3A_24 : vector<16xi32> to vector<16xi32>
    %swap3A_26 = arith.constant 16 : index
    %swap3A_27 = tpu.vector_load %arg8[%swap3A_26] {strides = array<i32>} : memref<128xi32, #tpu.memory_space<vmem>>, vector<16xi32>,
    tpu.vector_store %arg8[%swap3A_26], %get3A_25 {strides = array<i32>} : memref<128xi32, #tpu.memory_space<vmem>>, vector<16xi32>,
    %get3A_28 = arith.constant 9760 : index
    %get3A_29 = tpu.vector_load %arg7[%get3A_28] {strides = array<i32>} : memref<10000xi32, #tpu.memory_space<vmem>>, vector<16xi32>,
    %get3A_30 = vector.shape_cast %get3A_29 : vector<16xi32> to vector<16xi32>
    %swap3A_31 = arith.constant 32 : index
    %swap3A_32 = tpu.vector_load %arg8[%swap3A_31] {strides = array<i32>} : memref<128xi32, #tpu.memory_space<vmem>>, vector<16xi32>,
    tpu.vector_store %arg8[%swap3A_31], %get3A_30 {strides = array<i32>} : memref<128xi32, #tpu.memory_space<vmem>>, vector<16xi32>,
    %get3A_33 = arith.constant 9776 : index
    %get3A_34 = tpu.vector_load %arg7[%get3A_33] {strides = array<i32>} : memref<10000xi32, #tpu.memory_space<vmem>>, vector<16xi32>,
    %get3A_35 = vector.shape_cast %get3A_34 : vector<16xi32> to vector<16xi32>
    %swap3A_36 = arith.constant 48 : index
    %swap3A_37 = tpu.vector_load %arg8[%swap3A_36] {strides = array<i32>} : memref<128xi32, #tpu.memory_space<vmem>>, vector<16xi32>,
    tpu.vector_store %arg8[%swap3A_36], %get3A_35 {strides = array<i32>} : memref<128xi32, #tpu.memory_space<vmem>>, vector<16xi32>,
    %get3A_38 = arith.constant 9792 : index
    %get3A_39 = tpu.vector_load %arg7[%get3A_38] {strides = array<i32>} : memref<10000xi32, #tpu.memory_space<vmem>>, vector<16xi32>,
    %get3A_40 = vector.shape_cast %get3A_39 : vector<16xi32> to vector<16xi32>
    %swap3A_41 = arith.constant 64 : index
    %swap3A_42 = tpu.vector_load %arg8[%swap3A_41] {strides = array<i32>} : memref<128xi32, #tpu.memory_space<vmem>>, vector<16xi32>,
    tpu.vector_store %arg8[%swap3A_41], %get3A_40 {strides = array<i32>} : memref<128xi32, #tpu.memory_space<vmem>>, vector<16xi32>,
    %get3A_43 = arith.constant 9808 : index
    %get3A_44 = tpu.vector_load %arg7[%get3A_43] {strides = array<i32>} : memref<10000xi32, #tpu.memory_space<vmem>>, vector<16xi32>,
    %get3A_45 = vector.shape_cast %get3A_44 : vector<16xi32> to vector<16xi32>
    %swap3A_46 = arith.constant 80 : index
    %swap3A_47 = tpu.vector_load %arg8[%swap3A_46] {strides = array<i32>} : memref<128xi32, #tpu.memory_space<vmem>>, vector<16xi32>,
    tpu.vector_store %arg8[%swap3A_46], %get3A_45 {strides = array<i32>} : memref<128xi32, #tpu.memory_space<vmem>>, vector<16xi32>,
    %get3A_48 = arith.constant 9824 : index
    %get3A_49 = tpu.vector_load %arg7[%get3A_48] {strides = array<i32>} : memref<10000xi32, #tpu.memory_space<vmem>>, vector<16xi32>,
    %get3A_50 = vector.shape_cast %get3A_49 : vector<16xi32> to vector<16xi32>
    %swap3A_51 = arith.constant 96 : index
    %swap3A_52 = tpu.vector_load %arg8[%swap3A_51] {strides = array<i32>} : memref<128xi32, #tpu.memory_space<vmem>>, vector<16xi32>,
    tpu.vector_store %arg8[%swap3A_51], %get3A_50 {strides = array<i32>} : memref<128xi32, #tpu.memory_space<vmem>>, vector<16xi32>,
    %get3A_53 = arith.constant 9840 : index
    %get3A_54 = tpu.vector_load %arg7[%get3A_53] {strides = array<i32>} : memref<10000xi32, #tpu.memory_space<vmem>>, vector<16xi32>,
    %get3A_55 = vector.shape_cast %get3A_54 : vector<16xi32> to vector<16xi32>
    %swap3A_56 = arith.constant 112 : index
    %swap3A_57 = tpu.vector_load %arg8[%swap3A_56] {strides = array<i32>} : memref<128xi32, #tpu.memory_space<vmem>>, vector<16xi32>,
    tpu.vector_store %arg8[%swap3A_56], %get3A_55 {strides = array<i32>} : memref<128xi32, #tpu.memory_space<vmem>>, vector<16xi32>,
    %dma_wait3A = arith.constant 9728 : i32
    %dma_wait3A_58 = tpu.memref_slice %arg6[%dma_wait3A] : memref<10000xi32, #tpu.memory_space<vmem>> -> memref<128xi32, #tpu.memory_space<vmem>>
    %dma_wait3A_59 = arith.constant 0 : i32
    %dma_wait3A_60 = arith.constant 0 : i32
    %dma_wait3A_61 = tpu.memref_slice %arg2[%dma_wait3A_59, %dma_wait3A_60] : memref<10240x8xf32, #tpu.memory_space<hbm>> -> memref<10240x8xf32, #tpu.memory_space<hbm>>
    tpu.wait_indirect_dma semaphore(%arg16 : memref<!tpu.dma_semaphore, #tpu.memory_space<semaphore_mem>>) src(%dma_wait3A_61 : memref<10240x8xf32, #tpu.memory_space<hbm>>) dst(%arg11 : memref<128x8xf32, #tpu.memory_space<vmem>>)
    %dma_start3A_62 = arith.constant 0 : i32
    %dma_start3A_63 = arith.constant 0 : i32
    %dma_start3A_64 = tpu.memref_slice %arg24[%dma_start3A_62, %dma_start3A_63] : memref<10240x8xf32, #tpu.memory_space<vmem_shared>> -> memref<10240x8xf32, #tpu.memory_space<vmem_shared>>
    tpu.enqueue_indirect_dma source(%arg11 : memref<128x8xf32, #tpu.memory_space<vmem>>) target(%dma_start3A_64 : memref<10240x8xf32, #tpu.memory_space<vmem_shared>>) offsets(%arg8 : memref<128xi32, #tpu.memory_space<vmem>>) semaphore(%arg20 : memref<!tpu.dma_semaphore, #tpu.memory_space<semaphore_mem>>) {add = true}
    %dma_wait3A_65 = arith.constant 0 : i32
    %dma_wait3A_66 = arith.constant 0 : i32
    %dma_wait3A_67 = tpu.memref_slice %arg24[%dma_wait3A_65, %dma_wait3A_66] : memref<10240x8xf32, #tpu.memory_space<vmem_shared>> -> memref<10240x8xf32, #tpu.memory_space<vmem_shared>>
    tpu.wait_indirect_dma semaphore(%arg23 : memref<!tpu.dma_semaphore, #tpu.memory_space<semaphore_mem>>) src(%arg14 : memref<128x8xf32, #tpu.memory_space<vmem>>) dst(%dma_wait3A_67 : memref<10240x8xf32, #tpu.memory_space<vmem_shared>>)
    %get3A_68 = arith.constant 9856 : index
    %get3A_69 = tpu.vector_load %arg7[%get3A_68] {strides = array<i32>} : memref<10000xi32, #tpu.memory_space<vmem>>, vector<16xi32>,
    %get3A_70 = vector.shape_cast %get3A_69 : vector<16xi32> to vector<16xi32>
    %swap3A_71 = arith.constant 0 : index
    %swap3A_72 = tpu.vector_load %arg9[%swap3A_71] {strides = array<i32>} : memref<128xi32, #tpu.memory_space<vmem>>, vector<16xi32>,
    tpu.vector_store %arg9[%swap3A_71], %get3A_70 {strides = array<i32>} : memref<128xi32, #tpu.memory_space<vmem>>, vector<16xi32>,
    %get3A_73 = arith.constant 9872 : index
    %get3A_74 = tpu.vector_load %arg7[%get3A_73] {strides = array<i32>} : memref<10000xi32, #tpu.memory_space<vmem>>, vector<16xi32>,
    %get3A_75 = vector.shape_cast %get3A_74 : vector<16xi32> to vector<16xi32>
    %swap3A_76 = arith.constant 16 : index
    %swap3A_77 = tpu.vector_load %arg9[%swap3A_76] {strides = array<i32>} : memref<128xi32, #tpu.memory_space<vmem>>, vector<16xi32>,
    tpu.vector_store %arg9[%swap3A_76], %get3A_75 {strides = array<i32>} : memref<128xi32, #tpu.memory_space<vmem>>, vector<16xi32>,
    %get3A_78 = arith.constant 9888 : index
    %get3A_79 = tpu.vector_load %arg7[%get3A_78] {strides = array<i32>} : memref<10000xi32, #tpu.memory_space<vmem>>, vector<16xi32>,
    %get3A_80 = vector.shape_cast %get3A_79 : vector<16xi32> to vector<16xi32>
    %swap3A_81 = arith.constant 32 : index
    %swap3A_82 = tpu.vector_load %arg9[%swap3A_81] {strides = array<i32>} : memref<128xi32, #tpu.memory_space<vmem>>, vector<16xi32>,
    tpu.vector_store %arg9[%swap3A_81], %get3A_80 {strides = array<i32>} : memref<128xi32, #tpu.memory_space<vmem>>, vector<16xi32>,
    %get3A_83 = arith.constant 9904 : index
    %get3A_84 = tpu.vector_load %arg7[%get3A_83] {strides = array<i32>} : memref<10000xi32, #tpu.memory_space<vmem>>, vector<16xi32>,
    %get3A_85 = vector.shape_cast %get3A_84 : vector<16xi32> to vector<16xi32>
    %swap3A_86 = arith.constant 48 : index
    %swap3A_87 = tpu.vector_load %arg9[%swap3A_86] {strides = array<i32>} : memref<128xi32, #tpu.memory_space<vmem>>, vector<16xi32>,
    tpu.vector_store %arg9[%swap3A_86], %get3A_85 {strides = array<i32>} : memref<128xi32, #tpu.memory_space<vmem>>, vector<16xi32>,
    %get3A_88 = arith.constant 9920 : index
    %get3A_89 = tpu.vector_load %arg7[%get3A_88] {strides = array<i32>} : memref<10000xi32, #tpu.memory_space<vmem>>, vector<16xi32>,
    %get3A_90 = vector.shape_cast %get3A_89 : vector<16xi32> to vector<16xi32>
    %swap3A_91 = arith.constant 64 : index
    %swap3A_92 = tpu.vector_load %arg9[%swap3A_91] {strides = array<i32>} : memref<128xi32, #tpu.memory_space<vmem>>, vector<16xi32>,
    tpu.vector_store %arg9[%swap3A_91], %get3A_90 {strides = array<i32>} : memref<128xi32, #tpu.memory_space<vmem>>, vector<16xi32>,
    %get3A_93 = arith.constant 9936 : index
    %get3A_94 = tpu.vector_load %arg7[%get3A_93] {strides = array<i32>} : memref<10000xi32, #tpu.memory_space<vmem>>, vector<16xi32>,
    %get3A_95 = vector.shape_cast %get3A_94 : vector<16xi32> to vector<16xi32>
    %swap3A_96 = arith.constant 80 : index
    %swap3A_97 = tpu.vector_load %arg9[%swap3A_96] {strides = array<i32>} : memref<128xi32, #tpu.memory_space<vmem>>, vector<16xi32>,
    tpu.vector_store %arg9[%swap3A_96], %get3A_95 {strides = array<i32>} : memref<128xi32, #tpu.memory_space<vmem>>, vector<16xi32>,
    %get3A_98 = arith.constant 9952 : index
    %get3A_99 = tpu.vector_load %arg7[%get3A_98] {strides = array<i32>} : memref<10000xi32, #tpu.memory_space<vmem>>, vector<16xi32>,
    %get3A_100 = vector.shape_cast %get3A_99 : vector<16xi32> to vector<16xi32>
    %swap3A_101 = arith.constant 96 : index
    %swap3A_102 = tpu.vector_load %arg9[%swap3A_101] {strides = array<i32>} : memref<128xi32, #tpu.memory_space<vmem>>, vector<16xi32>,
    tpu.vector_store %arg9[%swap3A_101], %get3A_100 {strides = array<i32>} : memref<128xi32, #tpu.memory_space<vmem>>, vector<16xi32>,
    %get3A_103 = arith.constant 9968 : index
    %get3A_104 = tpu.vector_load %arg7[%get3A_103] {strides = array<i32>} : memref<10000xi32, #tpu.memory_space<vmem>>, vector<16xi32>,
    %get3A_105 = vector.shape_cast %get3A_104 : vector<16xi32> to vector<16xi32>
    %swap3A_106 = arith.constant 112 : index
    %swap3A_107 = tpu.vector_load %arg9[%swap3A_106] {strides = array<i32>} : memref<128xi32, #tpu.memory_space<vmem>>, vector<16xi32>,
    tpu.vector_store %arg9[%swap3A_106], %get3A_105 {strides = array<i32>} : memref<128xi32, #tpu.memory_space<vmem>>, vector<16xi32>,
    %dma_wait3A_108 = arith.constant 9856 : i32
    %dma_wait3A_109 = tpu.memref_slice %arg6[%dma_wait3A_108] : memref<10000xi32, #tpu.memory_space<vmem>> -> memref<128xi32, #tpu.memory_space<vmem>>
    %dma_wait3A_110 = arith.constant 0 : i32
    %dma_wait3A_111 = arith.constant 0 : i32
    %dma_wait3A_112 = tpu.memref_slice %arg2[%dma_wait3A_110, %dma_wait3A_111] : memref<10240x8xf32, #tpu.memory_space<hbm>> -> memref<10240x8xf32, #tpu.memory_space<hbm>>
    tpu.wait_indirect_dma semaphore(%arg17 : memref<!tpu.dma_semaphore, #tpu.memory_space<semaphore_mem>>) src(%dma_wait3A_112 : memref<10240x8xf32, #tpu.memory_space<hbm>>) dst(%arg12 : memref<128x8xf32, #tpu.memory_space<vmem>>)
    %dma_start3A_113 = arith.constant 0 : i32
    %dma_start3A_114 = arith.constant 0 : i32
    %dma_start3A_115 = tpu.memref_slice %arg24[%dma_start3A_113, %dma_start3A_114] : memref<10240x8xf32, #tpu.memory_space<vmem_shared>> -> memref<10240x8xf32, #tpu.memory_space<vmem_shared>>
    tpu.enqueue_indirect_dma source(%arg12 : memref<128x8xf32, #tpu.memory_space<vmem>>) target(%dma_start3A_115 : memref<10240x8xf32, #tpu.memory_space<vmem_shared>>) offsets(%arg9 : memref<128xi32, #tpu.memory_space<vmem>>) semaphore(%arg21 : memref<!tpu.dma_semaphore, #tpu.memory_space<semaphore_mem>>) {add = true}
    %dma_wait3A_116 = arith.constant 0 : i32
    %dma_wait3A_117 = arith.constant 0 : i32
    %dma_wait3A_118 = tpu.memref_slice %arg24[%dma_wait3A_116, %dma_wait3A_117] : memref<10240x8xf32, #tpu.memory_space<vmem_shared>> -> memref<10240x8xf32, #tpu.memory_space<vmem_shared>>
    tpu.wait_indirect_dma semaphore(%arg20 : memref<!tpu.dma_semaphore, #tpu.memory_space<semaphore_mem>>) src(%arg11 : memref<128x8xf32, #tpu.memory_space<vmem>>) dst(%dma_wait3A_118 : memref<10240x8xf32, #tpu.memory_space<vmem_shared>>)
    %get3A_119 = arith.constant 9984 : index
    %get3A_120 = tpu.vector_load %arg7[%get3A_119] {strides = array<i32>} : memref<10000xi32, #tpu.memory_space<vmem>>, vector<16xi32>,
    %swap3A_121 = arith.constant 0 : index
    %swap3A_122 = tpu.vector_load %arg10[%swap3A_121] {strides = array<i32>} : memref<16xi32, #tpu.memory_space<vmem>>, vector<16xi32>,
    tpu.vector_store %arg10[%swap3A_121], %get3A_120 {strides = array<i32>} : memref<16xi32, #tpu.memory_space<vmem>>, vector<16xi32>,
    %dma_start3A_123 = arith.constant 9984 : i32
    %dma_start3A_124 = tpu.memref_slice %arg6[%dma_start3A_123] : memref<10000xi32, #tpu.memory_space<vmem>> -> memref<16xi32, #tpu.memory_space<vmem>>
    %dma_start3A_125 = arith.constant 0 : i32
    %dma_start3A_126 = arith.constant 0 : i32
    %dma_start3A_127 = tpu.memref_slice %arg2[%dma_start3A_125, %dma_start3A_126] : memref<10240x8xf32, #tpu.memory_space<hbm>> -> memref<10240x8xf32, #tpu.memory_space<hbm>>
    tpu.enqueue_indirect_dma source(%dma_start3A_127 : memref<10240x8xf32, #tpu.memory_space<hbm>>) target(%arg15 : memref<16x8xf32, #tpu.memory_space<vmem>>) offsets(%dma_start3A_124 : memref<16xi32, #tpu.memory_space<vmem>>) semaphore(%arg18 : memref<!tpu.dma_semaphore, #tpu.memory_space<semaphore_mem>>)
    %dma_wait3A_128 = arith.constant 9984 : i32
    %dma_wait3A_129 = tpu.memref_slice %arg6[%dma_wait3A_128] : memref<10000xi32, #tpu.memory_space<vmem>> -> memref<16xi32, #tpu.memory_space<vmem>>
    %dma_wait3A_130 = arith.constant 0 : i32
    %dma_wait3A_131 = arith.constant 0 : i32
    %dma_wait3A_132 = tpu.memref_slice %arg2[%dma_wait3A_130, %dma_wait3A_131] : memref<10240x8xf32, #tpu.memory_space<hbm>> -> memref<10240x8xf32, #tpu.memory_space<hbm>>
    tpu.wait_indirect_dma semaphore(%arg18 : memref<!tpu.dma_semaphore, #tpu.memory_space<semaphore_mem>>) src(%dma_wait3A_132 : memref<10240x8xf32, #tpu.memory_space<hbm>>) dst(%arg15 : memref<16x8xf32, #tpu.memory_space<vmem>>)
    "tpu.region"() ({
      %run_scoped3A_144 = tpu.sem_alloc : memref<!tpu.dma_semaphore, #tpu.memory_space<semaphore_mem>>
      %dma_start3A_145 = arith.constant 0 : i32
      %dma_start3A_146 = arith.constant 0 : i32
      %dma_start3A_147 = tpu.memref_slice %arg24[%dma_start3A_145, %dma_start3A_146] : memref<10240x8xf32, #tpu.memory_space<vmem_shared>> -> memref<10240x8xf32, #tpu.memory_space<vmem_shared>>
      tpu.enqueue_indirect_dma source(%arg15 : memref<16x8xf32, #tpu.memory_space<vmem>>) target(%dma_start3A_147 : memref<10240x8xf32, #tpu.memory_space<vmem_shared>>) offsets(%arg10 : memref<16xi32, #tpu.memory_space<vmem>>) semaphore(%run_scoped3A_144 : memref<!tpu.dma_semaphore, #tpu.memory_space<semaphore_mem>>) {add = true}
      %dma_wait3A_148 = arith.constant 0 : i32
      %dma_wait3A_149 = arith.constant 0 : i32
      %dma_wait3A_150 = tpu.memref_slice %arg24[%dma_wait3A_148, %dma_wait3A_149] : memref<10240x8xf32, #tpu.memory_space<vmem_shared>> -> memref<10240x8xf32, #tpu.memory_space<vmem_shared>>
      tpu.wait_indirect_dma semaphore(%run_scoped3A_144 : memref<!tpu.dma_semaphore, #tpu.memory_space<semaphore_mem>>) src(%arg15 : memref<16x8xf32, #tpu.memory_space<vmem>>) dst(%dma_wait3A_150 : memref<10240x8xf32, #tpu.memory_space<vmem_shared>>)
      tpu.yield
    }) : () -> ()
    %dma_wait3A_133 = arith.constant 0 : i32
    %dma_wait3A_134 = arith.constant 0 : i32
    %dma_wait3A_135 = tpu.memref_slice %arg24[%dma_wait3A_133, %dma_wait3A_134] : memref<10240x8xf32, #tpu.memory_space<vmem_shared>> -> memref<10240x8xf32, #tpu.memory_space<vmem_shared>>
    tpu.wait_indirect_dma semaphore(%arg21 : memref<!tpu.dma_semaphore, #tpu.memory_space<semaphore_mem>>) src(%arg12 : memref<128x8xf32, #tpu.memory_space<vmem>>) dst(%dma_wait3A_135 : memref<10240x8xf32, #tpu.memory_space<vmem_shared>>)
    %barrier3A_136 = arith.constant 0 : index
    tpu.barrier barrier_id(%barrier3A_136)
    %mul3A_137 = arith.constant 640 : i32
    %mul3A_138 = arith.muli %arg1, %mul3A_137 : i32
    %mul3A_139 = arith.constant 10240 : i32
    %mul3A_140 = arith.muli %arg0, %mul3A_139 : i32
    %mul3A_141 = arith.constant 640 : i32
    %mul3A_142 = arith.muli %arg1, %mul3A_141 : i32
    %add3A_143 = arith.addi %mul3A_140, %mul3A_142 : i32
    "tpu.region"() ({
      %run_scoped3A_144 = tpu.sem_alloc : memref<!tpu.dma_semaphore, #tpu.memory_space<semaphore_mem>>
      %dma_start3A_145 = arith.constant 0 : i32
      %dma_start3A_146 = tpu.memref_slice %arg5[%add3A_143, %dma_start3A_145] : memref<20480x8xf32, #tpu.memory_space<hbm>> -> memref<640x8xf32, #tpu.memory_space<hbm>>
      %dma_start3A_147 = arith.constant 0 : i32
      %dma_start3A_148 = tpu.memref_slice %arg24[%mul3A_138, %dma_start3A_147] : memref<10240x8xf32, #tpu.memory_space<vmem_shared>> -> memref<640x8xf32, #tpu.memory_space<vmem_shared>>
      tpu.enqueue_dma source(%dma_start3A_148 : memref<640x8xf32, #tpu.memory_space<vmem_shared>>) target(%dma_start3A_146 : memref<640x8xf32, #tpu.memory_space<hbm>>) target_semaphore(%run_scoped3A_144 : memref<!tpu.dma_semaphore, #tpu.memory_space<semaphore_mem>>)
      %dma_wait3A_149 = arith.constant 0 : i32
      %dma_wait3A_150 = tpu.memref_slice %arg5[%add3A_143, %dma_wait3A_149] : memref<20480x8xf32, #tpu.memory_space<hbm>> -> memref<640x8xf32, #tpu.memory_space<hbm>>
      %dma_wait3A_151 = arith.constant 0 : i32
      %dma_wait3A_152 = tpu.memref_slice %arg24[%mul3A_138, %dma_wait3A_151] : memref<10240x8xf32, #tpu.memory_space<vmem_shared>> -> memref<640x8xf32, #tpu.memory_space<vmem_shared>>
      tpu.wait_dma2 semaphore(%run_scoped3A_144 : memref<!tpu.dma_semaphore, #tpu.memory_space<semaphore_mem>>) src(%dma_wait3A_152 : memref<640x8xf32, #tpu.memory_space<vmem_shared>>) dst(%dma_wait3A_150 : memref<640x8xf32, #tpu.memory_space<hbm>>)
      tpu.yield
    }) : () -> ()
    return
  }
}

module attributes {stable_mosaic.version = 14 : i64} {
  func.func @_dense1_body(%arg0: i32, %arg1: memref<1x20480xf32, #tpu.memory_space<vmem>>, %arg2: memref<10240x128xf32, #tpu.memory_space<vmem>>, %arg3: memref<128x16xf32, #tpu.memory_space<vmem>>, %arg4: memref<10240x16xf32, #tpu.memory_space<vmem>>) attributes {dimension_semantics = [#tpu.dimension_semantics<arbitrary>], iteration_bounds = array<i64: 1>, scalar_prefetch = 0 : i64, scratch_operands = 0 : i64, tpu.core_type = #tpu.core_type<tc>, window_params = [{pipeline_mode = #tpu.pipeline_mode<synchronous>, transform_indices = @transform_0, window_bounds = array<i64: 1, 20480>}, {transform_indices = @transform_1, window_bounds = array<i64: 10240, 128>}, {pipeline_mode = #tpu.pipeline_mode<synchronous>, transform_indices = @transform_2, window_bounds = array<i64: 128, 16>}, {pipeline_mode = #tpu.pipeline_mode<synchronous>, transform_indices = @transform_3, window_bounds = array<i64: 10240, 16>}]} {
    %get3A = arith.constant 0 : index
    %get3A_0 = arith.constant 0 : index
    %get3A_1 = vector.load %arg2[%get3A, %get3A_0] : memref<10240x128xf32, #tpu.memory_space<vmem>>, vector<10240x128xf32>
    %get3A_2 = arith.constant 0 : index
    %get3A_3 = arith.constant 0 : index
    %get3A_4 = vector.load %arg3[%get3A_2, %get3A_3] : memref<128x16xf32, #tpu.memory_space<vmem>>, vector<128x16xf32>
    %dot_general3A = arith.constant dense<0.000000e+00> : vector<10240x16xf32>
    %dot_general3A_5 = tpu.matmul %get3A_1, %get3A_4, %dot_general3A {dimension_numbers = #tpu.dot_dimension_numbers<[1], [0], [0], [1], [0, 0, 1, 1], [], []>, transpose_lhs_hint = false} : vector<10240x128xf32>, vector<128x16xf32>, vector<10240x16xf32> -> vector<10240x16xf32>
    %get3A_6 = arith.constant 0 : index
    %get3A_7 = arith.constant 0 : index
    %get3A_8 = vector.load %arg1[%get3A_6, %get3A_7] : memref<1x20480xf32, #tpu.memory_space<vmem>>, vector<1x10240xf32>
    %get3A_9 = arith.constant 0 : index
    %get3A_10 = arith.constant 10240 : index
    %get3A_11 = vector.load %arg1[%get3A_9, %get3A_10] : memref<1x20480xf32, #tpu.memory_space<vmem>>, vector<1x10240xf32>
    %add3A = arith.addf %get3A_8, %get3A_11 : vector<1x10240xf32>
    %add3A_12 = arith.constant 1.000000e+00 : f32
    %add3A_13 = vector.broadcast %add3A_12 : f32 to vector<1x10240xf32>
    %add3A_14 = arith.addf %add3A, %add3A_13 : vector<1x10240xf32>
    %rsqrt3A = math.rsqrt %add3A_14 : vector<1x10240xf32>
    %reshape3A = vector.shape_cast %rsqrt3A : vector<1x10240xf32> to vector<10240x1xf32>
    %mul3A = vector.broadcast %reshape3A : vector<10240x1xf32> to vector<10240x16xf32>
    %mul3A_15 = arith.mulf %dot_general3A_5, %mul3A : vector<10240x16xf32>
    %swap3A = arith.constant 0 : index
    %swap3A_16 = arith.constant 0 : index
    %swap3A_17 = vector.load %arg4[%swap3A, %swap3A_16] : memref<10240x16xf32, #tpu.memory_space<vmem>>, vector<10240x16xf32>
    tpu.vector_store %arg4[%swap3A, %swap3A_16], %mul3A_15 {strides = array<i32>} : memref<10240x16xf32, #tpu.memory_space<vmem>>, vector<10240x16xf32>,
    return
  }
  func.func @transform_0(%arg0: i32) -> (i32, i32) {
    %c0_i32 = arith.constant 0 : i32
    %c0_i32_0 = arith.constant 0 : i32
    %c0_i32_1 = arith.constant 0 : i32
    return %c0_i32, %c0_i32_0 : i32, i32
  }
  func.func @transform_1(%arg0: i32) -> (i32, i32) {
    %c0_i32 = arith.constant 0 : i32
    %c0_i32_0 = arith.constant 0 : i32
    %c0_i32_1 = arith.constant 0 : i32
    return %c0_i32, %c0_i32_0 : i32, i32
  }
  func.func @transform_2(%arg0: i32) -> (i32, i32) {
    %c0_i32 = arith.constant 0 : i32
    %c0_i32_0 = arith.constant 0 : i32
    %c0_i32_1 = arith.constant 0 : i32
    return %c0_i32, %c0_i32_0 : i32, i32
  }
  func.func @transform_3(%arg0: i32) -> (i32, i32) {
    %c0_i32 = arith.constant 0 : i32
    %c0_i32_0 = arith.constant 0 : i32
    %c0_i32_1 = arith.constant 0 : i32
    return %c0_i32, %c0_i32_0 : i32, i32
  }
}

module attributes {stable_mosaic.version = 14 : i64} {
  func.func @_dense2_body(%arg0: i32, %arg1: memref<1x20480xf32, #tpu.memory_space<vmem>>, %arg2: memref<10240x16xf32, #tpu.memory_space<vmem>>, %arg3: memref<10240x16xf32, #tpu.memory_space<vmem>>, %arg4: memref<10240x16xf32, #tpu.memory_space<vmem>>, %arg5: memref<1x16xf32, #tpu.memory_space<vmem>>, %arg6: memref<16x8xf32, #tpu.memory_space<vmem>>, %arg7: memref<10240x8xf32, #tpu.memory_space<vmem>>) attributes {dimension_semantics = [#tpu.dimension_semantics<arbitrary>], iteration_bounds = array<i64: 1>, scalar_prefetch = 0 : i64, scratch_operands = 0 : i64, tpu.core_type = #tpu.core_type<tc>, window_params = [{pipeline_mode = #tpu.pipeline_mode<synchronous>, transform_indices = @transform_0, window_bounds = array<i64: 1, 20480>}, {transform_indices = @transform_1, window_bounds = array<i64: 10240, 16>}, {transform_indices = @transform_2, window_bounds = array<i64: 10240, 16>}, {pipeline_mode = #tpu.pipeline_mode<synchronous>, transform_indices = @transform_3, window_bounds = array<i64: 10240, 16>}, {pipeline_mode = #tpu.pipeline_mode<synchronous>, transform_indices = @transform_4, window_bounds = array<i64: 1, 16>}, {pipeline_mode = #tpu.pipeline_mode<synchronous>, transform_indices = @transform_5, window_bounds = array<i64: 16, 8>}, {pipeline_mode = #tpu.pipeline_mode<synchronous>, transform_indices = @transform_6, window_bounds = array<i64: 10240, 8>}]} {
    %get3A = arith.constant 0 : index
    %get3A_0 = arith.constant 0 : index
    %get3A_1 = vector.load %arg1[%get3A, %get3A_0] : memref<1x20480xf32, #tpu.memory_space<vmem>>, vector<1x10240xf32>
    %get3A_2 = arith.constant 0 : index
    %get3A_3 = arith.constant 10240 : index
    %get3A_4 = vector.load %arg1[%get3A_2, %get3A_3] : memref<1x20480xf32, #tpu.memory_space<vmem>>, vector<1x10240xf32>
    %add3A = arith.addf %get3A_1, %get3A_4 : vector<1x10240xf32>
    %add3A_5 = arith.constant 1.000000e+00 : f32
    %add3A_6 = vector.broadcast %add3A_5 : f32 to vector<1x10240xf32>
    %add3A_7 = arith.addf %add3A, %add3A_6 : vector<1x10240xf32>
    %rsqrt3A = math.rsqrt %add3A_7 : vector<1x10240xf32>
    %reshape3A = vector.shape_cast %rsqrt3A : vector<1x10240xf32> to vector<10240x1xf32>
    %get3A_8 = arith.constant 0 : index
    %get3A_9 = arith.constant 0 : index
    %get3A_10 = vector.load %arg2[%get3A_8, %get3A_9] : memref<10240x16xf32, #tpu.memory_space<vmem>>, vector<10240x16xf32>
    %get3A_11 = arith.constant 0 : index
    %get3A_12 = arith.constant 0 : index
    %get3A_13 = vector.load %arg3[%get3A_11, %get3A_12] : memref<10240x16xf32, #tpu.memory_space<vmem>>, vector<10240x16xf32>
    %add3A_14 = arith.addf %get3A_10, %get3A_13 : vector<10240x16xf32>
    %get3A_15 = arith.constant 0 : index
    %get3A_16 = arith.constant 0 : index
    %get3A_17 = vector.load %arg4[%get3A_15, %get3A_16] : memref<10240x16xf32, #tpu.memory_space<vmem>>, vector<10240x16xf32>
    %add3A_18 = arith.addf %add3A_14, %get3A_17 : vector<10240x16xf32>
    %mul3A = vector.broadcast %reshape3A : vector<10240x1xf32> to vector<10240x16xf32>
    %mul3A_19 = arith.mulf %mul3A, %add3A_18 : vector<10240x16xf32>
    %get3A_20 = arith.constant 0 : index
    %get3A_21 = arith.constant 0 : index
    %get3A_22 = vector.load %arg5[%get3A_20, %get3A_21] : memref<1x16xf32, #tpu.memory_space<vmem>>, vector<1x16xf32>
    %add3A_23 = vector.broadcast %get3A_22 : vector<1x16xf32> to vector<10240x16xf32>
    %add3A_24 = arith.addf %mul3A_19, %add3A_23 : vector<10240x16xf32>
    %max3A = arith.constant 0.000000e+00 : f32
    %max3A_25 = vector.broadcast %max3A : f32 to vector<10240x16xf32>
    %max3A_26 = arith.maximumf %add3A_24, %max3A_25 : vector<10240x16xf32>
    %get3A_27 = arith.constant 0 : index
    %get3A_28 = arith.constant 0 : index
    %get3A_29 = vector.load %arg6[%get3A_27, %get3A_28] : memref<16x8xf32, #tpu.memory_space<vmem>>, vector<16x8xf32>
    %dot_general3A = arith.constant dense<0.000000e+00> : vector<10240x8xf32>
    %dot_general3A_30 = tpu.matmul %max3A_26, %get3A_29, %dot_general3A {dimension_numbers = #tpu.dot_dimension_numbers<[1], [0], [0], [1], [0, 0, 1, 1], [], []>, transpose_lhs_hint = false} : vector<10240x16xf32>, vector<16x8xf32>, vector<10240x8xf32> -> vector<10240x8xf32>
    %mul3A_31 = vector.broadcast %reshape3A : vector<10240x1xf32> to vector<10240x8xf32>
    %mul3A_32 = arith.mulf %dot_general3A_30, %mul3A_31 : vector<10240x8xf32>
    %swap3A = arith.constant 0 : index
    %swap3A_33 = arith.constant 0 : index
    %swap3A_34 = vector.load %arg7[%swap3A, %swap3A_33] : memref<10240x8xf32, #tpu.memory_space<vmem>>, vector<10240x8xf32>
    tpu.vector_store %arg7[%swap3A, %swap3A_33], %mul3A_32 {strides = array<i32>} : memref<10240x8xf32, #tpu.memory_space<vmem>>, vector<10240x8xf32>,
    return
  }
  func.func @transform_0(%arg0: i32) -> (i32, i32) {
    %c0_i32 = arith.constant 0 : i32
    %c0_i32_0 = arith.constant 0 : i32
    %c0_i32_1 = arith.constant 0 : i32
    return %c0_i32, %c0_i32_0 : i32, i32
  }
  func.func @transform_1(%arg0: i32) -> (i32, i32) {
    %c0_i32 = arith.constant 0 : i32
    %c0_i32_0 = arith.constant 0 : i32
    %c0_i32_1 = arith.constant 0 : i32
    return %c0_i32, %c0_i32_0 : i32, i32
  }
  func.func @transform_2(%arg0: i32) -> (i32, i32) {
    %c1_i32 = arith.constant 1 : i32
    %c0_i32 = arith.constant 0 : i32
    %c0_i32_0 = arith.constant 0 : i32
    return %c1_i32, %c0_i32 : i32, i32
  }
  func.func @transform_3(%arg0: i32) -> (i32, i32) {
    %c0_i32 = arith.constant 0 : i32
    %c0_i32_0 = arith.constant 0 : i32
    %c0_i32_1 = arith.constant 0 : i32
    return %c0_i32, %c0_i32_0 : i32, i32
  }
  func.func @transform_4(%arg0: i32) -> (i32, i32) {
    %c0_i32 = arith.constant 0 : i32
    %c0_i32_0 = arith.constant 0 : i32
    %c0_i32_1 = arith.constant 0 : i32
    return %c0_i32, %c0_i32_0 : i32, i32
  }
  func.func @transform_5(%arg0: i32) -> (i32, i32) {
    %c0_i32 = arith.constant 0 : i32
    %c0_i32_0 = arith.constant 0 : i32
    %c0_i32_1 = arith.constant 0 : i32
    return %c0_i32, %c0_i32_0 : i32, i32
  }
  func.func @transform_6(%arg0: i32) -> (i32, i32) {
    %c0_i32 = arith.constant 0 : i32
    %c0_i32_0 = arith.constant 0 : i32
    %c0_i32_1 = arith.constant 0 : i32
    return %c0_i32, %c0_i32_0 : i32, i32
  }
}

module attributes {stable_mosaic.version = 14 : i64} {
  func.func @_dense3_body(%arg0: i32, %arg1: memref<1x20480xf32, #tpu.memory_space<vmem>>, %arg2: memref<10240x8xf32, #tpu.memory_space<vmem>>, %arg3: memref<10240x8xf32, #tpu.memory_space<vmem>>, %arg4: memref<10240x8xf32, #tpu.memory_space<vmem>>, %arg5: memref<1x8xf32, #tpu.memory_space<vmem>>, %arg6: memref<10240x7xf32, #tpu.memory_space<vmem>>) attributes {dimension_semantics = [#tpu.dimension_semantics<arbitrary>], iteration_bounds = array<i64: 1>, scalar_prefetch = 0 : i64, scratch_operands = 0 : i64, tpu.core_type = #tpu.core_type<tc>, window_params = [{pipeline_mode = #tpu.pipeline_mode<synchronous>, transform_indices = @transform_0, window_bounds = array<i64: 1, 20480>}, {transform_indices = @transform_1, window_bounds = array<i64: 10240, 8>}, {transform_indices = @transform_2, window_bounds = array<i64: 10240, 8>}, {pipeline_mode = #tpu.pipeline_mode<synchronous>, transform_indices = @transform_3, window_bounds = array<i64: 10240, 8>}, {pipeline_mode = #tpu.pipeline_mode<synchronous>, transform_indices = @transform_4, window_bounds = array<i64: 1, 8>}, {transform_indices = @transform_5, window_bounds = array<i64: 10240, 7>}]} {
    %get3A = arith.constant 0 : index
    %get3A_0 = arith.constant 0 : index
    %get3A_1 = vector.load %arg1[%get3A, %get3A_0] : memref<1x20480xf32, #tpu.memory_space<vmem>>, vector<1x10240xf32>
    %get3A_2 = arith.constant 0 : index
    %get3A_3 = arith.constant 10240 : index
    %get3A_4 = vector.load %arg1[%get3A_2, %get3A_3] : memref<1x20480xf32, #tpu.memory_space<vmem>>, vector<1x10240xf32>
    %add3A = arith.addf %get3A_1, %get3A_4 : vector<1x10240xf32>
    %add3A_5 = arith.constant 1.000000e+00 : f32
    %add3A_6 = vector.broadcast %add3A_5 : f32 to vector<1x10240xf32>
    %add3A_7 = arith.addf %add3A, %add3A_6 : vector<1x10240xf32>
    %rsqrt3A = math.rsqrt %add3A_7 : vector<1x10240xf32>
    %reshape3A = vector.shape_cast %rsqrt3A : vector<1x10240xf32> to vector<10240x1xf32>
    %get3A_8 = arith.constant 0 : index
    %get3A_9 = arith.constant 0 : index
    %get3A_10 = vector.load %arg2[%get3A_8, %get3A_9] : memref<10240x8xf32, #tpu.memory_space<vmem>>, vector<10240x8xf32>
    %get3A_11 = arith.constant 0 : index
    %get3A_12 = arith.constant 0 : index
    %get3A_13 = vector.load %arg3[%get3A_11, %get3A_12] : memref<10240x8xf32, #tpu.memory_space<vmem>>, vector<10240x8xf32>
    %add3A_14 = arith.addf %get3A_10, %get3A_13 : vector<10240x8xf32>
    %get3A_15 = arith.constant 0 : index
    %get3A_16 = arith.constant 0 : index
    %get3A_17 = vector.load %arg4[%get3A_15, %get3A_16] : memref<10240x8xf32, #tpu.memory_space<vmem>>, vector<10240x8xf32>
    %add3A_18 = arith.addf %add3A_14, %get3A_17 : vector<10240x8xf32>
    %mul3A = vector.broadcast %reshape3A : vector<10240x1xf32> to vector<10240x8xf32>
    %mul3A_19 = arith.mulf %mul3A, %add3A_18 : vector<10240x8xf32>
    %get3A_20 = arith.constant 0 : index
    %get3A_21 = arith.constant 0 : index
    %get3A_22 = vector.load %arg5[%get3A_20, %get3A_21] : memref<1x8xf32, #tpu.memory_space<vmem>>, vector<1x8xf32>
    %add3A_23 = vector.broadcast %get3A_22 : vector<1x8xf32> to vector<10240x8xf32>
    %add3A_24 = arith.addf %mul3A_19, %add3A_23 : vector<10240x8xf32>
    %slice3A = vector.extract_strided_slice %add3A_24 {offsets = [0, 0], sizes = [10240, 7], strides = [1, 1]} : vector<10240x8xf32> to vector<10240x7xf32>
    %reduce_max3A = arith.constant dense<0xFF800000> : vector<10240xf32>
    %reduce_max3A_25 = vector.multi_reduction <maximumf>, %slice3A, %reduce_max3A [1] : vector<10240x7xf32> to vector<10240xf32>
    %broadcast_in_dim3A = vector.shape_cast %reduce_max3A_25 : vector<10240xf32> to vector<10240x1xf32>
    %sub3A = vector.broadcast %broadcast_in_dim3A : vector<10240x1xf32> to vector<10240x7xf32>
    %sub3A_26 = arith.subf %slice3A, %sub3A : vector<10240x7xf32>
    %exp3A = math.exp %sub3A_26 : vector<10240x7xf32>
    %reduce_sum3A = arith.constant dense<0.000000e+00> : vector<10240xf32>
    %reduce_sum3A_27 = vector.multi_reduction <add>, %exp3A, %reduce_sum3A [1] : vector<10240x7xf32> to vector<10240xf32>
    %broadcast_in_dim3A_28 = vector.shape_cast %reduce_sum3A_27 : vector<10240xf32> to vector<10240x1xf32>
    %log3A = math.log %broadcast_in_dim3A_28 : vector<10240x1xf32>
    %sub3A_29 = vector.broadcast %log3A : vector<10240x1xf32> to vector<10240x7xf32>
    %sub3A_30 = arith.subf %sub3A_26, %sub3A_29 : vector<10240x7xf32>
    %swap3A = arith.constant 0 : index
    %swap3A_31 = arith.constant 0 : index
    %swap3A_32 = vector.load %arg6[%swap3A, %swap3A_31] : memref<10240x7xf32, #tpu.memory_space<vmem>>, vector<10240x7xf32>
    tpu.vector_store %arg6[%swap3A, %swap3A_31], %sub3A_30 {strides = array<i32>} : memref<10240x7xf32, #tpu.memory_space<vmem>>, vector<10240x7xf32>,
    return
  }
  func.func @transform_0(%arg0: i32) -> (i32, i32) {
    %c0_i32 = arith.constant 0 : i32
    %c0_i32_0 = arith.constant 0 : i32
    %c0_i32_1 = arith.constant 0 : i32
    return %c0_i32, %c0_i32_0 : i32, i32
  }
  func.func @transform_1(%arg0: i32) -> (i32, i32) {
    %c0_i32 = arith.constant 0 : i32
    %c0_i32_0 = arith.constant 0 : i32
    %c0_i32_1 = arith.constant 0 : i32
    return %c0_i32, %c0_i32_0 : i32, i32
  }
  func.func @transform_2(%arg0: i32) -> (i32, i32) {
    %c1_i32 = arith.constant 1 : i32
    %c0_i32 = arith.constant 0 : i32
    %c0_i32_0 = arith.constant 0 : i32
    return %c1_i32, %c0_i32 : i32, i32
  }
  func.func @transform_3(%arg0: i32) -> (i32, i32) {
    %c0_i32 = arith.constant 0 : i32
    %c0_i32_0 = arith.constant 0 : i32
    %c0_i32_1 = arith.constant 0 : i32
    return %c0_i32, %c0_i32_0 : i32, i32
  }
  func.func @transform_4(%arg0: i32) -> (i32, i32) {
    %c0_i32 = arith.constant 0 : i32
    %c0_i32_0 = arith.constant 0 : i32
    %c0_i32_1 = arith.constant 0 : i32
    return %c0_i32, %c0_i32_0 : i32, i32
  }
  func.func @transform_5(%arg0: i32) -> (i32, i32) {
    %c0_i32 = arith.constant 0 : i32
    %c0_i32_0 = arith.constant 0 : i32
    %c0_i32_1 = arith.constant 0 : i32
    return %c0_i32, %c0_i32_0 : i32, i32
  }
}

</mosaic_0001>

<sc_bundles>
// kernel: kernel.11.cloned.1.call-start
scs
__scs_entry_jumppad:
0x0: {  	(pc) =	sbr.rel $0x88, $3  }
0x1: {  	(tag) =	ssettag $0x0;
	lr =	simm.s32 $0x1  }
0x2: {  	[smem:$0x3F9B] =	sst lr;
	_ =	strace $0xD0000000  }
0x3: {  	_ = 	snop  }
0x4: {  	_ = 	snop  }
0x5: {  	_ = 	snop  }
0x6: {  	_ = 	snop  }
0x7: {  	_ = 	snop  }
__scs_overlays_trampoline_lowered:
0x8: {  	[smem:$0x3FAA] =	sst s0  }
0x9: {  	[smem:$0x3FAB] =	sst s1  }
0xa: {  	[smem:$0x3FAC] =	sst s2  }
0xb: {  	[smem:$0x3FAD] =	sst s3  }
0xc: {  	[smem:$0x3FAE] =	sst s4  }
0xd: {  	[smem:$0x3FAF] =	sst s5  }
0xe: {  	[smem:$0x3FB0] =	sst s6  }
0xf: {  	[smem:$0x3FB1] =	sst s7  }
0x10: {  	[smem:$0x3FB2] =	sst s8  }
0x11: {  	[smem:$0x3FB3] =	sst s9;
	s0 =	simm.s32 @!p0 $0x0  }
0x12: {  	s1 =	sld [smem:$0x3F99];
	s0 =	simm.s32 @p0 $0x1  }
0x13: {  	[smem:$0x3FB4] =	sst s0;
	s0 =	simm.s32 @!p1 $0x0  }
0x14: {  	s2 =	sld [smem:$0x3F98];
	s0 =	simm.s32 @p1 $0x1  }
0x15: {  	[smem:$0x3FB5] =	sst s0;
	s0 =	simm.s32 @!p2 $0x0  }
0x16: {  	s3 =	sld [smem:$0x3FDB];
	s0 =	simm.s32 @p2 $0x1  }
0x17: {  	s4 =	simm.s32 $0x1BF5;
	[smem:$0x3FB7] =	sst s0  }
0x18: {  	s0 =	sld [smem:$0x3F9A];
	_ =	swait.ge [sflag:s4], $0x0  }
0x19: {  	s7 =	sld [smem:$0x3F9B]  }
0x1a: {  	s8 =	sadd.s32 $0xFFFFE003, lr  }
0x1b: {  	s9 =	sadd.s32 $0xFFFFFEF7, lr;
	s5 =	simm.s32 $0xFFFFFFFF;
	p2 =	slt.u32 s8, $0xFFFFF086  }
0x1c: {  	p1 =	slt.u32 s9, $0xF7A;
	s5 =	simm.s32 @!p2 $0x0  }
0x1d: {  	s5 =	simm.s32 @p1 $0x1;
	p0 =	seq.s32 s7, s2  }
0x1e: {  	s7 =	smul.u32 @!p0 $0xF7A, s2;
	p2 =	seq.s32 @!p0 s5, $0x0  }
0x1f: {  	s9 =	smul.u32 $0xF7A, s1;
	s8 =	simm.s32 @!p0 $0x1BF5;
	p2 =	por !p2, p0  }
0x20: {  	[sflag:s8] =	ssyncset.s32 @!p0 $0xFFFFF086;
	s6 =	sadd.s32 @!p0 s3, s7;
	s7 =	simm.s32 @!p0 $0x108  }
0x21: {  	s3 =	sadd.s32 s3, s9;
	s6 =	sadd.s32 @!p0 $0x88, s6;
	s7 =	simm.s32 @p2 $0x1082  }
0x22: {  	[simem:s7], [sflag:s8] =	dma.local @!p0 [hbm:s6], $0xF7A  }
0x23: {  	s9 =	sor.u32 $0xD0000000, s2;
	s6 =	simm.s32 $0x108;
	_ =	swait.ge @!p0 [sflag:s8], $0x0  }
0x24: {  	s3 =	sadd.s32 $0x88, s3;
	s6 =	simm.s32 @!p1 $0x1082;
	[sflag:s4] =	ssyncset.s32 $0xFFFFF086  }
0x25: {  	[simem:s6], [sflag:s4] =	dma.local [hbm:s3], $0xF7A  }
0x26: {  	[smem:$0x3F9B] =	sst s1;
	(tag) =	ssettag s2;
	_ =	strace s9  }
0x27: {  	s1 =	sld [smem:$0x3FAB]  }
0x28: {  	s2 =	sld [smem:$0x3FAC]  }
0x29: {  	s4 =	sld [smem:$0x3FAE]  }
0x2a: {  	p0 =	seq.s32 s5, $0x0;
	s5 =	sld [smem:$0x3FAF]  }
0x2b: {  	s6 =	sld [smem:$0x3FB0]  }
0x2c: {  	s7 =	sld [smem:$0x3FB1]  }
0x2d: {  	s3 =	simm.s32 $0x108;
	s8 =	sld [smem:$0x3FB2]  }
0x2e: {  	s3 =	simm.s32 @!p0 $0x1082;
	s9 =	sld [smem:$0x3FB3]  }
0x2f: {  	lr =	sadd.s32 s0, s3;
	s0 =	sld [smem:$0x3FAA]  }
0x30: {  	s3 =	sld [smem:$0x3FAD]  }
0x31: {  	[smem:$0x3FB6] =	sst s10  }
0x32: {  	s10 =	sld [smem:$0x3FB4];
	_ =	sdelay $0x3  }
0x33: {  	p0 =	seq.s32 s10, $0x1;
	s10 =	sld [smem:$0x3FB6];
	_ =	sdelay $0x3  }
0x34: {  	[smem:$0x3FB6] =	sst s10  }
0x35: {  	s10 =	sld [smem:$0x3FB5];
	_ =	sdelay $0x3  }
0x36: {  	p1 =	seq.s32 s10, $0x1;
	s10 =	sld [smem:$0x3FB6];
	_ =	sdelay $0x3  }
0x37: {  	[smem:$0x3FB6] =	sst s10  }
0x38: {  	s10 =	sld [smem:$0x3FB7]  }
0x39: {  	_ = 	snop;
	(pc) =	sbr.ind lr, $3  }
0x3a: {  	_ = 	snop  }
0x3b: {  	_ = 	snop  }
0x3c: {  	p2 =	seq.s32 s10, $0x1;
	s10 =	sld [smem:$0x3FB6]  }
0x3d: {  	_ =	shalt  }
0x3e: {  	_ =	shalt  }
0x3f: {  	_ =	shalt  }
0x40: {  	_ =	shalt  }
0x41: {  	_ =	shalt  }
0x42: {  	_ =	shalt  }
0x43: {  	_ =	shalt  }
0x44: {  	_ =	shalt  }
0x45: {  	_ =	shalt  }
0x46: {  	_ =	shalt  }
0x47: {  	_ =	shalt  }
0x48: {  	_ =	shalt  }
0x49: {  	_ =	shalt  }
0x4a: {  	_ =	shalt  }
0x4b: {  	_ =	shalt  }
0x4c: {  	_ =	shalt  }
0x4d: {  	_ =	shalt  }
0x4e: {  	_ =	shalt  }
0x4f: {  	_ =	shalt  }
0x50: {  	_ =	shalt  }
0x51: {  	_ =	shalt  }
0x52: {  	_ =	shalt  }
0x53: {  	_ =	shalt  }
0x54: {  	_ =	shalt  }
0x55: {  	_ =	shalt  }
0x56: {  	_ =	shalt  }
0x57: {  	_ =	shalt  }
0x58: {  	_ =	shalt  }
0x59: {  	_ =	shalt  }
0x5a: {  	_ =	shalt  }
0x5b: {  	_ =	shalt  }
0x5c: {  	_ =	shalt  }
0x5d: {  	_ =	shalt  }
0x5e: {  	_ =	shalt  }
0x5f: {  	_ =	shalt  }
0x60: {  	_ =	shalt  }
0x61: {  	_ =	shalt  }
0x62: {  	_ =	shalt  }
0x63: {  	_ =	shalt  }
0x64: {  	_ =	shalt  }
0x65: {  	_ =	shalt  }
0x66: {  	_ =	shalt  }
0x67: {  	_ =	shalt  }
0x68: {  	_ =	shalt  }
0x69: {  	_ =	shalt  }
0x6a: {  	_ =	shalt  }
0x6b: {  	_ =	shalt  }
0x6c: {  	_ =	shalt  }
0x6d: {  	_ =	shalt  }
0x6e: {  	_ =	shalt  }
0x6f: {  	_ =	shalt  }
0x70: {  	_ =	shalt  }
0x71: {  	_ =	shalt  }
0x72: {  	_ =	shalt  }
0x73: {  	_ =	shalt  }
0x74: {  	_ =	shalt  }
0x75: {  	_ =	shalt  }
0x76: {  	_ =	shalt  }
0x77: {  	_ =	shalt  }
0x78: {  	_ =	shalt  }
0x79: {  	_ =	shalt  }
0x7a: {  	_ =	shalt  }
0x7b: {  	_ =	shalt  }
0x7c: {  	_ =	shalt  }
0x7d: {  	_ =	shalt  }
0x7e: {  	_ =	shalt  }
0x7f: {  	_ =	shalt  }
0x80: {  	_ =	shalt  }
0x81: {  	_ =	shalt  }
0x82: {  	_ =	shalt  }
0x83: {  	_ =	shalt  }
0x84: {  	_ =	shalt  }
0x85: {  	_ =	shalt  }
0x86: {  	_ =	shalt  }
0x87: {  	_ =	shalt  }
.Lfunc_end0:
.L_simem_size_0:
called_computation.1_lowered:
.L_overlay_start_0:
0x88: {  	s2 =	sld [smem:$0x3FD9]  }
0x89: {  	s3 =	sld [smem:$0x3FFE];
	_ =	sdelay $0x1  }
0x8a: {  	s1 =	srdreg.scid  }
0x8b: {  	s0 =	sand.u32 $0x1, s1  }
0x8c: {  	s17 =	sshll.u32 s0, $0xA;
	s2 =	sadd.s32 s3, s2  }
0x8d: {  	s2 =	sadd.s32 s2, s17  }
0x8e: {  	[smem:$0x3FC2] =	sst s2  }
0x8f: {  	_ = 	snop  }
0x90: {  	s2 =	sld [smem:$0x3FD0];
	(tm) =	ssettm $0x1  }
0x91: {  	s18 =	sld [smem:$0x3FFB];
	_ =	sdelay $0x3  }
0x92: {  	_ =	strace s18  }
0x93: {  	s3 =	sld [smem:$0x3FFC];
	_ =	sdelay $0x3  }
0x94: {  	_ =	strace s3  }
0x95: {  	s3 =	sld [smem:$0x3FFD];
	_ =	sdelay $0x3  }
0x96: {  	_ =	strace s3  }
0x97: {  	_ =	strace $0x8FFFFFFF  }
0x98: {  	s19 =	sld [smem:$0x3FDB];
	_ =	sdelay $0x1  }
0x99: {  	s4 =	simm.s32 $_scs_section_size  }
0x9a: {  	s5 =	simm.s32 $_size__tile_overlayer_lowered;
	s6 =	simm.s32 $_tile_overlayer_lowered  }
0x9b: {  	s22 =	simm.s32 $0x1BFF;
	s21 =	sshll.u32 s6, $0x1;
	s3 =	sadd.s32 s4, s19  }
0x9c: {  	s7 =	simm.s32 $0x0;
	s20 =	sshll.u32 s5, $0x1;
	s5 =	sadd.s32 s21, s3  }
0x9d: {  	[timem:s7], [sflag:s22] =	dma.local [hbm:s5], s20  }
0x9e: {  	_ =	swait.ge [sflag:s22], s20  }
0x9f: {  	s4 =	ssub.s32 $0x0, s20;
	[sflag:s22] =	ssyncset.done $0x0  }
0xa0: {  	[sflag:s22] =	ssyncadd.s32 s4;
	_ =	sdelay $0x1  }
0xa1: {  	s23 =	simm.s32 $0x1B8B  }
0xa2: {  	_ =	swait.ge [sflag:s23], $0x1  }
0xa3: {  	[sflag:s23] =	ssyncset.done $0x0  }
0xa4: {  	s25 =	simm.s32 $0x1B8E;
	s24 =	sld [smem:$0x3FFE];
	[sflag:s23] =	ssyncadd.s32 $0xFFFFFFFF  }
0xa5: {  	s26 =	simm.s32 $execute0_lowered;
	[smem:$0x3FD2] =	sst s25  }
0xa6: {  	s5 =	sshll.u32 s26, $0x1;
	_ =	strace $0x80000049;
	[dreg:$0x1] =	wrdreg $0xFFFFFFFF  }
0xa7: {  	s28 =	simm.s32 $_size_execute0_lowered;
	s3 =	sadd.s32 s3, s5;
	[dreg:$0x0] =	wrdreg $0x0  }
0xa8: {  	s5 =	sshll.u32 s28, $0x1;
	[dreg:$0x2] =	wrdreg s3  }
0xa9: {  	[dreg:$0x3] =	wrdreg s5  }
0xaa: {  	[dreg:$0x4] =	wrdreg $0xC0  }
0xab: {  	_ =	task [dreg:s7], $0x5FFFF  }
0xac: {  	[dreg:$0x1] =	wrdreg $0xFFFFFFFF  }
0xad: {  	[dreg:$0x0] =	wrdreg $0x60  }
0xae: {  	[dreg:$0x2] =	wrdreg s24  }
0xaf: {  	[dreg:$0x3] =	wrdreg s2  }
0xb0: {  	[dreg:$0x4] =	wrdreg $0x70300  }
0xb1: {  	[dreg:$0x5] =	wrdreg $0x9  }
0xb2: {  	_ =	task.clear_ibuf [dreg:s7], $0x6FFFF;
	_ =	strace $0x90000049  }
0xb3: {  	s29 =	simm.s32 $0x9;
	_ =	strace $0x8000004B  }
0xb4: {  	_ =	swait.ge [sflag:s29], $0x1  }
0xb5: {  	[sflag:s29] =	ssyncadd.s32 $0xFFFFFFFF  }
0xb6: {  	_ =	strace $0x9000004B  }
0xb7: {  	_ =	sfence  }
0xb8: {  	s30 =	sld [smem:$0x0];
	_ =	sdelay $0x2  }
0xb9: {  	s31 =	sshll.u32 s1, $0xD;
	s1 =	sshrl.u32 s1, $0x2  }
0xba: {  	s3 =	sand.u32 $0x4000, s31;
	s1 =	sadd.s32 s1, s30  }
0xbb: {  	s0 =	sor.u32 s3, s0;
	s1 =	sshll.u32 s1, $0x11  }
0xbc: {  	s0 =	sor.u32 s1, s0  }
0xbd: {  	s0 =	sadd.s32 $0x8F2B, s0  }
0xbe: {  	[sflag:s0] =	ssyncadd.remote.s32 $0x1  }
0xbf: {  	_ =	sfence.sel $0xFFFF  }
0xc0: {  	[dreg:$0x0] =	wrdreg $0xFFFFFFFF;
	(pc) =	sbr.abs _section_cstart, $3  }
0xc1: {  	[dreg:$0x1] =	wrdreg $0xFFFFFFFF  }
0xc2: {  	_ =	task.clear_ibuf [dreg:s7], $0x2FFFF;
	_ =	strace $0x9FFFFFFF  }
0xc3: {  	(tm) =	ssettm $0x7FFFFFFF  }
tec
execute0_lowered:
.L_overlay_start_1:
0x0: {  	(tag) =	ssettag $0x1  }
0x1: {  	s0 =	srdreg.scid;
	s1 =	rddreg [dreg:$0x0]  }
0x2: {  	s10 =	stileid.u32;
	s3 =	rddreg [dreg:$0x2]  }
0x3: {  	s4 =	simm.s32 $0x0;
	s14 =	simm.s32 $0x80;
	s15 =	simm.s32 $0x4F30  }
0x4: {  	s16 =	simm.s32 $0x5730;
	s17 =	simm.s32 $0x1;
	s18 =	simm.s32 $0x4E20  }
0x5: {  	s19 =	simm.s32 $0x5F30;
	s20 =	simm.s32 $0x2;
	s21 =	simm.s32 $0x4EA0  }
0x6: {  	s22 =	simm.s32 $0x5;
	s28 =	simm.s32 $0x7;
	s29 =	simm.s32 $0x8  }
0x7: {  	s30 =	simm.s32 $0x10;
	s0 =	sand.u32 $0x1, s0;
	s6 =	smul.u32 $0x500, s10  }
0x8: {  	[smem:$0x7FF] =	sst s4;
	s5 =	sadd.s32 $0x15C00, s1;
	s8 =	smul.u32 $0xA000, s10  }
0x9: {  	s31 =	sshll.u32 s10, $0x6;
	s2 =	sshll.u32 s0, $0x4;
	_ =	strace $0x8000004A  }
0xa: {  	s7 =	smul.u32 $0x5000, s0;
	s0 =	ssub.s32 $0x2, s0;
	s12 =	sor.u32 $0x1C09, s31  }
0xb: {  	s2 =	sor.u32 s10, s2;
	s23 =	sshrl.u32 s0, $0x1;
	s24 =	sshrl.u32 s8, $0x2  }
0xc: {  	s10 =	simm.s32 $0x9;
	s2 =	smul.u32 $0x2710, s2;
	s6 =	sadd.s32 s6, s7  }
0xd: {  	s0 =	ssub.s32 s0, s23;
	s26 =	sadd.s32 s24, s3;
	s23 =	simm.s32 $0x6730  }
0xe: {  	s24 =	simm.s32 $0x3;
	s9 =	smax.u32 s0, $0x1;
	s2 =	sshrl.u32 s2, $0x3  }
0xf: {  	s13 =	sshrl.u32 s26, $0x3;
	s26 =	simm.s32 $0x4;
	s2 =	sadd.s32 s2, s1  }
0x10: {  	s1 =	sadd.s32 s6, s1;
	s25 =	sadd.s32 $0x1E00, s2;
	s2 =	sadd.s32 $0xBA40, s2  }
0x11: {  	s8 =	sadd.s32 $0x1AC00, s1;
	s1 =	simm.s32 $0x6F30;
	[dreg:$0x4] =	wrdreg s25  }
0x12: {  	[dreg:$0x5] =	wrdreg s2;
	s25 =	simm.s32 $0x6;
	s2 =	simm.s32 $0x0  }
.LBB2_1:
0x13: {  	s0 =	rddreg [dreg:$0x4]  }
0x14: {  	[tilespmem:s4], [sflag:$0x9] =	stream.linear.gather [hbm4b:s0+s4], $0x2710, $0x38;
	[tilespmem:$0x9830] =	vst v63  }
0x15: {  	_ =	swait.ge [sflag:s10], $0x2710  }
0x16: {  	[sflag:s10] =	ssyncset.done $0x0  }
0x17: {  	s6 =	simm.s32 $0x2710;
	s11 =	rddreg [dreg:$0x5];
	[sflag:s10] =	ssyncadd.s32 $0xFFFFD8F0  }
0x18: {  	[tilespmem:s6], [sflag:$0x9] =	stream.linear.gather [hbm4b:s11+s4], $0x2710, $0x38;
	[tilespmem:$0x9830] =	vst v63  }
0x19: {  	_ =	swait.ge [sflag:s10], $0x2710  }
0x1a: {  	[sflag:s10] =	ssyncset.done $0x0  }
0x1b: {  	[sflag:s10] =	ssyncadd.s32 $0xFFFFD8F0  }
0x1c: {  	s6 =	rddreg [dreg:$0x1]  }
0x1d: {  	[spmem:s13], [sflag:s12] =	dma.local [hbm:s6], $0x500  }
0x1e: {  	_ =	swait.ge [sflag:s10], $0x500  }
0x1f: {  	[sflag:s10] =	ssyncset.done $0x0  }
0x20: {  	[sflag:s10] =	ssyncadd.s32 $0xFFFFFB00  }
0x21: {  	[bflag:$0x0] =	sbarrier.arrive $0xFFFF  }
0x22: {  	[tilespmem:s15], [sflag:$0x1] =	stream.indirect.gather [hbm4b:s5+s14], $0x10, s4, s14, $0xb8;
	[tilespmem:$0x9830] =	vst v63  }
0x23: {  	s0 =	simm.s32 $0x0  }
0x24: {  	[tilespmem:s16], [sflag:$0x2] =	stream.indirect.gather [hbm4b:s5+s14], $0x10, s14, s14, $0xb8;
	[tilespmem:$0x9830] =	vst v63  }
0x25: {  	v0 =	vld [tilespmem:s0+$0x2710];
	_ =	sdelay $0x4  }
0x26: {  	[tilespmem:$0x4E20] =	vst v0  }
0x27: {  	v0 =	vld [tilespmem:s0+$0x2720];
	_ =	sdelay $0x4  }
0x28: {  	[tilespmem:$0x4E30] =	vst v0  }
0x29: {  	v0 =	vld [tilespmem:s0+$0x2730];
	_ =	sdelay $0x4  }
0x2a: {  	[tilespmem:$0x4E40] =	vst v0  }
0x2b: {  	v0 =	vld [tilespmem:s0+$0x2740];
	_ =	sdelay $0x4  }
0x2c: {  	[tilespmem:$0x4E50] =	vst v0  }
0x2d: {  	v0 =	vld [tilespmem:s0+$0x2750];
	_ =	sdelay $0x4  }
0x2e: {  	[tilespmem:$0x4E60] =	vst v0  }
0x2f: {  	v0 =	vld [tilespmem:s0+$0x2760];
	_ =	sdelay $0x4  }
0x30: {  	[tilespmem:$0x4E70] =	vst v0  }
0x31: {  	v0 =	vld [tilespmem:s0+$0x2770];
	_ =	sdelay $0x4  }
0x32: {  	[tilespmem:$0x4E80] =	vst v0  }
0x33: {  	v0 =	vld [tilespmem:s0+$0x2780];
	_ =	sdelay $0x4  }
0x34: {  	[tilespmem:$0x4E90] =	vst v0  }
0x35: {  	_ =	swait.ge [sflag:s17], $0x800  }
0x36: {  	p0 =	por $0x1, $0x1;
	[sflag:s17] =	ssyncset.done $0x0  }
0x37: {  	s6 =	simm.s32 @!p0 $0x8;
	[sflag:s17] =	ssyncadd.s32 $0xFFFFF800  }
0x38: {  	[spmem:s3] =	stream.indirect.scatter.add.f32 [tilespmem:s15], [sflag:$0x5], $0x10, s18, s14, $0xb8;
	[tilespmem:$0x9830] =	vst v63  }
0x39: {  	_ =	swait.ge @!p0 [sflag:s6], $0x800  }
0x3a: {  	[sflag:s6] =	ssyncset.done @!p0 $0x0  }
0x3b: {  	s7 =	simm.s32 $0x100;
	[sflag:s6] =	ssyncadd.s32 @!p0 $0xFFFFF800  }
0x3c: {  	[tilespmem:s19], [sflag:$0x3] =	stream.indirect.gather [hbm4b:s5+s14], $0x10, s7, s14, $0xb8;
	[tilespmem:$0x9830] =	vst v63  }
0x3d: {  	v61 =	vld [tilespmem:s0+$0x2790];
	_ =	sdelay $0x4  }
0x3e: {  	[tilespmem:$0x4EA0] =	vst v61  }
0x3f: {  	v0 =	vld [tilespmem:s0+$0x27A0];
	_ =	sdelay $0x4  }
0x40: {  	[tilespmem:$0x4EB0] =	vst v0  }
0x41: {  	v0 =	vld [tilespmem:s0+$0x27B0];
	_ =	sdelay $0x4  }
0x42: {  	[tilespmem:$0x4EC0] =	vst v0  }
0x43: {  	v0 =	vld [tilespmem:s0+$0x27C0];
	_ =	sdelay $0x4  }
0x44: {  	[tilespmem:$0x4ED0] =	vst v0  }
0x45: {  	v0 =	vld [tilespmem:s0+$0x27D0];
	_ =	sdelay $0x4  }
0x46: {  	[tilespmem:$0x4EE0] =	vst v0  }
0x47: {  	v0 =	vld [tilespmem:s0+$0x27E0];
	_ =	sdelay $0x4  }
0x48: {  	[tilespmem:$0x4EF0] =	vst v0  }
0x49: {  	v0 =	vld [tilespmem:s0+$0x27F0];
	_ =	sdelay $0x4  }
0x4a: {  	[tilespmem:$0x4F00] =	vst v0  }
0x4b: {  	v0 =	vld [tilespmem:s0+$0x2800];
	_ =	sdelay $0x4  }
0x4c: {  	[tilespmem:$0x4F10] =	vst v0  }
0x4d: {  	_ =	swait.ge [sflag:s20], $0x800  }
0x4e: {  	[sflag:s20] =	ssyncset.done $0x0  }
0x4f: {  	[sflag:s20] =	ssyncadd.s32 $0xFFFFF800  }
0x50: {  	[spmem:s3] =	stream.indirect.scatter.add.f32 [tilespmem:s16], [sflag:$0x6], $0x10, s21, s14, $0xb8;
	[tilespmem:$0x9830] =	vst v63  }
0x51: {  	_ =	swait.ge [sflag:s22], $0x800  }
0x52: {  	[sflag:s22] =	ssyncset.done $0x0  }
0x53: {  	s7 =	simm.s32 $0x180;
	[sflag:s22] =	ssyncadd.s32 $0xFFFFF800  }
0x54: {  	[tilespmem:s23], [sflag:$0x4] =	stream.indirect.gather [hbm4b:s5+s14], $0x10, s7, s14, $0xb8;
	[tilespmem:$0x9830] =	vst v63  }
0x55: {  	v62 =	vld [tilespmem:s0+$0x2810];
	_ =	sdelay $0x4  }
0x56: {  	[tilespmem:$0x4E20] =	vst v62  }
0x57: {  	v0 =	vld [tilespmem:s0+$0x2820];
	_ =	sdelay $0x4  }
0x58: {  	[tilespmem:$0x4E30] =	vst v0  }
0x59: {  	v0 =	vld [tilespmem:s0+$0x2830];
	_ =	sdelay $0x4  }
0x5a: {  	[tilespmem:$0x4E40] =	vst v0  }
0x5b: {  	v0 =	vld [tilespmem:s0+$0x2840];
	_ =	sdelay $0x4  }
0x5c: {  	[tilespmem:$0x4E50] =	vst v0  }
0x5d: {  	v0 =	vld [tilespmem:s0+$0x2850];
	_ =	sdelay $0x4  }
0x5e: {  	[tilespmem:$0x4E60] =	vst v0  }
0x5f: {  	v0 =	vld [tilespmem:s0+$0x2860];
	_ =	sdelay $0x4  }
0x60: {  	[tilespmem:$0x4E70] =	vst v0  }
0x61: {  	v0 =	vld [tilespmem:s0+$0x2870];
	_ =	sdelay $0x4  }
0x62: {  	[tilespmem:$0x4E80] =	vst v0  }
0x63: {  	v0 =	vld [tilespmem:s0+$0x2880];
	_ =	sdelay $0x4  }
0x64: {  	[tilespmem:$0x4E90] =	vst v0  }
0x65: {  	_ =	swait.ge [sflag:s24], $0x800  }
0x66: {  	[sflag:s24] =	ssyncset.done $0x0  }
0x67: {  	[sflag:s24] =	ssyncadd.s32 $0xFFFFF800  }
0x68: {  	[spmem:s3] =	stream.indirect.scatter.add.f32 [tilespmem:s19], [sflag:$0x7], $0x10, s18, s14, $0xb8;
	[tilespmem:$0x9830] =	vst v63  }
0x69: {  	_ =	swait.ge [sflag:s25], $0x800  }
0x6a: {  	[sflag:s25] =	ssyncset.done $0x0  }
0x6b: {  	s11 =	simm.s32 $0x200;
	[sflag:s25] =	ssyncadd.s32 $0xFFFFF800  }
0x6c: {  	[tilespmem:s15], [sflag:$0x1] =	stream.indirect.gather [hbm4b:s5+s14], $0x10, s11, s14, $0xb8;
	[tilespmem:$0x9830] =	vst v63  }
0x6d: {  	v63 =	vld [tilespmem:s0+$0x2890];
	_ =	sdelay $0x4  }
0x6e: {  	[tilespmem:$0x4EA0] =	vst v63  }
0x6f: {  	v0 =	vld [tilespmem:s0+$0x28A0];
	_ =	sdelay $0x4  }
0x70: {  	[tilespmem:$0x4EB0] =	vst v0  }
0x71: {  	v0 =	vld [tilespmem:s0+$0x28B0];
	_ =	sdelay $0x4  }
0x72: {  	[tilespmem:$0x4EC0] =	vst v0  }
0x73: {  	v0 =	vld [tilespmem:s0+$0x28C0];
	_ =	sdelay $0x4  }
0x74: {  	[tilespmem:$0x4ED0] =	vst v0  }
0x75: {  	v0 =	vld [tilespmem:s0+$0x28D0];
	_ =	sdelay $0x4  }
0x76: {  	[tilespmem:$0x4EE0] =	vst v0  }
0x77: {  	v0 =	vld [tilespmem:s0+$0x28E0];
	_ =	sdelay $0x4  }
0x78: {  	[tilespmem:$0x4EF0] =	vst v0  }
0x79: {  	v0 =	vld [tilespmem:s0+$0x28F0];
	_ =	sdelay $0x4  }
0x7a: {  	[tilespmem:$0x4F00] =	vst v0  }
0x7b: {  	v0 =	vld [tilespmem:s0+$0x2900];
	_ =	sdelay $0x4  }
0x7c: {  	[tilespmem:$0x4F10] =	vst v0  }
0x7d: {  	_ =	swait.ge [sflag:s26], $0x800  }
0x7e: {  	[sflag:s26] =	ssyncset.done $0x0  }
0x7f: {  	[sflag:s26] =	ssyncadd.s32 $0xFFFFF800  }
0x80: {  	[spmem:s3] =	stream.indirect.scatter.add.f32 [tilespmem:s23], [sflag:$0x8], $0x10, s21, s14, $0xb8;
	[tilespmem:$0x9830] =	vst v63  }
0x81: {  	s31 =	simm.s32 $0x1000;
	_ =	swait.ge [sflag:s28], $0x800  }
0x82: {  	s7 =	simm.s32 $0x280;
	s11 =	simm.s32 $0x800;
	[sflag:s28] =	ssyncset.done $0x0  }
.LBB2_2:
0x83: {  	s0 =	sshra.s32 s11, $0x2  }
0x84: {  	[sflag:s28] =	ssyncadd.s32 $0xFFFFF800;
	s6 =	smov.u32 s31;
	s31 =	sadd.s32 $0x800, s31  }
0x85: {  	[tilespmem:s16], [sflag:$0x2] =	stream.indirect.gather [hbm4b:s5+s14], $0x10, s7, s14, $0xb8;
	[tilespmem:$0x9830] =	vst v63  }
0x86: {  	p0 =	sne.s32 s31, $0x9800;
	v0 =	vld [tilespmem:s0+$0x2710];
	_ =	sdelay $0x4  }
0x87: {  	[tilespmem:$0x4E20] =	vst v0  }
0x88: {  	v0 =	vld [tilespmem:s0+$0x2720];
	_ =	sdelay $0x4  }
0x89: {  	[tilespmem:$0x4E30] =	vst v0  }
0x8a: {  	v0 =	vld [tilespmem:s0+$0x2730];
	_ =	sdelay $0x4  }
0x8b: {  	[tilespmem:$0x4E40] =	vst v0  }
0x8c: {  	v0 =	vld [tilespmem:s0+$0x2740];
	_ =	sdelay $0x4  }
0x8d: {  	[tilespmem:$0x4E50] =	vst v0  }
0x8e: {  	v0 =	vld [tilespmem:s0+$0x2750];
	_ =	sdelay $0x4  }
0x8f: {  	[tilespmem:$0x4E60] =	vst v0  }
0x90: {  	v0 =	vld [tilespmem:s0+$0x2760];
	_ =	sdelay $0x4  }
0x91: {  	[tilespmem:$0x4E70] =	vst v0  }
0x92: {  	v0 =	vld [tilespmem:s0+$0x2770];
	_ =	sdelay $0x4  }
0x93: {  	[tilespmem:$0x4E80] =	vst v0  }
0x94: {  	v0 =	vld [tilespmem:s0+$0x2780];
	_ =	sdelay $0x4  }
0x95: {  	[tilespmem:$0x4E90] =	vst v0  }
0x96: {  	_ =	swait.ge [sflag:s17], $0x800  }
0x97: {  	p1 =	seq.s32 s11, $0x0;
	s11 =	smov.u32 s6;
	[sflag:s17] =	ssyncset.done $0x0  }
0x98: {  	s6 =	simm.s32 @!p1 $0x8;
	[sflag:s17] =	ssyncadd.s32 $0xFFFFF800  }
0x99: {  	[spmem:s3] =	stream.indirect.scatter.add.f32 [tilespmem:s15], [sflag:$0x5], $0x10, s18, s14, $0xb8;
	[tilespmem:$0x9830] =	vst v63  }
0x9a: {  	_ =	swait.ge @!p1 [sflag:s6], $0x800  }
0x9b: {  	s7 =	sadd.s32 $0x100, s0;
	[sflag:s6] =	ssyncset.done @!p1 $0x0  }
0x9c: {  	[sflag:s6] =	ssyncadd.s32 @!p1 $0xFFFFF800  }
0x9d: {  	[tilespmem:s19], [sflag:$0x3] =	stream.indirect.gather [hbm4b:s5+s14], $0x10, s7, s14, $0xb8;
	[tilespmem:$0x9830] =	vst v63  }
0x9e: {  	v0 =	vld [tilespmem:s0+$0x2790];
	_ =	sdelay $0x4  }
0x9f: {  	[tilespmem:$0x4EA0] =	vst v0  }
0xa0: {  	v0 =	vld [tilespmem:s0+$0x27A0];
	_ =	sdelay $0x4  }
0xa1: {  	[tilespmem:$0x4EB0] =	vst v0  }
0xa2: {  	v0 =	vld [tilespmem:s0+$0x27B0];
	_ =	sdelay $0x4  }
0xa3: {  	[tilespmem:$0x4EC0] =	vst v0  }
0xa4: {  	v0 =	vld [tilespmem:s0+$0x27C0];
	_ =	sdelay $0x4  }
0xa5: {  	[tilespmem:$0x4ED0] =	vst v0  }
0xa6: {  	v0 =	vld [tilespmem:s0+$0x27D0];
	_ =	sdelay $0x4  }
0xa7: {  	[tilespmem:$0x4EE0] =	vst v0  }
0xa8: {  	v0 =	vld [tilespmem:s0+$0x27E0];
	_ =	sdelay $0x4  }
0xa9: {  	[tilespmem:$0x4EF0] =	vst v0  }
0xaa: {  	v0 =	vld [tilespmem:s0+$0x27F0];
	_ =	sdelay $0x4  }
0xab: {  	[tilespmem:$0x4F00] =	vst v0  }
0xac: {  	v0 =	vld [tilespmem:s0+$0x2800];
	_ =	sdelay $0x4  }
0xad: {  	[tilespmem:$0x4F10] =	vst v0  }
0xae: {  	_ =	swait.ge [sflag:s20], $0x800  }
0xaf: {  	[sflag:s20] =	ssyncset.done $0x0  }
0xb0: {  	[sflag:s20] =	ssyncadd.s32 $0xFFFFF800  }
0xb1: {  	[spmem:s3] =	stream.indirect.scatter.add.f32 [tilespmem:s16], [sflag:$0x6], $0x10, s21, s14, $0xb8;
	[tilespmem:$0x9830] =	vst v63  }
0xb2: {  	_ =	swait.ge [sflag:s22], $0x800  }
0xb3: {  	s6 =	sadd.s32 $0x180, s0;
	[sflag:s22] =	ssyncset.done $0x0  }
0xb4: {  	[sflag:s22] =	ssyncadd.s32 $0xFFFFF800  }
0xb5: {  	[tilespmem:s23], [sflag:$0x4] =	stream.indirect.gather [hbm4b:s5+s14], $0x10, s6, s14, $0xb8;
	[tilespmem:$0x9830] =	vst v63  }
0xb6: {  	v0 =	vld [tilespmem:s0+$0x2810];
	_ =	sdelay $0x4  }
0xb7: {  	[tilespmem:$0x4E20] =	vst v0  }
0xb8: {  	v0 =	vld [tilespmem:s0+$0x2820];
	_ =	sdelay $0x4  }
0xb9: {  	[tilespmem:$0x4E30] =	vst v0  }
0xba: {  	v0 =	vld [tilespmem:s0+$0x2830];
	_ =	sdelay $0x4  }
0xbb: {  	[tilespmem:$0x4E40] =	vst v0  }
0xbc: {  	v0 =	vld [tilespmem:s0+$0x2840];
	_ =	sdelay $0x4  }
0xbd: {  	[tilespmem:$0x4E50] =	vst v0  }
0xbe: {  	v0 =	vld [tilespmem:s0+$0x2850];
	_ =	sdelay $0x4  }
0xbf: {  	[tilespmem:$0x4E60] =	vst v0  }
0xc0: {  	v0 =	vld [tilespmem:s0+$0x2860];
	_ =	sdelay $0x4  }
0xc1: {  	[tilespmem:$0x4E70] =	vst v0  }
0xc2: {  	v0 =	vld [tilespmem:s0+$0x2870];
	_ =	sdelay $0x4  }
0xc3: {  	[tilespmem:$0x4E80] =	vst v0  }
0xc4: {  	v0 =	vld [tilespmem:s0+$0x2880];
	_ =	sdelay $0x4  }
0xc5: {  	[tilespmem:$0x4E90] =	vst v0  }
0xc6: {  	_ =	swait.ge [sflag:s24], $0x800  }
0xc7: {  	[sflag:s24] =	ssyncset.done $0x0  }
0xc8: {  	[sflag:s24] =	ssyncadd.s32 $0xFFFFF800  }
0xc9: {  	[spmem:s3] =	stream.indirect.scatter.add.f32 [tilespmem:s19], [sflag:$0x7], $0x10, s18, s14, $0xb8;
	[tilespmem:$0x9830] =	vst v63  }
0xca: {  	_ =	swait.ge [sflag:s25], $0x800  }
0xcb: {  	s6 =	sadd.s32 $0x200, s0;
	[sflag:s25] =	ssyncset.done $0x0  }
0xcc: {  	[sflag:s25] =	ssyncadd.s32 $0xFFFFF800  }
0xcd: {  	[tilespmem:s15], [sflag:$0x1] =	stream.indirect.gather [hbm4b:s5+s14], $0x10, s6, s14, $0xb8;
	[tilespmem:$0x9830] =	vst v63  }
0xce: {  	v0 =	vld [tilespmem:s0+$0x2890];
	_ =	sdelay $0x4  }
0xcf: {  	[tilespmem:$0x4EA0] =	vst v0  }
0xd0: {  	v0 =	vld [tilespmem:s0+$0x28A0];
	_ =	sdelay $0x4  }
0xd1: {  	[tilespmem:$0x4EB0] =	vst v0  }
0xd2: {  	v0 =	vld [tilespmem:s0+$0x28B0];
	_ =	sdelay $0x4  }
0xd3: {  	[tilespmem:$0x4EC0] =	vst v0  }
0xd4: {  	v0 =	vld [tilespmem:s0+$0x28C0];
	_ =	sdelay $0x4  }
0xd5: {  	[tilespmem:$0x4ED0] =	vst v0  }
0xd6: {  	v0 =	vld [tilespmem:s0+$0x28D0];
	_ =	sdelay $0x4  }
0xd7: {  	[tilespmem:$0x4EE0] =	vst v0  }
0xd8: {  	v0 =	vld [tilespmem:s0+$0x28E0];
	_ =	sdelay $0x4  }
0xd9: {  	[tilespmem:$0x4EF0] =	vst v0  }
0xda: {  	v0 =	vld [tilespmem:s0+$0x28F0];
	_ =	sdelay $0x4  }
0xdb: {  	[tilespmem:$0x4F00] =	vst v0  }
0xdc: {  	v0 =	vld [tilespmem:s0+$0x2900];
	_ =	sdelay $0x4  }
0xdd: {  	[tilespmem:$0x4F10] =	vst v0  }
0xde: {  	_ =	swait.ge [sflag:s26], $0x800  }
.Ltmp0:
0xdf: {  	[sflag:s26] =	ssyncset.done $0x0;
	(pc) =	sbr.rel @p0 .LBB2_2-.Ltmp0, $4  }
0xe0: {  	[sflag:s26] =	ssyncadd.s32 $0xFFFFF800  }
0xe1: {  	[spmem:s3] =	stream.indirect.scatter.add.f32 [tilespmem:s23], [sflag:$0x8], $0x10, s21, s14, $0xb8;
	[tilespmem:$0x9830] =	vst v63  }
0xe2: {  	_ =	swait.ge [sflag:s28], $0x800  }
0xe3: {  	s7 =	sadd.s32 $0x280, s0;
	[sflag:s28] =	ssyncset.done $0x0  }
0xe4: {  	[sflag:s28] =	ssyncadd.s32 $0xFFFFF800;
	s0 =	sshra.s32 s11, $0x2  }
0xe5: {  	[tilespmem:s16], [sflag:$0x2] =	stream.indirect.gather [hbm4b:s5+s14], $0x10, s7, s14, $0xb8;
	[tilespmem:$0x9830] =	vst v63  }
0xe6: {  	v0 =	vld [tilespmem:s0+$0x2710];
	_ =	sdelay $0x4  }
0xe7: {  	[tilespmem:$0x4E20] =	vst v0  }
0xe8: {  	v0 =	vld [tilespmem:s0+$0x2720];
	_ =	sdelay $0x4  }
0xe9: {  	[tilespmem:$0x4E30] =	vst v0  }
0xea: {  	v0 =	vld [tilespmem:s0+$0x2730];
	_ =	sdelay $0x4  }
0xeb: {  	[tilespmem:$0x4E40] =	vst v0  }
0xec: {  	v0 =	vld [tilespmem:s0+$0x2740];
	_ =	sdelay $0x4  }
0xed: {  	[tilespmem:$0x4E50] =	vst v0  }
0xee: {  	v0 =	vld [tilespmem:s0+$0x2750];
	_ =	sdelay $0x4  }
0xef: {  	[tilespmem:$0x4E60] =	vst v0  }
0xf0: {  	v0 =	vld [tilespmem:s0+$0x2760];
	_ =	sdelay $0x4  }
0xf1: {  	[tilespmem:$0x4E70] =	vst v0  }
0xf2: {  	v0 =	vld [tilespmem:s0+$0x2770];
	_ =	sdelay $0x4  }
0xf3: {  	[tilespmem:$0x4E80] =	vst v0  }
0xf4: {  	v0 =	vld [tilespmem:s0+$0x2780];
	_ =	sdelay $0x4  }
0xf5: {  	[tilespmem:$0x4E90] =	vst v0  }
0xf6: {  	_ =	swait.ge [sflag:s17], $0x800  }
0xf7: {  	p0 =	seq.s32 s11, $0x0;
	[sflag:s17] =	ssyncset.done $0x0  }
0xf8: {  	s6 =	simm.s32 @!p0 $0x8;
	[sflag:s17] =	ssyncadd.s32 $0xFFFFF800  }
0xf9: {  	[spmem:s3] =	stream.indirect.scatter.add.f32 [tilespmem:s15], [sflag:$0x5], $0x10, s18, s14, $0xb8;
	[tilespmem:$0x9830] =	vst v63  }
0xfa: {  	_ =	swait.ge @!p0 [sflag:s6], $0x800  }
0xfb: {  	[sflag:s6] =	ssyncset.done @!p0 $0x0  }
0xfc: {  	s11 =	sadd.s32 $0x100, s0;
	[sflag:s6] =	ssyncadd.s32 @!p0 $0xFFFFF800  }
0xfd: {  	[tilespmem:s19], [sflag:$0x3] =	stream.indirect.gather [hbm4b:s5+s14], $0x10, s11, s14, $0xb8;
	[tilespmem:$0x9830] =	vst v63  }
0xfe: {  	v48 =	vld [tilespmem:s0+$0x2790];
	_ =	sdelay $0x4  }
0xff: {  	[tilespmem:$0x4EA0] =	vst v48  }
0x100: {  	v0 =	vld [tilespmem:s0+$0x27A0];
	_ =	sdelay $0x4  }
0x101: {  	[tilespmem:$0x4EB0] =	vst v0  }
0x102: {  	v0 =	vld [tilespmem:s0+$0x27B0];
	_ =	sdelay $0x4  }
0x103: {  	[tilespmem:$0x4EC0] =	vst v0  }
0x104: {  	v0 =	vld [tilespmem:s0+$0x27C0];
	_ =	sdelay $0x4  }
0x105: {  	[tilespmem:$0x4ED0] =	vst v0  }
0x106: {  	v0 =	vld [tilespmem:s0+$0x27D0];
	_ =	sdelay $0x4  }
0x107: {  	[tilespmem:$0x4EE0] =	vst v0  }
0x108: {  	v0 =	vld [tilespmem:s0+$0x27E0];
	_ =	sdelay $0x4  }
0x109: {  	[tilespmem:$0x4EF0] =	vst v0  }
0x10a: {  	v0 =	vld [tilespmem:s0+$0x27F0];
	_ =	sdelay $0x4  }
0x10b: {  	[tilespmem:$0x4F00] =	vst v0  }
0x10c: {  	v0 =	vld [tilespmem:s0+$0x2800];
	_ =	sdelay $0x4  }
0x10d: {  	[tilespmem:$0x4F10] =	vst v0  }
0x10e: {  	_ =	swait.ge [sflag:s20], $0x800  }
0x10f: {  	[sflag:s20] =	ssyncset.done $0x0  }
0x110: {  	[sflag:s20] =	ssyncadd.s32 $0xFFFFF800  }
0x111: {  	[spmem:s3] =	stream.indirect.scatter.add.f32 [tilespmem:s16], [sflag:$0x6], $0x10, s21, s14, $0xb8;
	[tilespmem:$0x9830] =	vst v63  }
0x112: {  	_ =	swait.ge [sflag:s22], $0x800  }
0x113: {  	[sflag:s22] =	ssyncset.done $0x0  }
0x114: {  	s31 =	sadd.s32 $0x180, s0;
	[sflag:s22] =	ssyncadd.s32 $0xFFFFF800  }
0x115: {  	[tilespmem:s23], [sflag:$0x4] =	stream.indirect.gather [hbm4b:s5+s14], $0x10, s31, s14, $0xb8;
	[tilespmem:$0x9830] =	vst v63  }
0x116: {  	v49 =	vld [tilespmem:s0+$0x2810];
	_ =	sdelay $0x4  }
0x117: {  	[tilespmem:$0x4E20] =	vst v49  }
0x118: {  	v0 =	vld [tilespmem:s0+$0x2820];
	_ =	sdelay $0x4  }
0x119: {  	[tilespmem:$0x4E30] =	vst v0  }
0x11a: {  	v0 =	vld [tilespmem:s0+$0x2830];
	_ =	sdelay $0x4  }
0x11b: {  	[tilespmem:$0x4E40] =	vst v0  }
0x11c: {  	v0 =	vld [tilespmem:s0+$0x2840];
	_ =	sdelay $0x4  }
0x11d: {  	[tilespmem:$0x4E50] =	vst v0  }
0x11e: {  	v0 =	vld [tilespmem:s0+$0x2850];
	_ =	sdelay $0x4  }
0x11f: {  	[tilespmem:$0x4E60] =	vst v0  }
0x120: {  	v0 =	vld [tilespmem:s0+$0x2860];
	_ =	sdelay $0x4  }
0x121: {  	[tilespmem:$0x4E70] =	vst v0  }
0x122: {  	v0 =	vld [tilespmem:s0+$0x2870];
	_ =	sdelay $0x4  }
0x123: {  	[tilespmem:$0x4E80] =	vst v0  }
0x124: {  	v0 =	vld [tilespmem:s0+$0x2880];
	_ =	sdelay $0x4  }
0x125: {  	[tilespmem:$0x4E90] =	vst v0  }
0x126: {  	_ =	swait.ge [sflag:s24], $0x800  }
0x127: {  	[sflag:s24] =	ssyncset.done $0x0  }
0x128: {  	[sflag:s24] =	ssyncadd.s32 $0xFFFFF800  }
0x129: {  	[spmem:s3] =	stream.indirect.scatter.add.f32 [tilespmem:s19], [sflag:$0x7], $0x10, s18, s14, $0xb8;
	[tilespmem:$0x9830] =	vst v63  }
0x12a: {  	_ =	swait.ge [sflag:s25], $0x800  }
0x12b: {  	[sflag:s25] =	ssyncset.done $0x0  }
0x12c: {  	s7 =	sadd.s32 $0x200, s0;
	[sflag:s25] =	ssyncadd.s32 $0xFFFFF800  }
0x12d: {  	[tilespmem:s15], [sflag:$0x1] =	stream.indirect.gather [hbm4b:s5+s14], $0x10, s7, s14, $0xb8;
	[tilespmem:$0x9830] =	vst v63  }
0x12e: {  	v50 =	vld [tilespmem:s0+$0x2890];
	_ =	sdelay $0x4  }
0x12f: {  	[tilespmem:$0x4EA0] =	vst v50  }
0x130: {  	v0 =	vld [tilespmem:s0+$0x28A0];
	_ =	sdelay $0x4  }
0x131: {  	[tilespmem:$0x4EB0] =	vst v0  }
0x132: {  	v0 =	vld [tilespmem:s0+$0x28B0];
	_ =	sdelay $0x4  }
0x133: {  	[tilespmem:$0x4EC0] =	vst v0  }
0x134: {  	v0 =	vld [tilespmem:s0+$0x28C0];
	_ =	sdelay $0x4  }
0x135: {  	[tilespmem:$0x4ED0] =	vst v0  }
0x136: {  	v0 =	vld [tilespmem:s0+$0x28D0];
	_ =	sdelay $0x4  }
0x137: {  	[tilespmem:$0x4EE0] =	vst v0  }
0x138: {  	v0 =	vld [tilespmem:s0+$0x28E0];
	_ =	sdelay $0x4  }
0x139: {  	[tilespmem:$0x4EF0] =	vst v0  }
0x13a: {  	v0 =	vld [tilespmem:s0+$0x28F0];
	_ =	sdelay $0x4  }
0x13b: {  	[tilespmem:$0x4F00] =	vst v0  }
0x13c: {  	v0 =	vld [tilespmem:s0+$0x2900];
	_ =	sdelay $0x4  }
0x13d: {  	[tilespmem:$0x4F10] =	vst v0  }
0x13e: {  	_ =	swait.ge [sflag:s26], $0x800  }
0x13f: {  	[sflag:s26] =	ssyncset.done $0x0  }
0x140: {  	[sflag:s26] =	ssyncadd.s32 $0xFFFFF800  }
0x141: {  	[spmem:s3] =	stream.indirect.scatter.add.f32 [tilespmem:s23], [sflag:$0x8], $0x10, s21, s14, $0xb8;
	[tilespmem:$0x9830] =	vst v63  }
0x142: {  	_ =	swait.ge [sflag:s28], $0x800  }
0x143: {  	[sflag:s28] =	ssyncset.done $0x0  }
0x144: {  	s0 =	sadd.s32 $0x280, s0;
	[sflag:s28] =	ssyncadd.s32 $0xFFFFF800  }
0x145: {  	[tilespmem:s16], [sflag:$0x2] =	stream.indirect.gather [hbm4b:s5+s14], $0x10, s0, s14, $0xb8;
	[tilespmem:$0x9830] =	vst v63  }
0x146: {  	v51 =	vld [tilespmem:$0x4D10]  }
0x147: {  	v1 =	vld [tilespmem:$0x4D20]  }
0x148: {  	v2 =	vld [tilespmem:$0x4D30]  }
0x149: {  	v3 =	vld [tilespmem:$0x4D40]  }
0x14a: {  	v4 =	vld [tilespmem:$0x4D50]  }
0x14b: {  	v52 =	vld [tilespmem:$0x4D60];
	[tilespmem:$0x4E20] =	vst v51  }
0x14c: {  	v53 =	vld [tilespmem:$0x4D70];
	[tilespmem:$0x4E30] =	vst v1  }
0x14d: {  	v54 =	vld [tilespmem:$0x4D80];
	[tilespmem:$0x4E40] =	vst v2  }
0x14e: {  	[tilespmem:$0x4E50] =	vst v3  }
0x14f: {  	[tilespmem:$0x4E60] =	vst v4  }
0x150: {  	[tilespmem:$0x4E70] =	vst v52  }
0x151: {  	[tilespmem:$0x4E80] =	vst v53  }
0x152: {  	[tilespmem:$0x4E90] =	vst v54  }
0x153: {  	_ =	swait.ge [sflag:s17], $0x800  }
0x154: {  	[sflag:s17] =	ssyncset.done $0x0  }
0x155: {  	[sflag:s17] =	ssyncadd.s32 $0xFFFFF800  }
0x156: {  	[spmem:s3] =	stream.indirect.scatter.add.f32 [tilespmem:s15], [sflag:$0x5], $0x10, s18, s14, $0xb8;
	[tilespmem:$0x9830] =	vst v63  }
0x157: {  	_ =	swait.ge [sflag:s29], $0x800  }
0x158: {  	[sflag:s29] =	ssyncset.done $0x0  }
0x159: {  	[sflag:s29] =	ssyncadd.s32 $0xFFFFF800  }
0x15a: {  	v55 =	vld [tilespmem:$0x4D90]  }
0x15b: {  	v56 =	vld [tilespmem:$0x4DA0]  }
0x15c: {  	v57 =	vld [tilespmem:$0x4DB0]  }
0x15d: {  	v58 =	vld [tilespmem:$0x4DC0]  }
0x15e: {  	v59 =	vld [tilespmem:$0x4DD0]  }
0x15f: {  	v60 =	vld [tilespmem:$0x4DE0];
	[tilespmem:$0x4EA0] =	vst v55  }
0x160: {  	v61 =	vld [tilespmem:$0x4DF0];
	[tilespmem:$0x4EB0] =	vst v56  }
0x161: {  	v62 =	vld [tilespmem:$0x4E00];
	[tilespmem:$0x4EC0] =	vst v57  }
0x162: {  	[tilespmem:$0x4ED0] =	vst v58  }
0x163: {  	[tilespmem:$0x4EE0] =	vst v59  }
0x164: {  	[tilespmem:$0x4EF0] =	vst v60  }
0x165: {  	[tilespmem:$0x4F00] =	vst v61  }
0x166: {  	[tilespmem:$0x4F10] =	vst v62  }
0x167: {  	_ =	swait.ge [sflag:s20], $0x800  }
0x168: {  	[sflag:s20] =	ssyncset.done $0x0  }
0x169: {  	[sflag:s20] =	ssyncadd.s32 $0xFFFFF800  }
0x16a: {  	[spmem:s3] =	stream.indirect.scatter.add.f32 [tilespmem:s16], [sflag:$0x6], $0x10, s21, s14, $0xb8;
	[tilespmem:$0x9830] =	vst v63  }
0x16b: {  	_ =	swait.ge [sflag:s22], $0x800  }
0x16c: {  	[sflag:s22] =	ssyncset.done $0x0  }
0x16d: {  	[sflag:s22] =	ssyncadd.s32 $0xFFFFF800  }
0x16e: {  	v63 =	vld [tilespmem:$0x4E10];
	_ =	sdelay $0x4  }
0x16f: {  	s11 =	simm.s32 $0x2700;
	[tilespmem:$0x4F20] =	vst v63  }
0x170: {  	[tilespmem:s1], [sflag:$0x3] =	stream.indirect.gather [hbm4b:s5+s30], $0x10, s11, s30, $0xb8;
	[tilespmem:$0x9830] =	vst v63  }
0x171: {  	_ =	swait.ge [sflag:s24], $0x100  }
0x172: {  	[sflag:s24] =	ssyncset.done $0x0  }
0x173: {  	s31 =	simm.s32 $0x4F20;
	[sflag:s24] =	ssyncadd.s32 $0xFFFFFF00  }
0x174: {  	[spmem:s3] =	stream.indirect.scatter.add.f32 [tilespmem:s1], [sflag:$0x9], $0x10, s31, s30, $0xb8;
	[tilespmem:$0x9830] =	vst v63  }
0x175: {  	_ =	swait.ge [sflag:s10], $0x100  }
0x176: {  	[sflag:s10] =	ssyncset.done $0x0  }
0x177: {  	[sflag:s10] =	ssyncadd.s32 $0xFFFFFF00  }
0x178: {  	_ =	swait.ge [sflag:s25], $0x800  }
0x179: {  	s2 =	sadd.s32 $0x1, s2;
	[sflag:s25] =	ssyncset.done $0x0  }
0x17a: {  	p0 =	sne.s32 s2, s9;
	[sflag:s25] =	ssyncadd.s32 $0xFFFFF800  }
.Ltmp1:
0x17b: {  	[bflag:$0x0] =	sbarrier.arrive $0xFFFF;
	(pc) =	sbr.rel @p0 .LBB2_1-.Ltmp1, $4  }
0x17c: {  	[hbm:s8], [sflag:s12] =	dma.local [spmem:s13], $0x500  }
0x17d: {  	_ =	swait.ge [sflag:s10], $0x500  }
0x17e: {  	[sflag:s10] =	ssyncset.done $0x0  }
0x17f: {  	[sflag:s10] =	ssyncadd.s32 $0xFFFFFB00  }
0x180: {  	_ =	sfence.sel $0x180000  }
0x181: {  	[bflag:$0x0] =	sbarrier.arrive $0xFFFF  }
0x182: {  	_ =	strace $0x9000004A  }
0x183: {  	s0 =	stileid.u32;
	[bflag:$0x2] =	sbarrier.arrive $0xFFFF  }
0x184: {  	p0 =	sne.s32 s0, $0x0;
	s0 =	rddreg [dreg:$0x3]  }
0x185: {  	s0 =	sadd.s32 @!p0 $0x100000, s0  }
0x186: {  	[sflag:s0] =	ssyncadd.tile.s32 @!p0 $0x1;
	_ =	shalt  }
.Lfunc_end2:
_tile_overlayer_lowered:
.L_overlay_start_2:
0x187: {  	(tag) =	ssettag $0x2  }
0x188: {  	s0 =	rddreg [dreg:$0x0];
	s2 =	stileid.u32  }
0x189: {  	s1 =	rddreg [dreg:$0x1];
	p0 =	sne.s32 s2, $0x0  }
0x18a: {  	s3 =	rddreg [dreg:$0x2];
	[bflag:$0x3] =	sbarrier.arrive $0xFFFF;
	s2 =	simm.s32 @!p0 $0x1C09  }
0x18b: {  	[timem:s3], [sflag:s2] =	dma.local @!p0 [hbm:s0], s1  }
0x18c: {  	s0 =	simm.s32 @!p0 $0x9  }
0x18d: {  	_ =	swait.ge @!p0 [sflag:s0], s1  }
0x18e: {  	s1 =	ssub.s32 @!p0 $0x0, s1;
	[sflag:s0] =	ssyncset.done @!p0 $0x0  }
0x18f: {  	[sflag:s0] =	ssyncadd.s32 @!p0 s1  }
0x190: {  	[bflag:$0x3] =	sbarrier.arrive $0xFFFF  }
0x191: {  	_ =	shalt  }

// kernel: kernel.14.cloned.1.call-start
scs
__scs_entry_jumppad:
0x0: {  	(pc) =	sbr.rel $0x88, $3  }
0x1: {  	(tag) =	ssettag $0x0;
	lr =	simm.s32 $0x1  }
0x2: {  	[smem:$0x3F9B] =	sst lr;
	_ =	strace $0xD0000000  }
0x3: {  	_ = 	snop  }
0x4: {  	_ = 	snop  }
0x5: {  	_ = 	snop  }
0x6: {  	_ = 	snop  }
0x7: {  	_ = 	snop  }
__scs_overlays_trampoline_lowered:
0x8: {  	[smem:$0x3FAA] =	sst s0  }
0x9: {  	[smem:$0x3FAB] =	sst s1  }
0xa: {  	[smem:$0x3FAC] =	sst s2  }
0xb: {  	[smem:$0x3FAD] =	sst s3  }
0xc: {  	[smem:$0x3FAE] =	sst s4  }
0xd: {  	[smem:$0x3FAF] =	sst s5  }
0xe: {  	[smem:$0x3FB0] =	sst s6  }
0xf: {  	[smem:$0x3FB1] =	sst s7  }
0x10: {  	[smem:$0x3FB2] =	sst s8  }
0x11: {  	[smem:$0x3FB3] =	sst s9;
	s0 =	simm.s32 @!p0 $0x0  }
0x12: {  	s1 =	sld [smem:$0x3F99];
	s0 =	simm.s32 @p0 $0x1  }
0x13: {  	[smem:$0x3FB4] =	sst s0;
	s0 =	simm.s32 @!p1 $0x0  }
0x14: {  	s2 =	sld [smem:$0x3F98];
	s0 =	simm.s32 @p1 $0x1  }
0x15: {  	[smem:$0x3FB5] =	sst s0;
	s0 =	simm.s32 @!p2 $0x0  }
0x16: {  	s3 =	sld [smem:$0x3FDB];
	s0 =	simm.s32 @p2 $0x1  }
0x17: {  	s4 =	simm.s32 $0x1BF5;
	[smem:$0x3FB7] =	sst s0  }
0x18: {  	s0 =	sld [smem:$0x3F9A];
	_ =	swait.ge [sflag:s4], $0x0  }
0x19: {  	s7 =	sld [smem:$0x3F9B]  }
0x1a: {  	s8 =	sadd.s32 $0xFFFFE003, lr  }
0x1b: {  	s9 =	sadd.s32 $0xFFFFFEF7, lr;
	s5 =	simm.s32 $0xFFFFFFFF;
	p2 =	slt.u32 s8, $0xFFFFF086  }
0x1c: {  	p1 =	slt.u32 s9, $0xF7A;
	s5 =	simm.s32 @!p2 $0x0  }
0x1d: {  	s5 =	simm.s32 @p1 $0x1;
	p0 =	seq.s32 s7, s2  }
0x1e: {  	s7 =	smul.u32 @!p0 $0xF7A, s2;
	p2 =	seq.s32 @!p0 s5, $0x0  }
0x1f: {  	s9 =	smul.u32 $0xF7A, s1;
	s8 =	simm.s32 @!p0 $0x1BF5;
	p2 =	por !p2, p0  }
0x20: {  	[sflag:s8] =	ssyncset.s32 @!p0 $0xFFFFF086;
	s6 =	sadd.s32 @!p0 s3, s7;
	s7 =	simm.s32 @!p0 $0x108  }
0x21: {  	s3 =	sadd.s32 s3, s9;
	s6 =	sadd.s32 @!p0 $0x88, s6;
	s7 =	simm.s32 @p2 $0x1082  }
0x22: {  	[simem:s7], [sflag:s8] =	dma.local @!p0 [hbm:s6], $0xF7A  }
0x23: {  	s9 =	sor.u32 $0xD0000000, s2;
	s6 =	simm.s32 $0x108;
	_ =	swait.ge @!p0 [sflag:s8], $0x0  }
0x24: {  	s3 =	sadd.s32 $0x88, s3;
	s6 =	simm.s32 @!p1 $0x1082;
	[sflag:s4] =	ssyncset.s32 $0xFFFFF086  }
0x25: {  	[simem:s6], [sflag:s4] =	dma.local [hbm:s3], $0xF7A  }
0x26: {  	[smem:$0x3F9B] =	sst s1;
	(tag) =	ssettag s2;
	_ =	strace s9  }
0x27: {  	s1 =	sld [smem:$0x3FAB]  }
0x28: {  	s2 =	sld [smem:$0x3FAC]  }
0x29: {  	s4 =	sld [smem:$0x3FAE]  }
0x2a: {  	p0 =	seq.s32 s5, $0x0;
	s5 =	sld [smem:$0x3FAF]  }
0x2b: {  	s6 =	sld [smem:$0x3FB0]  }
0x2c: {  	s7 =	sld [smem:$0x3FB1]  }
0x2d: {  	s3 =	simm.s32 $0x108;
	s8 =	sld [smem:$0x3FB2]  }
0x2e: {  	s3 =	simm.s32 @!p0 $0x1082;
	s9 =	sld [smem:$0x3FB3]  }
0x2f: {  	lr =	sadd.s32 s0, s3;
	s0 =	sld [smem:$0x3FAA]  }
0x30: {  	s3 =	sld [smem:$0x3FAD]  }
0x31: {  	[smem:$0x3FB6] =	sst s10  }
0x32: {  	s10 =	sld [smem:$0x3FB4];
	_ =	sdelay $0x3  }
0x33: {  	p0 =	seq.s32 s10, $0x1;
	s10 =	sld [smem:$0x3FB6];
	_ =	sdelay $0x3  }
0x34: {  	[smem:$0x3FB6] =	sst s10  }
0x35: {  	s10 =	sld [smem:$0x3FB5];
	_ =	sdelay $0x3  }
0x36: {  	p1 =	seq.s32 s10, $0x1;
	s10 =	sld [smem:$0x3FB6];
	_ =	sdelay $0x3  }
0x37: {  	[smem:$0x3FB6] =	sst s10  }
0x38: {  	s10 =	sld [smem:$0x3FB7]  }
0x39: {  	_ = 	snop;
	(pc) =	sbr.ind lr, $3  }
0x3a: {  	_ = 	snop  }
0x3b: {  	_ = 	snop  }
0x3c: {  	p2 =	seq.s32 s10, $0x1;
	s10 =	sld [smem:$0x3FB6]  }
0x3d: {  	_ =	shalt  }
0x3e: {  	_ =	shalt  }
0x3f: {  	_ =	shalt  }
0x40: {  	_ =	shalt  }
0x41: {  	_ =	shalt  }
0x42: {  	_ =	shalt  }
0x43: {  	_ =	shalt  }
0x44: {  	_ =	shalt  }
0x45: {  	_ =	shalt  }
0x46: {  	_ =	shalt  }
0x47: {  	_ =	shalt  }
0x48: {  	_ =	shalt  }
0x49: {  	_ =	shalt  }
0x4a: {  	_ =	shalt  }
0x4b: {  	_ =	shalt  }
0x4c: {  	_ =	shalt  }
0x4d: {  	_ =	shalt  }
0x4e: {  	_ =	shalt  }
0x4f: {  	_ =	shalt  }
0x50: {  	_ =	shalt  }
0x51: {  	_ =	shalt  }
0x52: {  	_ =	shalt  }
0x53: {  	_ =	shalt  }
0x54: {  	_ =	shalt  }
0x55: {  	_ =	shalt  }
0x56: {  	_ =	shalt  }
0x57: {  	_ =	shalt  }
0x58: {  	_ =	shalt  }
0x59: {  	_ =	shalt  }
0x5a: {  	_ =	shalt  }
0x5b: {  	_ =	shalt  }
0x5c: {  	_ =	shalt  }
0x5d: {  	_ =	shalt  }
0x5e: {  	_ =	shalt  }
0x5f: {  	_ =	shalt  }
0x60: {  	_ =	shalt  }
0x61: {  	_ =	shalt  }
0x62: {  	_ =	shalt  }
0x63: {  	_ =	shalt  }
0x64: {  	_ =	shalt  }
0x65: {  	_ =	shalt  }
0x66: {  	_ =	shalt  }
0x67: {  	_ =	shalt  }
0x68: {  	_ =	shalt  }
0x69: {  	_ =	shalt  }
0x6a: {  	_ =	shalt  }
0x6b: {  	_ =	shalt  }
0x6c: {  	_ =	shalt  }
0x6d: {  	_ =	shalt  }
0x6e: {  	_ =	shalt  }
0x6f: {  	_ =	shalt  }
0x70: {  	_ =	shalt  }
0x71: {  	_ =	shalt  }
0x72: {  	_ =	shalt  }
0x73: {  	_ =	shalt  }
0x74: {  	_ =	shalt  }
0x75: {  	_ =	shalt  }
0x76: {  	_ =	shalt  }
0x77: {  	_ =	shalt  }
0x78: {  	_ =	shalt  }
0x79: {  	_ =	shalt  }
0x7a: {  	_ =	shalt  }
0x7b: {  	_ =	shalt  }
0x7c: {  	_ =	shalt  }
0x7d: {  	_ =	shalt  }
0x7e: {  	_ =	shalt  }
0x7f: {  	_ =	shalt  }
0x80: {  	_ =	shalt  }
0x81: {  	_ =	shalt  }
0x82: {  	_ =	shalt  }
0x83: {  	_ =	shalt  }
0x84: {  	_ =	shalt  }
0x85: {  	_ =	shalt  }
0x86: {  	_ =	shalt  }
0x87: {  	_ =	shalt  }
.Lfunc_end0:
.L_simem_size_0:
called_computation.2_lowered:
.L_overlay_start_0:
0x88: {  	s2 =	sld [smem:$0x3FD9]  }
0x89: {  	s3 =	sld [smem:$0x3FFE];
	_ =	sdelay $0x1  }
0x8a: {  	s1 =	srdreg.scid  }
0x8b: {  	s0 =	sand.u32 $0x1, s1  }
0x8c: {  	s16 =	sshll.u32 s0, $0xA;
	s2 =	sadd.s32 s3, s2  }
0x8d: {  	s2 =	sadd.s32 s2, s16  }
0x8e: {  	[smem:$0x3FC2] =	sst s2  }
0x8f: {  	_ = 	snop  }
0x90: {  	(tm) =	ssettm $0x1  }
0x91: {  	s17 =	sld [smem:$0x3FFB];
	_ =	sdelay $0x3  }
0x92: {  	_ =	strace s17  }
0x93: {  	s2 =	sld [smem:$0x3FFC];
	_ =	sdelay $0x3  }
0x94: {  	_ =	strace s2  }
0x95: {  	s2 =	sld [smem:$0x3FFD];
	_ =	sdelay $0x3  }
0x96: {  	_ =	strace s2  }
0x97: {  	_ =	strace $0x8FFFFFFF  }
0x98: {  	s18 =	sld [smem:$0x3FDB];
	_ =	sdelay $0x1  }
0x99: {  	s19 =	simm.s32 $_scs_section_size  }
0x9a: {  	s4 =	simm.s32 $_size__tile_overlayer_lowered;
	s5 =	simm.s32 $_tile_overlayer_lowered  }
0x9b: {  	s22 =	simm.s32 $0x1BFF;
	s21 =	sshll.u32 s5, $0x1;
	s2 =	sadd.s32 s19, s18  }
0x9c: {  	s6 =	simm.s32 $0x0;
	s20 =	sshll.u32 s4, $0x1;
	s4 =	sadd.s32 s21, s2  }
0x9d: {  	[timem:s6], [sflag:s22] =	dma.local [hbm:s4], s20  }
0x9e: {  	_ =	swait.ge [sflag:s22], s20  }
0x9f: {  	s3 =	ssub.s32 $0x0, s20;
	[sflag:s22] =	ssyncset.done $0x0  }
0xa0: {  	[sflag:s22] =	ssyncadd.s32 s3;
	_ =	sdelay $0x1  }
0xa1: {  	s23 =	simm.s32 $0x1B8B  }
0xa2: {  	_ =	swait.ge [sflag:s23], $0x1  }
0xa3: {  	[sflag:s23] =	ssyncset.done $0x0  }
0xa4: {  	s25 =	simm.s32 $0x1B8E;
	s24 =	sld [smem:$0x3FFE];
	[sflag:s23] =	ssyncadd.s32 $0xFFFFFFFF  }
0xa5: {  	s26 =	simm.s32 $execute0_lowered;
	[smem:$0x3FD2] =	sst s25  }
0xa6: {  	s4 =	sshll.u32 s26, $0x1;
	_ =	strace $0x8000004C;
	[dreg:$0x1] =	wrdreg $0xFFFFFFFF  }
0xa7: {  	s28 =	simm.s32 $_size_execute0_lowered;
	s2 =	sadd.s32 s2, s4;
	[dreg:$0x0] =	wrdreg $0x0  }
0xa8: {  	s4 =	sshll.u32 s28, $0x1;
	[dreg:$0x2] =	wrdreg s2  }
0xa9: {  	[dreg:$0x3] =	wrdreg s4  }
0xaa: {  	[dreg:$0x4] =	wrdreg $0xC0  }
0xab: {  	_ =	task [dreg:s6], $0x5FFFF  }
0xac: {  	[dreg:$0x1] =	wrdreg $0xFFFFFFFF  }
0xad: {  	[dreg:$0x0] =	wrdreg $0x60  }
0xae: {  	[dreg:$0x2] =	wrdreg s24  }
0xaf: {  	[dreg:$0x3] =	wrdreg $0x5FB00  }
0xb0: {  	[dreg:$0x4] =	wrdreg $0x9  }
0xb1: {  	_ =	task.clear_ibuf [dreg:s6], $0x5FFFF;
	_ =	strace $0x9000004C  }
0xb2: {  	s29 =	simm.s32 $0x9;
	_ =	strace $0x8000004E  }
0xb3: {  	_ =	swait.ge [sflag:s29], $0x1  }
0xb4: {  	[sflag:s29] =	ssyncadd.s32 $0xFFFFFFFF  }
0xb5: {  	_ =	strace $0x9000004E  }
0xb6: {  	_ =	sfence  }
0xb7: {  	s30 =	sld [smem:$0x0];
	_ =	sdelay $0x2  }
0xb8: {  	s31 =	sshll.u32 s1, $0xD;
	s1 =	sshrl.u32 s1, $0x2  }
0xb9: {  	s3 =	sand.u32 $0x4000, s31;
	s1 =	sadd.s32 s1, s30  }
0xba: {  	s0 =	sor.u32 s3, s0;
	s1 =	sshll.u32 s1, $0x11  }
0xbb: {  	s0 =	sor.u32 s1, s0  }
0xbc: {  	s0 =	sadd.s32 $0x8F2B, s0  }
0xbd: {  	[sflag:s0] =	ssyncadd.remote.s32 $0x1  }
0xbe: {  	_ =	sfence.sel $0xFFFF  }
0xbf: {  	[dreg:$0x0] =	wrdreg $0xFFFFFFFF;
	(pc) =	sbr.abs _section_cstart, $3  }
0xc0: {  	[dreg:$0x1] =	wrdreg $0xFFFFFFFF  }
0xc1: {  	_ =	task.clear_ibuf [dreg:s6], $0x2FFFF;
	_ =	strace $0x9FFFFFFF  }
0xc2: {  	(tm) =	ssettm $0x7FFFFFFF  }
0xc3: {  	_ =	shalt  }
tec
execute0_lowered:
.L_overlay_start_1:
0x0: {  	(tag) =	ssettag $0x1  }
0x1: {  	s0 =	srdreg.scid  }
0x2: {  	s1 =	rddreg [dreg:$0x0];
	s10 =	stileid.u32  }
0x3: {  	s2 =	rddreg [dreg:$0x1];
	s14 =	simm.s32 $0x80;
	s15 =	simm.s32 $0x4F30  }
0x4: {  	s16 =	simm.s32 $0x5330;
	s17 =	simm.s32 $0x1;
	s18 =	simm.s32 $0x4E20  }
0x5: {  	s19 =	simm.s32 $0x5730;
	s20 =	simm.s32 $0x2;
	s21 =	simm.s32 $0x4EA0  }
0x6: {  	s28 =	simm.s32 $0x7;
	s29 =	simm.s32 $0x8;
	s30 =	simm.s32 $0x10  }
0x7: {  	s11 =	simm.s32 $0x0;
	s0 =	sand.u32 $0x1, s0;
	s6 =	smul.u32 $0x280, s10  }
0x8: {  	s7 =	sadd.s32 $0x15800, s1;
	s8 =	smul.u32 $0x5000, s10;
	s31 =	sshll.u32 s10, $0x6  }
0x9: {  	s3 =	sshll.u32 s0, $0x4;
	s22 =	ssub.s32 $0x2, s0;
	s0 =	smul.u32 $0x2800, s0  }
0xa: {  	s12 =	sor.u32 $0x1C09, s31;
	s4 =	sor.u32 s10, s3;
	s3 =	simm.s32 $0x0  }
0xb: {  	s23 =	sshrl.u32 s22, $0x1;
	s25 =	sshrl.u32 s8, $0x2;
	s10 =	simm.s32 $0x9  }
0xc: {  	s4 =	smul.u32 $0x2710, s4;
	[smem:$0x7FF] =	sst s3;
	s26 =	sadd.s32 s25, s2  }
0xd: {  	s25 =	simm.s32 $0x6;
	_ =	strace $0x8000004D;
	[dreg:$0x3] =	wrdreg s7  }
0xe: {  	s13 =	sshrl.u32 s26, $0x3;
	s26 =	simm.s32 $0x4;
	s5 =	sshrl.u32 s4, $0x3  }
0xf: {  	s4 =	sadd.s32 $0x15C00, s1;
	s5 =	sadd.s32 s5, s1;
	s1 =	sadd.s32 s6, s1  }
0x10: {  	s6 =	ssub.s32 s22, s23;
	s22 =	simm.s32 $0x5;
	s23 =	simm.s32 $0x5B30  }
0x11: {  	s24 =	sadd.s32 $0x1E00, s5;
	s5 =	sadd.s32 $0xBA40, s5;
	s0 =	sadd.s32 s0, s1  }
0x12: {  	s9 =	smax.u32 s6, $0x1;
	s1 =	simm.s32 $0x5F30;
	[dreg:$0x4] =	wrdreg s24  }
0x13: {  	[dreg:$0x5] =	wrdreg s5;
	s8 =	sadd.s32 $0x18400, s0;
	s24 =	simm.s32 $0x3  }
.LBB2_1:
0x14: {  	s0 =	rddreg [dreg:$0x4]  }
0x15: {  	[tilespmem:s3], [sflag:$0x9] =	stream.linear.gather [hbm4b:s0+s3], $0x2710, $0x38;
	[tilespmem:$0x73B0] =	vst v63  }
0x16: {  	_ =	swait.ge [sflag:s10], $0x2710  }
0x17: {  	[sflag:s10] =	ssyncset.done $0x0  }
0x18: {  	s5 =	simm.s32 $0x2710;
	s7 =	rddreg [dreg:$0x5];
	[sflag:s10] =	ssyncadd.s32 $0xFFFFD8F0  }
0x19: {  	[tilespmem:s5], [sflag:$0x9] =	stream.linear.gather [hbm4b:s7+s3], $0x2710, $0x38;
	[tilespmem:$0x73B0] =	vst v63  }
0x1a: {  	_ =	swait.ge [sflag:s10], $0x2710  }
0x1b: {  	[sflag:s10] =	ssyncset.done $0x0  }
0x1c: {  	s5 =	rddreg [dreg:$0x3];
	[sflag:s10] =	ssyncadd.s32 $0xFFFFD8F0  }
0x1d: {  	[spmem:s13], [sflag:s12] =	dma.local [hbm:s5], $0x280  }
0x1e: {  	_ =	swait.ge [sflag:s10], $0x280  }
0x1f: {  	[sflag:s10] =	ssyncset.done $0x0  }
0x20: {  	[sflag:s10] =	ssyncadd.s32 $0xFFFFFD80  }
0x21: {  	[bflag:$0x0] =	sbarrier.arrive $0xFFFF  }
0x22: {  	[tilespmem:s15], [sflag:$0x1] =	stream.indirect.gather [hbm4b:s4+s14], $0x8, s3, s14, $0xb8;
	[tilespmem:$0x73B0] =	vst v63  }
0x23: {  	s0 =	simm.s32 $0x0  }
0x24: {  	[tilespmem:s16], [sflag:$0x2] =	stream.indirect.gather [hbm4b:s4+s14], $0x8, s14, s14, $0xb8;
	[tilespmem:$0x73B0] =	vst v63  }
0x25: {  	v0 =	vld [tilespmem:s0+$0x2710];
	_ =	sdelay $0x4  }
0x26: {  	[tilespmem:$0x4E20] =	vst v0  }
0x27: {  	v0 =	vld [tilespmem:s0+$0x2720];
	_ =	sdelay $0x4  }
0x28: {  	[tilespmem:$0x4E30] =	vst v0  }
0x29: {  	v0 =	vld [tilespmem:s0+$0x2730];
	_ =	sdelay $0x4  }
0x2a: {  	[tilespmem:$0x4E40] =	vst v0  }
0x2b: {  	v0 =	vld [tilespmem:s0+$0x2740];
	_ =	sdelay $0x4  }
0x2c: {  	[tilespmem:$0x4E50] =	vst v0  }
0x2d: {  	v0 =	vld [tilespmem:s0+$0x2750];
	_ =	sdelay $0x4  }
0x2e: {  	[tilespmem:$0x4E60] =	vst v0  }
0x2f: {  	v0 =	vld [tilespmem:s0+$0x2760];
	_ =	sdelay $0x4  }
0x30: {  	[tilespmem:$0x4E70] =	vst v0  }
0x31: {  	v0 =	vld [tilespmem:s0+$0x2770];
	_ =	sdelay $0x4  }
0x32: {  	[tilespmem:$0x4E80] =	vst v0  }
0x33: {  	v0 =	vld [tilespmem:s0+$0x2780];
	_ =	sdelay $0x4  }
0x34: {  	[tilespmem:$0x4E90] =	vst v0  }
0x35: {  	_ =	swait.ge [sflag:s17], $0x400  }
0x36: {  	p0 =	por $0x1, $0x1;
	[sflag:s17] =	ssyncset.done $0x0  }
0x37: {  	s5 =	simm.s32 @!p0 $0x8;
	[sflag:s17] =	ssyncadd.s32 $0xFFFFFC00  }
0x38: {  	[spmem:s2] =	stream.indirect.scatter.add.f32 [tilespmem:s15], [sflag:$0x5], $0x8, s18, s14, $0xb8;
	[tilespmem:$0x73B0] =	vst v63  }
0x39: {  	_ =	swait.ge @!p0 [sflag:s5], $0x400  }
0x3a: {  	[sflag:s5] =	ssyncset.done @!p0 $0x0  }
0x3b: {  	s6 =	simm.s32 $0x100;
	[sflag:s5] =	ssyncadd.s32 @!p0 $0xFFFFFC00  }
0x3c: {  	[tilespmem:s19], [sflag:$0x3] =	stream.indirect.gather [hbm4b:s4+s14], $0x8, s6, s14, $0xb8;
	[tilespmem:$0x73B0] =	vst v63  }
0x3d: {  	v61 =	vld [tilespmem:s0+$0x2790];
	_ =	sdelay $0x4  }
0x3e: {  	[tilespmem:$0x4EA0] =	vst v61  }
0x3f: {  	v0 =	vld [tilespmem:s0+$0x27A0];
	_ =	sdelay $0x4  }
0x40: {  	[tilespmem:$0x4EB0] =	vst v0  }
0x41: {  	v0 =	vld [tilespmem:s0+$0x27B0];
	_ =	sdelay $0x4  }
0x42: {  	[tilespmem:$0x4EC0] =	vst v0  }
0x43: {  	v0 =	vld [tilespmem:s0+$0x27C0];
	_ =	sdelay $0x4  }
0x44: {  	[tilespmem:$0x4ED0] =	vst v0  }
0x45: {  	v0 =	vld [tilespmem:s0+$0x27D0];
	_ =	sdelay $0x4  }
0x46: {  	[tilespmem:$0x4EE0] =	vst v0  }
0x47: {  	v0 =	vld [tilespmem:s0+$0x27E0];
	_ =	sdelay $0x4  }
0x48: {  	[tilespmem:$0x4EF0] =	vst v0  }
0x49: {  	v0 =	vld [tilespmem:s0+$0x27F0];
	_ =	sdelay $0x4  }
0x4a: {  	[tilespmem:$0x4F00] =	vst v0  }
0x4b: {  	v0 =	vld [tilespmem:s0+$0x2800];
	_ =	sdelay $0x4  }
0x4c: {  	[tilespmem:$0x4F10] =	vst v0  }
0x4d: {  	_ =	swait.ge [sflag:s20], $0x400  }
0x4e: {  	[sflag:s20] =	ssyncset.done $0x0  }
0x4f: {  	[sflag:s20] =	ssyncadd.s32 $0xFFFFFC00  }
0x50: {  	[spmem:s2] =	stream.indirect.scatter.add.f32 [tilespmem:s16], [sflag:$0x6], $0x8, s21, s14, $0xb8;
	[tilespmem:$0x73B0] =	vst v63  }
0x51: {  	_ =	swait.ge [sflag:s22], $0x400  }
0x52: {  	[sflag:s22] =	ssyncset.done $0x0  }
0x53: {  	s6 =	simm.s32 $0x180;
	[sflag:s22] =	ssyncadd.s32 $0xFFFFFC00  }
0x54: {  	[tilespmem:s23], [sflag:$0x4] =	stream.indirect.gather [hbm4b:s4+s14], $0x8, s6, s14, $0xb8;
	[tilespmem:$0x73B0] =	vst v63  }
0x55: {  	v62 =	vld [tilespmem:s0+$0x2810];
	_ =	sdelay $0x4  }
0x56: {  	[tilespmem:$0x4E20] =	vst v62  }
0x57: {  	v0 =	vld [tilespmem:s0+$0x2820];
	_ =	sdelay $0x4  }
0x58: {  	[tilespmem:$0x4E30] =	vst v0  }
0x59: {  	v0 =	vld [tilespmem:s0+$0x2830];
	_ =	sdelay $0x4  }
0x5a: {  	[tilespmem:$0x4E40] =	vst v0  }
0x5b: {  	v0 =	vld [tilespmem:s0+$0x2840];
	_ =	sdelay $0x4  }
0x5c: {  	[tilespmem:$0x4E50] =	vst v0  }
0x5d: {  	v0 =	vld [tilespmem:s0+$0x2850];
	_ =	sdelay $0x4  }
0x5e: {  	[tilespmem:$0x4E60] =	vst v0  }
0x5f: {  	v0 =	vld [tilespmem:s0+$0x2860];
	_ =	sdelay $0x4  }
0x60: {  	[tilespmem:$0x4E70] =	vst v0  }
0x61: {  	v0 =	vld [tilespmem:s0+$0x2870];
	_ =	sdelay $0x4  }
0x62: {  	[tilespmem:$0x4E80] =	vst v0  }
0x63: {  	v0 =	vld [tilespmem:s0+$0x2880];
	_ =	sdelay $0x4  }
0x64: {  	[tilespmem:$0x4E90] =	vst v0  }
0x65: {  	_ =	swait.ge [sflag:s24], $0x400  }
0x66: {  	[sflag:s24] =	ssyncset.done $0x0  }
0x67: {  	[sflag:s24] =	ssyncadd.s32 $0xFFFFFC00  }
0x68: {  	[spmem:s2] =	stream.indirect.scatter.add.f32 [tilespmem:s19], [sflag:$0x7], $0x8, s18, s14, $0xb8;
	[tilespmem:$0x73B0] =	vst v63  }
0x69: {  	_ =	swait.ge [sflag:s25], $0x400  }
0x6a: {  	[sflag:s25] =	ssyncset.done $0x0  }
0x6b: {  	s7 =	simm.s32 $0x200;
	[sflag:s25] =	ssyncadd.s32 $0xFFFFFC00  }
0x6c: {  	[tilespmem:s15], [sflag:$0x1] =	stream.indirect.gather [hbm4b:s4+s14], $0x8, s7, s14, $0xb8;
	[tilespmem:$0x73B0] =	vst v63  }
0x6d: {  	v63 =	vld [tilespmem:s0+$0x2890];
	_ =	sdelay $0x4  }
0x6e: {  	[tilespmem:$0x4EA0] =	vst v63  }
0x6f: {  	v0 =	vld [tilespmem:s0+$0x28A0];
	_ =	sdelay $0x4  }
0x70: {  	[tilespmem:$0x4EB0] =	vst v0  }
0x71: {  	v0 =	vld [tilespmem:s0+$0x28B0];
	_ =	sdelay $0x4  }
0x72: {  	[tilespmem:$0x4EC0] =	vst v0  }
0x73: {  	v0 =	vld [tilespmem:s0+$0x28C0];
	_ =	sdelay $0x4  }
0x74: {  	[tilespmem:$0x4ED0] =	vst v0  }
0x75: {  	v0 =	vld [tilespmem:s0+$0x28D0];
	_ =	sdelay $0x4  }
0x76: {  	[tilespmem:$0x4EE0] =	vst v0  }
0x77: {  	v0 =	vld [tilespmem:s0+$0x28E0];
	_ =	sdelay $0x4  }
0x78: {  	[tilespmem:$0x4EF0] =	vst v0  }
0x79: {  	v0 =	vld [tilespmem:s0+$0x28F0];
	_ =	sdelay $0x4  }
0x7a: {  	[tilespmem:$0x4F00] =	vst v0  }
0x7b: {  	v0 =	vld [tilespmem:s0+$0x2900];
	_ =	sdelay $0x4  }
0x7c: {  	[tilespmem:$0x4F10] =	vst v0  }
0x7d: {  	_ =	swait.ge [sflag:s26], $0x400  }
0x7e: {  	[sflag:s26] =	ssyncset.done $0x0  }
0x7f: {  	[sflag:s26] =	ssyncadd.s32 $0xFFFFFC00  }
0x80: {  	[spmem:s2] =	stream.indirect.scatter.add.f32 [tilespmem:s23], [sflag:$0x8], $0x8, s21, s14, $0xb8;
	[tilespmem:$0x73B0] =	vst v63  }
0x81: {  	s31 =	simm.s32 $0x800;
	_ =	swait.ge [sflag:s28], $0x400  }
0x82: {  	s7 =	simm.s32 $0x280;
	s0 =	simm.s32 $0x1000;
	[sflag:s28] =	ssyncset.done $0x0  }
.LBB2_2:
0x83: {  	s5 =	sshra.s32 s31, $0x2  }
0x84: {  	[sflag:s28] =	ssyncadd.s32 $0xFFFFFC00;
	s6 =	smov.u32 s0;
	s0 =	sadd.s32 $0x800, s0  }
0x85: {  	[tilespmem:s16], [sflag:$0x2] =	stream.indirect.gather [hbm4b:s4+s14], $0x8, s7, s14, $0xb8;
	[tilespmem:$0x73B0] =	vst v63  }
0x86: {  	p0 =	sne.s32 s0, $0x9800;
	v0 =	vld [tilespmem:s5+$0x2710];
	_ =	sdelay $0x4  }
0x87: {  	[tilespmem:$0x4E20] =	vst v0  }
0x88: {  	v0 =	vld [tilespmem:s5+$0x2720];
	_ =	sdelay $0x4  }
0x89: {  	[tilespmem:$0x4E30] =	vst v0  }
0x8a: {  	v0 =	vld [tilespmem:s5+$0x2730];
	_ =	sdelay $0x4  }
0x8b: {  	[tilespmem:$0x4E40] =	vst v0  }
0x8c: {  	v0 =	vld [tilespmem:s5+$0x2740];
	_ =	sdelay $0x4  }
0x8d: {  	[tilespmem:$0x4E50] =	vst v0  }
0x8e: {  	v0 =	vld [tilespmem:s5+$0x2750];
	_ =	sdelay $0x4  }
0x8f: {  	[tilespmem:$0x4E60] =	vst v0  }
0x90: {  	v0 =	vld [tilespmem:s5+$0x2760];
	_ =	sdelay $0x4  }
0x91: {  	[tilespmem:$0x4E70] =	vst v0  }
0x92: {  	v0 =	vld [tilespmem:s5+$0x2770];
	_ =	sdelay $0x4  }
0x93: {  	[tilespmem:$0x4E80] =	vst v0  }
0x94: {  	v0 =	vld [tilespmem:s5+$0x2780];
	_ =	sdelay $0x4  }
0x95: {  	[tilespmem:$0x4E90] =	vst v0  }
0x96: {  	_ =	swait.ge [sflag:s17], $0x400  }
0x97: {  	p1 =	seq.s32 s31, $0x0;
	s31 =	smov.u32 s6;
	[sflag:s17] =	ssyncset.done $0x0  }
0x98: {  	s6 =	simm.s32 @!p1 $0x8;
	[sflag:s17] =	ssyncadd.s32 $0xFFFFFC00  }
0x99: {  	[spmem:s2] =	stream.indirect.scatter.add.f32 [tilespmem:s15], [sflag:$0x5], $0x8, s18, s14, $0xb8;
	[tilespmem:$0x73B0] =	vst v63  }
0x9a: {  	_ =	swait.ge @!p1 [sflag:s6], $0x400  }
0x9b: {  	s7 =	sadd.s32 $0x100, s5;
	[sflag:s6] =	ssyncset.done @!p1 $0x0  }
0x9c: {  	[sflag:s6] =	ssyncadd.s32 @!p1 $0xFFFFFC00  }
0x9d: {  	[tilespmem:s19], [sflag:$0x3] =	stream.indirect.gather [hbm4b:s4+s14], $0x8, s7, s14, $0xb8;
	[tilespmem:$0x73B0] =	vst v63  }
0x9e: {  	v0 =	vld [tilespmem:s5+$0x2790];
	_ =	sdelay $0x4  }
0x9f: {  	[tilespmem:$0x4EA0] =	vst v0  }
0xa0: {  	v0 =	vld [tilespmem:s5+$0x27A0];
	_ =	sdelay $0x4  }
0xa1: {  	[tilespmem:$0x4EB0] =	vst v0  }
0xa2: {  	v0 =	vld [tilespmem:s5+$0x27B0];
	_ =	sdelay $0x4  }
0xa3: {  	[tilespmem:$0x4EC0] =	vst v0  }
0xa4: {  	v0 =	vld [tilespmem:s5+$0x27C0];
	_ =	sdelay $0x4  }
0xa5: {  	[tilespmem:$0x4ED0] =	vst v0  }
0xa6: {  	v0 =	vld [tilespmem:s5+$0x27D0];
	_ =	sdelay $0x4  }
0xa7: {  	[tilespmem:$0x4EE0] =	vst v0  }
0xa8: {  	v0 =	vld [tilespmem:s5+$0x27E0];
	_ =	sdelay $0x4  }
0xa9: {  	[tilespmem:$0x4EF0] =	vst v0  }
0xaa: {  	v0 =	vld [tilespmem:s5+$0x27F0];
	_ =	sdelay $0x4  }
0xab: {  	[tilespmem:$0x4F00] =	vst v0  }
0xac: {  	v0 =	vld [tilespmem:s5+$0x2800];
	_ =	sdelay $0x4  }
0xad: {  	[tilespmem:$0x4F10] =	vst v0  }
0xae: {  	_ =	swait.ge [sflag:s20], $0x400  }
0xaf: {  	[sflag:s20] =	ssyncset.done $0x0  }
0xb0: {  	[sflag:s20] =	ssyncadd.s32 $0xFFFFFC00  }
0xb1: {  	[spmem:s2] =	stream.indirect.scatter.add.f32 [tilespmem:s16], [sflag:$0x6], $0x8, s21, s14, $0xb8;
	[tilespmem:$0x73B0] =	vst v63  }
0xb2: {  	_ =	swait.ge [sflag:s22], $0x400  }
0xb3: {  	s6 =	sadd.s32 $0x180, s5;
	[sflag:s22] =	ssyncset.done $0x0  }
0xb4: {  	[sflag:s22] =	ssyncadd.s32 $0xFFFFFC00  }
0xb5: {  	[tilespmem:s23], [sflag:$0x4] =	stream.indirect.gather [hbm4b:s4+s14], $0x8, s6, s14, $0xb8;
	[tilespmem:$0x73B0] =	vst v63  }
0xb6: {  	v0 =	vld [tilespmem:s5+$0x2810];
	_ =	sdelay $0x4  }
0xb7: {  	[tilespmem:$0x4E20] =	vst v0  }
0xb8: {  	v0 =	vld [tilespmem:s5+$0x2820];
	_ =	sdelay $0x4  }
0xb9: {  	[tilespmem:$0x4E30] =	vst v0  }
0xba: {  	v0 =	vld [tilespmem:s5+$0x2830];
	_ =	sdelay $0x4  }
0xbb: {  	[tilespmem:$0x4E40] =	vst v0  }
0xbc: {  	v0 =	vld [tilespmem:s5+$0x2840];
	_ =	sdelay $0x4  }
0xbd: {  	[tilespmem:$0x4E50] =	vst v0  }
0xbe: {  	v0 =	vld [tilespmem:s5+$0x2850];
	_ =	sdelay $0x4  }
0xbf: {  	[tilespmem:$0x4E60] =	vst v0  }
0xc0: {  	v0 =	vld [tilespmem:s5+$0x2860];
	_ =	sdelay $0x4  }
0xc1: {  	[tilespmem:$0x4E70] =	vst v0  }
0xc2: {  	v0 =	vld [tilespmem:s5+$0x2870];
	_ =	sdelay $0x4  }
0xc3: {  	[tilespmem:$0x4E80] =	vst v0  }
0xc4: {  	v0 =	vld [tilespmem:s5+$0x2880];
	_ =	sdelay $0x4  }
0xc5: {  	[tilespmem:$0x4E90] =	vst v0  }
0xc6: {  	_ =	swait.ge [sflag:s24], $0x400  }
0xc7: {  	[sflag:s24] =	ssyncset.done $0x0  }
0xc8: {  	[sflag:s24] =	ssyncadd.s32 $0xFFFFFC00  }
0xc9: {  	[spmem:s2] =	stream.indirect.scatter.add.f32 [tilespmem:s19], [sflag:$0x7], $0x8, s18, s14, $0xb8;
	[tilespmem:$0x73B0] =	vst v63  }
0xca: {  	_ =	swait.ge [sflag:s25], $0x400  }
0xcb: {  	s6 =	sadd.s32 $0x200, s5;
	[sflag:s25] =	ssyncset.done $0x0  }
0xcc: {  	[sflag:s25] =	ssyncadd.s32 $0xFFFFFC00  }
0xcd: {  	[tilespmem:s15], [sflag:$0x1] =	stream.indirect.gather [hbm4b:s4+s14], $0x8, s6, s14, $0xb8;
	[tilespmem:$0x73B0] =	vst v63  }
0xce: {  	v0 =	vld [tilespmem:s5+$0x2890];
	_ =	sdelay $0x4  }
0xcf: {  	[tilespmem:$0x4EA0] =	vst v0  }
0xd0: {  	v0 =	vld [tilespmem:s5+$0x28A0];
	_ =	sdelay $0x4  }
0xd1: {  	[tilespmem:$0x4EB0] =	vst v0  }
0xd2: {  	v0 =	vld [tilespmem:s5+$0x28B0];
	_ =	sdelay $0x4  }
0xd3: {  	[tilespmem:$0x4EC0] =	vst v0  }
0xd4: {  	v0 =	vld [tilespmem:s5+$0x28C0];
	_ =	sdelay $0x4  }
0xd5: {  	[tilespmem:$0x4ED0] =	vst v0  }
0xd6: {  	v0 =	vld [tilespmem:s5+$0x28D0];
	_ =	sdelay $0x4  }
0xd7: {  	[tilespmem:$0x4EE0] =	vst v0  }
0xd8: {  	v0 =	vld [tilespmem:s5+$0x28E0];
	_ =	sdelay $0x4  }
0xd9: {  	[tilespmem:$0x4EF0] =	vst v0  }
0xda: {  	v0 =	vld [tilespmem:s5+$0x28F0];
	_ =	sdelay $0x4  }
0xdb: {  	[tilespmem:$0x4F00] =	vst v0  }
0xdc: {  	v0 =	vld [tilespmem:s5+$0x2900];
	_ =	sdelay $0x4  }
0xdd: {  	[tilespmem:$0x4F10] =	vst v0  }
0xde: {  	_ =	swait.ge [sflag:s26], $0x400  }
.Ltmp0:
0xdf: {  	[sflag:s26] =	ssyncset.done $0x0;
	(pc) =	sbr.rel @p0 .LBB2_2-.Ltmp0, $4  }
0xe0: {  	[sflag:s26] =	ssyncadd.s32 $0xFFFFFC00  }
0xe1: {  	[spmem:s2] =	stream.indirect.scatter.add.f32 [tilespmem:s23], [sflag:$0x8], $0x8, s21, s14, $0xb8;
	[tilespmem:$0x73B0] =	vst v63  }
0xe2: {  	_ =	swait.ge [sflag:s28], $0x400  }
0xe3: {  	s7 =	sadd.s32 $0x280, s5;
	[sflag:s28] =	ssyncset.done $0x0  }
0xe4: {  	[sflag:s28] =	ssyncadd.s32 $0xFFFFFC00;
	s0 =	sshra.s32 s31, $0x2  }
0xe5: {  	[tilespmem:s16], [sflag:$0x2] =	stream.indirect.gather [hbm4b:s4+s14], $0x8, s7, s14, $0xb8;
	[tilespmem:$0x73B0] =	vst v63  }
0xe6: {  	v0 =	vld [tilespmem:s0+$0x2710];
	_ =	sdelay $0x4  }
0xe7: {  	[tilespmem:$0x4E20] =	vst v0  }
0xe8: {  	v0 =	vld [tilespmem:s0+$0x2720];
	_ =	sdelay $0x4  }
0xe9: {  	[tilespmem:$0x4E30] =	vst v0  }
0xea: {  	v0 =	vld [tilespmem:s0+$0x2730];
	_ =	sdelay $0x4  }
0xeb: {  	[tilespmem:$0x4E40] =	vst v0  }
0xec: {  	v0 =	vld [tilespmem:s0+$0x2740];
	_ =	sdelay $0x4  }
0xed: {  	[tilespmem:$0x4E50] =	vst v0  }
0xee: {  	v0 =	vld [tilespmem:s0+$0x2750];
	_ =	sdelay $0x4  }
0xef: {  	[tilespmem:$0x4E60] =	vst v0  }
0xf0: {  	v0 =	vld [tilespmem:s0+$0x2760];
	_ =	sdelay $0x4  }
0xf1: {  	[tilespmem:$0x4E70] =	vst v0  }
0xf2: {  	v0 =	vld [tilespmem:s0+$0x2770];
	_ =	sdelay $0x4  }
0xf3: {  	[tilespmem:$0x4E80] =	vst v0  }
0xf4: {  	v0 =	vld [tilespmem:s0+$0x2780];
	_ =	sdelay $0x4  }
0xf5: {  	[tilespmem:$0x4E90] =	vst v0  }
0xf6: {  	_ =	swait.ge [sflag:s17], $0x400  }
0xf7: {  	p0 =	seq.s32 s31, $0x0;
	[sflag:s17] =	ssyncset.done $0x0  }
0xf8: {  	s5 =	simm.s32 @!p0 $0x8;
	[sflag:s17] =	ssyncadd.s32 $0xFFFFFC00  }
0xf9: {  	[spmem:s2] =	stream.indirect.scatter.add.f32 [tilespmem:s15], [sflag:$0x5], $0x8, s18, s14, $0xb8;
	[tilespmem:$0x73B0] =	vst v63  }
0xfa: {  	_ =	swait.ge @!p0 [sflag:s5], $0x400  }
0xfb: {  	[sflag:s5] =	ssyncset.done @!p0 $0x0  }
0xfc: {  	s7 =	sadd.s32 $0x100, s0;
	[sflag:s5] =	ssyncadd.s32 @!p0 $0xFFFFFC00  }
0xfd: {  	[tilespmem:s19], [sflag:$0x3] =	stream.indirect.gather [hbm4b:s4+s14], $0x8, s7, s14, $0xb8;
	[tilespmem:$0x73B0] =	vst v63  }
0xfe: {  	v48 =	vld [tilespmem:s0+$0x2790];
	_ =	sdelay $0x4  }
0xff: {  	[tilespmem:$0x4EA0] =	vst v48  }
0x100: {  	v0 =	vld [tilespmem:s0+$0x27A0];
	_ =	sdelay $0x4  }
0x101: {  	[tilespmem:$0x4EB0] =	vst v0  }
0x102: {  	v0 =	vld [tilespmem:s0+$0x27B0];
	_ =	sdelay $0x4  }
0x103: {  	[tilespmem:$0x4EC0] =	vst v0  }
0x104: {  	v0 =	vld [tilespmem:s0+$0x27C0];
	_ =	sdelay $0x4  }
0x105: {  	[tilespmem:$0x4ED0] =	vst v0  }
0x106: {  	v0 =	vld [tilespmem:s0+$0x27D0];
	_ =	sdelay $0x4  }
0x107: {  	[tilespmem:$0x4EE0] =	vst v0  }
0x108: {  	v0 =	vld [tilespmem:s0+$0x27E0];
	_ =	sdelay $0x4  }
0x109: {  	[tilespmem:$0x4EF0] =	vst v0  }
0x10a: {  	v0 =	vld [tilespmem:s0+$0x27F0];
	_ =	sdelay $0x4  }
0x10b: {  	[tilespmem:$0x4F00] =	vst v0  }
0x10c: {  	v0 =	vld [tilespmem:s0+$0x2800];
	_ =	sdelay $0x4  }
0x10d: {  	[tilespmem:$0x4F10] =	vst v0  }
0x10e: {  	_ =	swait.ge [sflag:s20], $0x400  }
0x10f: {  	[sflag:s20] =	ssyncset.done $0x0  }
0x110: {  	[sflag:s20] =	ssyncadd.s32 $0xFFFFFC00  }
0x111: {  	[spmem:s2] =	stream.indirect.scatter.add.f32 [tilespmem:s16], [sflag:$0x6], $0x8, s21, s14, $0xb8;
	[tilespmem:$0x73B0] =	vst v63  }
0x112: {  	_ =	swait.ge [sflag:s22], $0x400  }
0x113: {  	[sflag:s22] =	ssyncset.done $0x0  }
0x114: {  	s31 =	sadd.s32 $0x180, s0;
	[sflag:s22] =	ssyncadd.s32 $0xFFFFFC00  }
0x115: {  	[tilespmem:s23], [sflag:$0x4] =	stream.indirect.gather [hbm4b:s4+s14], $0x8, s31, s14, $0xb8;
	[tilespmem:$0x73B0] =	vst v63  }
0x116: {  	v49 =	vld [tilespmem:s0+$0x2810];
	_ =	sdelay $0x4  }
0x117: {  	[tilespmem:$0x4E20] =	vst v49  }
0x118: {  	v0 =	vld [tilespmem:s0+$0x2820];
	_ =	sdelay $0x4  }
0x119: {  	[tilespmem:$0x4E30] =	vst v0  }
0x11a: {  	v0 =	vld [tilespmem:s0+$0x2830];
	_ =	sdelay $0x4  }
0x11b: {  	[tilespmem:$0x4E40] =	vst v0  }
0x11c: {  	v0 =	vld [tilespmem:s0+$0x2840];
	_ =	sdelay $0x4  }
0x11d: {  	[tilespmem:$0x4E50] =	vst v0  }
0x11e: {  	v0 =	vld [tilespmem:s0+$0x2850];
	_ =	sdelay $0x4  }
0x11f: {  	[tilespmem:$0x4E60] =	vst v0  }
0x120: {  	v0 =	vld [tilespmem:s0+$0x2860];
	_ =	sdelay $0x4  }
0x121: {  	[tilespmem:$0x4E70] =	vst v0  }
0x122: {  	v0 =	vld [tilespmem:s0+$0x2870];
	_ =	sdelay $0x4  }
0x123: {  	[tilespmem:$0x4E80] =	vst v0  }
0x124: {  	v0 =	vld [tilespmem:s0+$0x2880];
	_ =	sdelay $0x4  }
0x125: {  	[tilespmem:$0x4E90] =	vst v0  }
0x126: {  	_ =	swait.ge [sflag:s24], $0x400  }
0x127: {  	[sflag:s24] =	ssyncset.done $0x0  }
0x128: {  	[sflag:s24] =	ssyncadd.s32 $0xFFFFFC00  }
0x129: {  	[spmem:s2] =	stream.indirect.scatter.add.f32 [tilespmem:s19], [sflag:$0x7], $0x8, s18, s14, $0xb8;
	[tilespmem:$0x73B0] =	vst v63  }
0x12a: {  	_ =	swait.ge [sflag:s25], $0x400  }
0x12b: {  	[sflag:s25] =	ssyncset.done $0x0  }
0x12c: {  	s6 =	sadd.s32 $0x200, s0;
	[sflag:s25] =	ssyncadd.s32 $0xFFFFFC00  }
0x12d: {  	[tilespmem:s15], [sflag:$0x1] =	stream.indirect.gather [hbm4b:s4+s14], $0x8, s6, s14, $0xb8;
	[tilespmem:$0x73B0] =	vst v63  }
0x12e: {  	v50 =	vld [tilespmem:s0+$0x2890];
	_ =	sdelay $0x4  }
0x12f: {  	[tilespmem:$0x4EA0] =	vst v50  }
0x130: {  	v0 =	vld [tilespmem:s0+$0x28A0];
	_ =	sdelay $0x4  }
0x131: {  	[tilespmem:$0x4EB0] =	vst v0  }
0x132: {  	v0 =	vld [tilespmem:s0+$0x28B0];
	_ =	sdelay $0x4  }
0x133: {  	[tilespmem:$0x4EC0] =	vst v0  }
0x134: {  	v0 =	vld [tilespmem:s0+$0x28C0];
	_ =	sdelay $0x4  }
0x135: {  	[tilespmem:$0x4ED0] =	vst v0  }
0x136: {  	v0 =	vld [tilespmem:s0+$0x28D0];
	_ =	sdelay $0x4  }
0x137: {  	[tilespmem:$0x4EE0] =	vst v0  }
0x138: {  	v0 =	vld [tilespmem:s0+$0x28E0];
	_ =	sdelay $0x4  }
0x139: {  	[tilespmem:$0x4EF0] =	vst v0  }
0x13a: {  	v0 =	vld [tilespmem:s0+$0x28F0];
	_ =	sdelay $0x4  }
0x13b: {  	[tilespmem:$0x4F00] =	vst v0  }
0x13c: {  	v0 =	vld [tilespmem:s0+$0x2900];
	_ =	sdelay $0x4  }
0x13d: {  	[tilespmem:$0x4F10] =	vst v0  }
0x13e: {  	_ =	swait.ge [sflag:s26], $0x400  }
0x13f: {  	[sflag:s26] =	ssyncset.done $0x0  }
0x140: {  	[sflag:s26] =	ssyncadd.s32 $0xFFFFFC00  }
0x141: {  	[spmem:s2] =	stream.indirect.scatter.add.f32 [tilespmem:s23], [sflag:$0x8], $0x8, s21, s14, $0xb8;
	[tilespmem:$0x73B0] =	vst v63  }
0x142: {  	_ =	swait.ge [sflag:s28], $0x400  }
0x143: {  	[sflag:s28] =	ssyncset.done $0x0  }
0x144: {  	s0 =	sadd.s32 $0x280, s0;
	[sflag:s28] =	ssyncadd.s32 $0xFFFFFC00  }
0x145: {  	[tilespmem:s16], [sflag:$0x2] =	stream.indirect.gather [hbm4b:s4+s14], $0x8, s0, s14, $0xb8;
	[tilespmem:$0x73B0] =	vst v63  }
0x146: {  	v51 =	vld [tilespmem:$0x4D10]  }
0x147: {  	v1 =	vld [tilespmem:$0x4D20]  }
0x148: {  	v2 =	vld [tilespmem:$0x4D30]  }
0x149: {  	v3 =	vld [tilespmem:$0x4D40]  }
0x14a: {  	v4 =	vld [tilespmem:$0x4D50]  }
0x14b: {  	v52 =	vld [tilespmem:$0x4D60];
	[tilespmem:$0x4E20] =	vst v51  }
0x14c: {  	v53 =	vld [tilespmem:$0x4D70];
	[tilespmem:$0x4E30] =	vst v1  }
0x14d: {  	v54 =	vld [tilespmem:$0x4D80];
	[tilespmem:$0x4E40] =	vst v2  }
0x14e: {  	[tilespmem:$0x4E50] =	vst v3  }
0x14f: {  	[tilespmem:$0x4E60] =	vst v4  }
0x150: {  	[tilespmem:$0x4E70] =	vst v52  }
0x151: {  	[tilespmem:$0x4E80] =	vst v53  }
0x152: {  	[tilespmem:$0x4E90] =	vst v54  }
0x153: {  	_ =	swait.ge [sflag:s17], $0x400  }
0x154: {  	[sflag:s17] =	ssyncset.done $0x0  }
0x155: {  	[sflag:s17] =	ssyncadd.s32 $0xFFFFFC00  }
0x156: {  	[spmem:s2] =	stream.indirect.scatter.add.f32 [tilespmem:s15], [sflag:$0x5], $0x8, s18, s14, $0xb8;
	[tilespmem:$0x73B0] =	vst v63  }
0x157: {  	_ =	swait.ge [sflag:s29], $0x400  }
0x158: {  	[sflag:s29] =	ssyncset.done $0x0  }
0x159: {  	[sflag:s29] =	ssyncadd.s32 $0xFFFFFC00  }
0x15a: {  	v55 =	vld [tilespmem:$0x4D90]  }
0x15b: {  	v56 =	vld [tilespmem:$0x4DA0]  }
0x15c: {  	v57 =	vld [tilespmem:$0x4DB0]  }
0x15d: {  	v58 =	vld [tilespmem:$0x4DC0]  }
0x15e: {  	v59 =	vld [tilespmem:$0x4DD0]  }
0x15f: {  	v60 =	vld [tilespmem:$0x4DE0];
	[tilespmem:$0x4EA0] =	vst v55  }
0x160: {  	v61 =	vld [tilespmem:$0x4DF0];
	[tilespmem:$0x4EB0] =	vst v56  }
0x161: {  	v62 =	vld [tilespmem:$0x4E00];
	[tilespmem:$0x4EC0] =	vst v57  }
0x162: {  	[tilespmem:$0x4ED0] =	vst v58  }
0x163: {  	[tilespmem:$0x4EE0] =	vst v59  }
0x164: {  	[tilespmem:$0x4EF0] =	vst v60  }
0x165: {  	[tilespmem:$0x4F00] =	vst v61  }
0x166: {  	[tilespmem:$0x4F10] =	vst v62  }
0x167: {  	_ =	swait.ge [sflag:s20], $0x400  }
0x168: {  	[sflag:s20] =	ssyncset.done $0x0  }
0x169: {  	[sflag:s20] =	ssyncadd.s32 $0xFFFFFC00  }
0x16a: {  	[spmem:s2] =	stream.indirect.scatter.add.f32 [tilespmem:s16], [sflag:$0x6], $0x8, s21, s14, $0xb8;
	[tilespmem:$0x73B0] =	vst v63  }
0x16b: {  	_ =	swait.ge [sflag:s22], $0x400  }
0x16c: {  	[sflag:s22] =	ssyncset.done $0x0  }
0x16d: {  	[sflag:s22] =	ssyncadd.s32 $0xFFFFFC00  }
0x16e: {  	v63 =	vld [tilespmem:$0x4E10];
	_ =	sdelay $0x4  }
0x16f: {  	s7 =	simm.s32 $0x2700;
	[tilespmem:$0x4F20] =	vst v63  }
0x170: {  	[tilespmem:s1], [sflag:$0x3] =	stream.indirect.gather [hbm4b:s4+s30], $0x8, s7, s30, $0xb8;
	[tilespmem:$0x73B0] =	vst v63  }
0x171: {  	_ =	swait.ge [sflag:s24], $0x80  }
0x172: {  	[sflag:s24] =	ssyncset.done $0x0  }
0x173: {  	s31 =	simm.s32 $0x4F20;
	[sflag:s24] =	ssyncadd.s32 $0xFFFFFF80  }
0x174: {  	[spmem:s2] =	stream.indirect.scatter.add.f32 [tilespmem:s1], [sflag:$0x9], $0x8, s31, s30, $0xb8;
	[tilespmem:$0x73B0] =	vst v63  }
0x175: {  	_ =	swait.ge [sflag:s10], $0x80  }
0x176: {  	[sflag:s10] =	ssyncset.done $0x0  }
0x177: {  	[sflag:s10] =	ssyncadd.s32 $0xFFFFFF80  }
0x178: {  	_ =	swait.ge [sflag:s25], $0x400  }
0x179: {  	s11 =	sadd.s32 $0x1, s11;
	[sflag:s25] =	ssyncset.done $0x0  }
0x17a: {  	p0 =	sne.s32 s11, s9;
	[sflag:s25] =	ssyncadd.s32 $0xFFFFFC00  }
.Ltmp1:
0x17b: {  	[bflag:$0x0] =	sbarrier.arrive $0xFFFF;
	(pc) =	sbr.rel @p0 .LBB2_1-.Ltmp1, $4  }
0x17c: {  	[hbm:s8], [sflag:s12] =	dma.local [spmem:s13], $0x280  }
0x17d: {  	_ =	swait.ge [sflag:s10], $0x280  }
0x17e: {  	[sflag:s10] =	ssyncset.done $0x0  }
0x17f: {  	[sflag:s10] =	ssyncadd.s32 $0xFFFFFD80  }
0x180: {  	_ =	sfence.sel $0x180000  }
0x181: {  	[bflag:$0x0] =	sbarrier.arrive $0xFFFF  }
0x182: {  	_ =	strace $0x9000004D  }
0x183: {  	s0 =	stileid.u32;
	[bflag:$0x2] =	sbarrier.arrive $0xFFFF  }
0x184: {  	p0 =	sne.s32 s0, $0x0;
	s0 =	rddreg [dreg:$0x2]  }
0x185: {  	s0 =	sadd.s32 @!p0 $0x100000, s0  }
0x186: {  	[sflag:s0] =	ssyncadd.tile.s32 @!p0 $0x1;
	_ =	shalt  }
.Lfunc_end2:
_tile_overlayer_lowered:
.L_overlay_start_2:
0x187: {  	(tag) =	ssettag $0x2  }
0x188: {  	s0 =	rddreg [dreg:$0x0];
	s2 =	stileid.u32  }
0x189: {  	s1 =	rddreg [dreg:$0x1];
	p0 =	sne.s32 s2, $0x0  }
0x18a: {  	s3 =	rddreg [dreg:$0x2];
	[bflag:$0x3] =	sbarrier.arrive $0xFFFF;
	s2 =	simm.s32 @!p0 $0x1C09  }
0x18b: {  	[timem:s3], [sflag:s2] =	dma.local @!p0 [hbm:s0], s1  }
0x18c: {  	s0 =	simm.s32 @!p0 $0x9  }
0x18d: {  	_ =	swait.ge @!p0 [sflag:s0], s1  }
0x18e: {  	s1 =	ssub.s32 @!p0 $0x0, s1;
	[sflag:s0] =	ssyncset.done @!p0 $0x0  }
0x18f: {  	[sflag:s0] =	ssyncadd.s32 @!p0 s1  }
0x190: {  	[bflag:$0x3] =	sbarrier.arrive $0xFFFF  }
0x191: {  	_ =	shalt  }

// kernel: kernel.8.cloned.1.call-start
scs
__scs_entry_jumppad:
0x0: {  	(pc) =	sbr.rel $0x88, $3  }
0x1: {  	(tag) =	ssettag $0x0;
	lr =	simm.s32 $0x1  }
0x2: {  	[smem:$0x3F9B] =	sst lr;
	_ =	strace $0xD0000000  }
0x3: {  	_ = 	snop  }
0x4: {  	_ = 	snop  }
0x5: {  	_ = 	snop  }
0x6: {  	_ = 	snop  }
0x7: {  	_ = 	snop  }
__scs_overlays_trampoline_lowered:
0x8: {  	[smem:$0x3FAA] =	sst s0  }
0x9: {  	[smem:$0x3FAB] =	sst s1  }
0xa: {  	[smem:$0x3FAC] =	sst s2  }
0xb: {  	[smem:$0x3FAD] =	sst s3  }
0xc: {  	[smem:$0x3FAE] =	sst s4  }
0xd: {  	[smem:$0x3FAF] =	sst s5  }
0xe: {  	[smem:$0x3FB0] =	sst s6  }
0xf: {  	[smem:$0x3FB1] =	sst s7  }
0x10: {  	[smem:$0x3FB2] =	sst s8  }
0x11: {  	[smem:$0x3FB3] =	sst s9;
	s0 =	simm.s32 @!p0 $0x0  }
0x12: {  	s1 =	sld [smem:$0x3F99];
	s0 =	simm.s32 @p0 $0x1  }
0x13: {  	[smem:$0x3FB4] =	sst s0;
	s0 =	simm.s32 @!p1 $0x0  }
0x14: {  	s2 =	sld [smem:$0x3F98];
	s0 =	simm.s32 @p1 $0x1  }
0x15: {  	[smem:$0x3FB5] =	sst s0;
	s0 =	simm.s32 @!p2 $0x0  }
0x16: {  	s3 =	sld [smem:$0x3FDB];
	s0 =	simm.s32 @p2 $0x1  }
0x17: {  	s4 =	simm.s32 $0x1BF5;
	[smem:$0x3FB7] =	sst s0  }
0x18: {  	s0 =	sld [smem:$0x3F9A];
	_ =	swait.ge [sflag:s4], $0x0  }
0x19: {  	s7 =	sld [smem:$0x3F9B]  }
0x1a: {  	s8 =	sadd.s32 $0xFFFFE003, lr  }
0x1b: {  	s9 =	sadd.s32 $0xFFFFFEF7, lr;
	s5 =	simm.s32 $0xFFFFFFFF;
	p2 =	slt.u32 s8, $0xFFFFF086  }
0x1c: {  	p1 =	slt.u32 s9, $0xF7A;
	s5 =	simm.s32 @!p2 $0x0  }
0x1d: {  	s5 =	simm.s32 @p1 $0x1;
	p0 =	seq.s32 s7, s2  }
0x1e: {  	s7 =	smul.u32 @!p0 $0xF7A, s2;
	p2 =	seq.s32 @!p0 s5, $0x0  }
0x1f: {  	s9 =	smul.u32 $0xF7A, s1;
	s8 =	simm.s32 @!p0 $0x1BF5;
	p2 =	por !p2, p0  }
0x20: {  	[sflag:s8] =	ssyncset.s32 @!p0 $0xFFFFF086;
	s6 =	sadd.s32 @!p0 s3, s7;
	s7 =	simm.s32 @!p0 $0x108  }
0x21: {  	s3 =	sadd.s32 s3, s9;
	s6 =	sadd.s32 @!p0 $0x88, s6;
	s7 =	simm.s32 @p2 $0x1082  }
0x22: {  	[simem:s7], [sflag:s8] =	dma.local @!p0 [hbm:s6], $0xF7A  }
0x23: {  	s9 =	sor.u32 $0xD0000000, s2;
	s6 =	simm.s32 $0x108;
	_ =	swait.ge @!p0 [sflag:s8], $0x0  }
0x24: {  	s3 =	sadd.s32 $0x88, s3;
	s6 =	simm.s32 @!p1 $0x1082;
	[sflag:s4] =	ssyncset.s32 $0xFFFFF086  }
0x25: {  	[simem:s6], [sflag:s4] =	dma.local [hbm:s3], $0xF7A  }
0x26: {  	[smem:$0x3F9B] =	sst s1;
	(tag) =	ssettag s2;
	_ =	strace s9  }
0x27: {  	s1 =	sld [smem:$0x3FAB]  }
0x28: {  	s2 =	sld [smem:$0x3FAC]  }
0x29: {  	s4 =	sld [smem:$0x3FAE]  }
0x2a: {  	p0 =	seq.s32 s5, $0x0;
	s5 =	sld [smem:$0x3FAF]  }
0x2b: {  	s6 =	sld [smem:$0x3FB0]  }
0x2c: {  	s7 =	sld [smem:$0x3FB1]  }
0x2d: {  	s3 =	simm.s32 $0x108;
	s8 =	sld [smem:$0x3FB2]  }
0x2e: {  	s3 =	simm.s32 @!p0 $0x1082;
	s9 =	sld [smem:$0x3FB3]  }
0x2f: {  	lr =	sadd.s32 s0, s3;
	s0 =	sld [smem:$0x3FAA]  }
0x30: {  	s3 =	sld [smem:$0x3FAD]  }
0x31: {  	[smem:$0x3FB6] =	sst s10  }
0x32: {  	s10 =	sld [smem:$0x3FB4];
	_ =	sdelay $0x3  }
0x33: {  	p0 =	seq.s32 s10, $0x1;
	s10 =	sld [smem:$0x3FB6];
	_ =	sdelay $0x3  }
0x34: {  	[smem:$0x3FB6] =	sst s10  }
0x35: {  	s10 =	sld [smem:$0x3FB5];
	_ =	sdelay $0x3  }
0x36: {  	p1 =	seq.s32 s10, $0x1;
	s10 =	sld [smem:$0x3FB6];
	_ =	sdelay $0x3  }
0x37: {  	[smem:$0x3FB6] =	sst s10  }
0x38: {  	s10 =	sld [smem:$0x3FB7]  }
0x39: {  	_ = 	snop;
	(pc) =	sbr.ind lr, $3  }
0x3a: {  	_ = 	snop  }
0x3b: {  	_ = 	snop  }
0x3c: {  	p2 =	seq.s32 s10, $0x1;
	s10 =	sld [smem:$0x3FB6]  }
0x3d: {  	_ =	shalt  }
0x3e: {  	_ =	shalt  }
0x3f: {  	_ =	shalt  }
0x40: {  	_ =	shalt  }
0x41: {  	_ =	shalt  }
0x42: {  	_ =	shalt  }
0x43: {  	_ =	shalt  }
0x44: {  	_ =	shalt  }
0x45: {  	_ =	shalt  }
0x46: {  	_ =	shalt  }
0x47: {  	_ =	shalt  }
0x48: {  	_ =	shalt  }
0x49: {  	_ =	shalt  }
0x4a: {  	_ =	shalt  }
0x4b: {  	_ =	shalt  }
0x4c: {  	_ =	shalt  }
0x4d: {  	_ =	shalt  }
0x4e: {  	_ =	shalt  }
0x4f: {  	_ =	shalt  }
0x50: {  	_ =	shalt  }
0x51: {  	_ =	shalt  }
0x52: {  	_ =	shalt  }
0x53: {  	_ =	shalt  }
0x54: {  	_ =	shalt  }
0x55: {  	_ =	shalt  }
0x56: {  	_ =	shalt  }
0x57: {  	_ =	shalt  }
0x58: {  	_ =	shalt  }
0x59: {  	_ =	shalt  }
0x5a: {  	_ =	shalt  }
0x5b: {  	_ =	shalt  }
0x5c: {  	_ =	shalt  }
0x5d: {  	_ =	shalt  }
0x5e: {  	_ =	shalt  }
0x5f: {  	_ =	shalt  }
0x60: {  	_ =	shalt  }
0x61: {  	_ =	shalt  }
0x62: {  	_ =	shalt  }
0x63: {  	_ =	shalt  }
0x64: {  	_ =	shalt  }
0x65: {  	_ =	shalt  }
0x66: {  	_ =	shalt  }
0x67: {  	_ =	shalt  }
0x68: {  	_ =	shalt  }
0x69: {  	_ =	shalt  }
0x6a: {  	_ =	shalt  }
0x6b: {  	_ =	shalt  }
0x6c: {  	_ =	shalt  }
0x6d: {  	_ =	shalt  }
0x6e: {  	_ =	shalt  }
0x6f: {  	_ =	shalt  }
0x70: {  	_ =	shalt  }
0x71: {  	_ =	shalt  }
0x72: {  	_ =	shalt  }
0x73: {  	_ =	shalt  }
0x74: {  	_ =	shalt  }
0x75: {  	_ =	shalt  }
0x76: {  	_ =	shalt  }
0x77: {  	_ =	shalt  }
0x78: {  	_ =	shalt  }
0x79: {  	_ =	shalt  }
0x7a: {  	_ =	shalt  }
0x7b: {  	_ =	shalt  }
0x7c: {  	_ =	shalt  }
0x7d: {  	_ =	shalt  }
0x7e: {  	_ =	shalt  }
0x7f: {  	_ =	shalt  }
0x80: {  	_ =	shalt  }
0x81: {  	_ =	shalt  }
0x82: {  	_ =	shalt  }
0x83: {  	_ =	shalt  }
0x84: {  	_ =	shalt  }
0x85: {  	_ =	shalt  }
0x86: {  	_ =	shalt  }
0x87: {  	_ =	shalt  }
.Lfunc_end0:
.L_simem_size_0:
called_computation_lowered:
.L_overlay_start_0:
0x88: {  	s2 =	sld [smem:$0x3FD9]  }
0x89: {  	s3 =	sld [smem:$0x3FFE];
	_ =	sdelay $0x1  }
0x8a: {  	s1 =	srdreg.scid  }
0x8b: {  	s0 =	sand.u32 $0x1, s1  }
0x8c: {  	s17 =	sshll.u32 s0, $0xA;
	s2 =	sadd.s32 s3, s2  }
0x8d: {  	s2 =	sadd.s32 s2, s17  }
0x8e: {  	[smem:$0x3FC2] =	sst s2  }
0x8f: {  	_ = 	snop  }
0x90: {  	s2 =	sld [smem:$0x3FD0];
	(tm) =	ssettm $0x1  }
0x91: {  	s18 =	sld [smem:$0x3FFB];
	_ =	sdelay $0x3  }
0x92: {  	_ =	strace s18  }
0x93: {  	s3 =	sld [smem:$0x3FFC];
	_ =	sdelay $0x3  }
0x94: {  	_ =	strace s3  }
0x95: {  	s3 =	sld [smem:$0x3FFD];
	_ =	sdelay $0x3  }
0x96: {  	_ =	strace s3  }
0x97: {  	_ =	strace $0x8FFFFFFF  }
0x98: {  	s19 =	sld [smem:$0x3FDB];
	_ =	sdelay $0x1  }
0x99: {  	s4 =	simm.s32 $_scs_section_size  }
0x9a: {  	s5 =	simm.s32 $_size__tile_overlayer_lowered;
	s6 =	simm.s32 $_tile_overlayer_lowered  }
0x9b: {  	s22 =	simm.s32 $0x1BFF;
	s21 =	sshll.u32 s6, $0x1;
	s3 =	sadd.s32 s4, s19  }
0x9c: {  	s7 =	simm.s32 $0x0;
	s20 =	sshll.u32 s5, $0x1;
	s5 =	sadd.s32 s21, s3  }
0x9d: {  	[timem:s7], [sflag:s22] =	dma.local [hbm:s5], s20  }
0x9e: {  	_ =	swait.ge [sflag:s22], s20  }
0x9f: {  	s4 =	ssub.s32 $0x0, s20;
	[sflag:s22] =	ssyncset.done $0x0  }
0xa0: {  	[sflag:s22] =	ssyncadd.s32 s4;
	_ =	sdelay $0x1  }
0xa1: {  	s23 =	simm.s32 $0x1B8B  }
0xa2: {  	_ =	swait.ge [sflag:s23], $0x1  }
0xa3: {  	[sflag:s23] =	ssyncset.done $0x0  }
0xa4: {  	s25 =	simm.s32 $0x1B8E;
	s24 =	sld [smem:$0x3FFE];
	[sflag:s23] =	ssyncadd.s32 $0xFFFFFFFF  }
0xa5: {  	s26 =	simm.s32 $execute0_lowered;
	[smem:$0x3FD2] =	sst s25  }
0xa6: {  	s5 =	sshll.u32 s26, $0x1;
	_ =	strace $0x80000046;
	[dreg:$0x1] =	wrdreg $0xFFFFFFFF  }
0xa7: {  	s28 =	simm.s32 $_size_execute0_lowered;
	s3 =	sadd.s32 s3, s5;
	[dreg:$0x0] =	wrdreg $0x0  }
0xa8: {  	s5 =	sshll.u32 s28, $0x1;
	[dreg:$0x2] =	wrdreg s3  }
0xa9: {  	[dreg:$0x3] =	wrdreg s5  }
0xaa: {  	[dreg:$0x4] =	wrdreg $0xC0  }
0xab: {  	_ =	task [dreg:s7], $0x5FFFF  }
0xac: {  	[dreg:$0x1] =	wrdreg $0xFFFFFFFF  }
0xad: {  	[dreg:$0x0] =	wrdreg $0x60  }
0xae: {  	[dreg:$0x2] =	wrdreg s24  }
0xaf: {  	[dreg:$0x3] =	wrdreg s2  }
0xb0: {  	[dreg:$0x4] =	wrdreg $0x42200  }
0xb1: {  	[dreg:$0x5] =	wrdreg $0x9  }
0xb2: {  	_ =	task.clear_ibuf [dreg:s7], $0x6FFFF;
	_ =	strace $0x90000046  }
0xb3: {  	s29 =	simm.s32 $0x9;
	_ =	strace $0x80000048  }
0xb4: {  	_ =	swait.ge [sflag:s29], $0x1  }
0xb5: {  	[sflag:s29] =	ssyncadd.s32 $0xFFFFFFFF  }
0xb6: {  	_ =	strace $0x90000048  }
0xb7: {  	_ =	sfence  }
0xb8: {  	s30 =	sld [smem:$0x0];
	_ =	sdelay $0x2  }
0xb9: {  	s31 =	sshll.u32 s1, $0xD;
	s1 =	sshrl.u32 s1, $0x2  }
0xba: {  	s3 =	sand.u32 $0x4000, s31;
	s1 =	sadd.s32 s1, s30  }
0xbb: {  	s0 =	sor.u32 s3, s0;
	s1 =	sshll.u32 s1, $0x11  }
0xbc: {  	s0 =	sor.u32 s1, s0  }
0xbd: {  	s0 =	sadd.s32 $0x8F2B, s0  }
0xbe: {  	[sflag:s0] =	ssyncadd.remote.s32 $0x1  }
0xbf: {  	_ =	sfence.sel $0xFFFF  }
0xc0: {  	[dreg:$0x0] =	wrdreg $0xFFFFFFFF;
	(pc) =	sbr.abs _section_cstart, $3  }
0xc1: {  	[dreg:$0x1] =	wrdreg $0xFFFFFFFF  }
0xc2: {  	_ =	task.clear_ibuf [dreg:s7], $0x2FFFF;
	_ =	strace $0x9FFFFFFF  }
0xc3: {  	(tm) =	ssettm $0x7FFFFFFF  }
tec
execute0_lowered:
.L_overlay_start_1:
0x0: {  	(tag) =	ssettag $0x1  }
0x1: {  	s6 =	rddreg [dreg:$0x0]  }
0x2: {  	s0 =	srdreg.scid;
	s8 =	rddreg [dreg:$0x1]  }
0x3: {  	s2 =	rddreg [dreg:$0x2];
	s1 =	stileid.u32;
	s3 =	simm.s32 $0x0  }
0x4: {  	s14 =	simm.s32 $0x80;
	s15 =	simm.s32 $0x2B10;
	s16 =	simm.s32 $0x10  }
0x5: {  	s17 =	simm.s32 $0x2B90;
	s18 =	simm.s32 $0x2BA0;
	s19 =	simm.s32 $0x3FA0  }
0x6: {  	s20 =	simm.s32 $0x0;
	s7 =	sand.u32 $0x1, s0;
	s0 =	rddreg [dreg:$0x3]  }
0x7: {  	[smem:$0x7FF] =	sst s3;
	s10 =	smul.u32 $0x280, s1;
	s5 =	sadd.s32 $0x15800, s6  }
0x8: {  	s13 =	smul.u32 $0x5000, s1;
	s31 =	sshll.u32 s1, $0x6;
	s4 =	sshll.u32 s7, $0x4  }
0x9: {  	_ =	strace $0x80000047;
	s11 =	ssub.s32 $0x2, s7;
	s7 =	smul.u32 $0x2800, s7  }
0xa: {  	s4 =	sor.u32 s1, s4;
	s12 =	sshrl.u32 s11, $0x1;
	s30 =	sshrl.u32 s13, $0x2  }
0xb: {  	s9 =	smul.u32 $0x2710, s4;
	s4 =	sadd.s32 $0x15C00, s6;
	s7 =	sadd.s32 s10, s7  }
0xc: {  	s11 =	ssub.s32 s11, s12;
	s12 =	sor.u32 $0x1C01, s31;
	s10 =	sshrl.u32 s7, $0x3  }
0xd: {  	s7 =	sadd.s32 s30, s2;
	s9 =	sshrl.u32 s9, $0x3;
	s8 =	sadd.s32 s8, s10  }
0xe: {  	v0 =	vlaneseq.u32;
	s10 =	simm.s32 $0x1;
	s13 =	sshrl.u32 s7, $0x3;
	s6 =	sadd.s32 s6, s9  }
0xf: {  	v0 =	vmul.u32 $0x8, v0;
	s9 =	smax.u32 s11, $0x1;
	s11 =	simm.s32 $0x2710;
	s6 =	sadd.s32 $0xBA40, s6  }
.LBB2_1:
0x10: {  	[tilespmem:s3], [sflag:$0x1] =	stream.linear.gather [hbm4b:s6+s3], $0x2710, $0x38;
	[tilespmem:$0x5620] =	vst v63  }
0x11: {  	_ =	swait.ge [sflag:s10], $0x2710  }
0x12: {  	[sflag:s10] =	ssyncset.done $0x0  }
0x13: {  	[sflag:s10] =	ssyncadd.s32 $0xFFFFD8F0  }
0x14: {  	[tilespmem:s11], [sflag:$0x1] =	stream.linear.gather [hbm4b:s4+s3], $0x400, $0x38;
	[tilespmem:$0x5620] =	vst v63  }
0x15: {  	_ =	swait.ge [sflag:s10], $0x400  }
0x16: {  	[sflag:s10] =	ssyncset.done $0x0  }
0x17: {  	[sflag:s10] =	ssyncadd.s32 $0xFFFFFC00  }
0x18: {  	[spmem:s13], [sflag:s12] =	dma.local [hbm:s5], $0x280  }
0x19: {  	_ =	swait.ge [sflag:s10], $0x280  }
0x1a: {  	[sflag:s10] =	ssyncset.done $0x0  }
0x1b: {  	[sflag:s10] =	ssyncadd.s32 $0xFFFFFD80  }
0x1c: {  	s21 =	simm.s32 $0x0;
	[bflag:$0x0] =	sbarrier.arrive $0xFFFF  }
0x1d: {  	v1 =	vld [tilespmem:s21+$0x0];
	_ =	sdelay $0x4  }
0x1e: {  	[tilespmem:$0x2B10] =	vst v1  }
0x1f: {  	v1 =	vld [tilespmem:s21+$0x10];
	_ =	sdelay $0x4  }
0x20: {  	[tilespmem:$0x2B20] =	vst v1  }
0x21: {  	v1 =	vld [tilespmem:s21+$0x20];
	_ =	sdelay $0x4  }
0x22: {  	[tilespmem:$0x2B30] =	vst v1  }
0x23: {  	v1 =	vld [tilespmem:s21+$0x30];
	_ =	sdelay $0x4  }
0x24: {  	[tilespmem:$0x2B40] =	vst v1  }
0x25: {  	v1 =	vld [tilespmem:s21+$0x40];
	_ =	sdelay $0x4  }
0x26: {  	[tilespmem:$0x2B50] =	vst v1  }
0x27: {  	v1 =	vld [tilespmem:s21+$0x50];
	_ =	sdelay $0x4  }
0x28: {  	[tilespmem:$0x2B60] =	vst v1  }
0x29: {  	v1 =	vld [tilespmem:s21+$0x60];
	_ =	sdelay $0x4  }
0x2a: {  	[tilespmem:$0x2B70] =	vst v1  }
0x2b: {  	v1 =	vld [tilespmem:s21+$0x70];
	_ =	sdelay $0x4  }
0x2c: {  	[tilespmem:$0x2B80] =	vst v1  }
0x2d: {  	[spmem:s2] =	stream.indirect.scatter.add.f32 [tilespmem:s11], [sflag:$0x1], $0x8, s15, s14, $0xb8;
	[tilespmem:$0x5620] =	vst v63  }
0x2e: {  	_ =	swait.ge [sflag:s10], $0x400  }
0x2f: {  	s23 =	simm.s32 $0x400;
	s21 =	simm.s32 $0x200;
	[sflag:s10] =	ssyncset.done $0x0  }
.LBB2_2:
0x30: {  	s24 =	sshra.s32 s21, $0x2  }
0x31: {  	[sflag:s10] =	ssyncadd.s32 $0xFFFFFC00;
	s21 =	smov.u32 s23;
	s22 =	sadd.s32 $0x200, s23  }
0x32: {  	p0 =	sne.s32 s23, $0x9A00;
	v1 =	vld [tilespmem:s24+$0x0];
	_ =	sdelay $0x4  }
0x33: {  	[tilespmem:$0x2B10] =	vst v1  }
0x34: {  	v1 =	vld [tilespmem:s24+$0x10];
	_ =	sdelay $0x4  }
0x35: {  	[tilespmem:$0x2B20] =	vst v1  }
0x36: {  	v1 =	vld [tilespmem:s24+$0x20];
	_ =	sdelay $0x4  }
0x37: {  	[tilespmem:$0x2B30] =	vst v1  }
0x38: {  	v1 =	vld [tilespmem:s24+$0x30];
	_ =	sdelay $0x4  }
0x39: {  	[tilespmem:$0x2B40] =	vst v1  }
0x3a: {  	v1 =	vld [tilespmem:s24+$0x40];
	_ =	sdelay $0x4  }
0x3b: {  	[tilespmem:$0x2B50] =	vst v1  }
0x3c: {  	v1 =	vld [tilespmem:s24+$0x50];
	_ =	sdelay $0x4  }
0x3d: {  	[tilespmem:$0x2B60] =	vst v1  }
0x3e: {  	v1 =	vld [tilespmem:s24+$0x60];
	_ =	sdelay $0x4  }
0x3f: {  	[tilespmem:$0x2B70] =	vst v1  }
0x40: {  	v1 =	vld [tilespmem:s24+$0x70];
	_ =	sdelay $0x3  }
.Ltmp0:
0x41: {  	(pc) =	sbr.rel @p0 .LBB2_2-.Ltmp0, $4  }
0x42: {  	[tilespmem:$0x2B80] =	vst v1  }
0x43: {  	[spmem:s2] =	stream.indirect.scatter.add.f32 [tilespmem:s11], [sflag:$0x1], $0x8, s15, s14, $0xb8;
	[tilespmem:$0x5620] =	vst v63  }
0x44: {  	_ =	swait.ge [sflag:s10], $0x400  }
0x45: {  	s23 =	smov.u32 s22;
	[sflag:s10] =	ssyncset.done $0x0  }
0x46: {  	s21 =	sshra.s32 s21, $0x2;
	[sflag:s10] =	ssyncadd.s32 $0xFFFFFC00  }
0x47: {  	v1 =	vld [tilespmem:s21+$0x0];
	_ =	sdelay $0x4  }
0x48: {  	[tilespmem:$0x2B10] =	vst v1  }
0x49: {  	v1 =	vld [tilespmem:s21+$0x10];
	_ =	sdelay $0x4  }
0x4a: {  	[tilespmem:$0x2B20] =	vst v1  }
0x4b: {  	v1 =	vld [tilespmem:s21+$0x20];
	_ =	sdelay $0x4  }
0x4c: {  	[tilespmem:$0x2B30] =	vst v1  }
0x4d: {  	v1 =	vld [tilespmem:s21+$0x30];
	_ =	sdelay $0x4  }
0x4e: {  	[tilespmem:$0x2B40] =	vst v1  }
0x4f: {  	v1 =	vld [tilespmem:s21+$0x40];
	_ =	sdelay $0x4  }
0x50: {  	[tilespmem:$0x2B50] =	vst v1  }
0x51: {  	v1 =	vld [tilespmem:s21+$0x50];
	_ =	sdelay $0x4  }
0x52: {  	[tilespmem:$0x2B60] =	vst v1  }
0x53: {  	v1 =	vld [tilespmem:s21+$0x60];
	_ =	sdelay $0x4  }
0x54: {  	[tilespmem:$0x2B70] =	vst v1  }
0x55: {  	v1 =	vld [tilespmem:s21+$0x70];
	_ =	sdelay $0x4  }
0x56: {  	[tilespmem:$0x2B80] =	vst v1  }
0x57: {  	[spmem:s2] =	stream.indirect.scatter.add.f32 [tilespmem:s11], [sflag:$0x1], $0x8, s15, s14, $0xb8;
	[tilespmem:$0x5620] =	vst v63  }
0x58: {  	_ =	swait.ge [sflag:s10], $0x400  }
0x59: {  	[sflag:s10] =	ssyncset.done $0x0  }
0x5a: {  	[sflag:s10] =	ssyncadd.s32 $0xFFFFFC00  }
0x5b: {  	v1 =	vld [tilespmem:$0x2700];
	_ =	sdelay $0x4  }
0x5c: {  	[tilespmem:$0x2B90] =	vst v1  }
0x5d: {  	[spmem:s2] =	stream.indirect.scatter.add.f32 [tilespmem:s11], [sflag:$0x1], $0x8, s17, s16, $0xb8;
	[tilespmem:$0x5620] =	vst v63  }
0x5e: {  	s30 =	simm.s32 $0x0;
	_ =	swait.ge [sflag:s10], $0x80  }
0x5f: {  	v1 =	vmov s30;
	[sflag:s10] =	ssyncset.done $0x0  }
0x60: {  	v1 =	vshll.u32 v1, $0x3;
	[sflag:s10] =	ssyncadd.s32 $0xFFFFFF80  }
0x61: {  	v1 =	vor.u32 v0, v1;
	[bflag:$0x0] =	sbarrier.arrive $0xFFFF  }
0x62: {  	[tilespmem:s18], [sflag:$0x1] =	stream.linear.gather [spmem:s7], $0x1400, $0x38;
	[tilespmem:$0x5620] =	vst v63  }
0x63: {  	_ =	swait.ge [sflag:s10], $0x1400  }
0x64: {  	s31 =	simm.s32 $0x10;
	[sflag:s10] =	ssyncset.done $0x0  }
0x65: {  	v2 =	vmov s31;
	[sflag:s10] =	ssyncadd.s32 $0xFFFFEC00  }
0x66: {  	v2 =	vshll.u32 v2, $0x3;
	v1 =	vld.idx.msk [tilespmem:v1+s18+$0x0], $0xffff  }
0x67: {  	v3 =	vor.u32 v0, v2;
	_ =	sdelay $0x2  }
0x68: {  	s21 =	simm.s32 $0x3FA0  }
0x69: {  	s22 =	simm.s32 $0x20;
	[tilespmem:s21+$0x0] =	vst v1  }
0x6a: {  	v2 =	vmov s22;
	s22 =	simm.s32 $0x30;
	v1 =	vld.idx.msk [tilespmem:v3+s18+$0x0], $0xffff  }
.LBB2_4:
0x6b: {  	p0 =	sne.s32 s22, $0x270;
	v2 =	vshll.u32 v2, $0x3  }
0x6c: {  	v3 =	vor.u32 v0, v2  }
.Ltmp1:
0x6d: {  	(pc) =	sbr.rel @p0 .LBB2_4-.Ltmp1, $4  }
0x6e: {  	_ = 	snop  }
0x6f: {  	s21 =	sadd.s32 $0x10, s21  }
0x70: {  	[tilespmem:s21+$0x0] =	vst v1  }
0x71: {  	v2 =	vmov s22;
	s22 =	sadd.s32 $0x10, s22;
	v1 =	vld.idx.msk [tilespmem:v3+s18+$0x0], $0xffff  }
0x72: {  	v2 =	vshll.u32 v2, $0x3  }
0x73: {  	v2 =	vor.u32 v0, v2;
	_ =	sdelay $0x2  }
0x74: {  	s21 =	sadd.s32 $0x10, s21  }
0x75: {  	[tilespmem:s21+$0x0] =	vst v1  }
0x76: {  	v1 =	vld.idx.msk [tilespmem:v2+s18+$0x0], $0xffff;
	_ =	sdelay $0x2  }
0x77: {  	s20 =	sadd.s32 $0x1, s20  }
0x78: {  	p0 =	sne.s32 s20, s9;
	s21 =	sadd.s32 $0x10, s21  }
.Ltmp2:
0x79: {  	[tilespmem:s21+$0x0] =	vst v1;
	(pc) =	sbr.rel @p0 .LBB2_1-.Ltmp2, $4  }
0x7a: {  	[hbm4b:s8+s3] =	stream.linear.scatter [tilespmem:s19], [sflag:$0x1], $0x280, $0x38;
	[tilespmem:$0x5620] =	vst v63  }
0x7b: {  	_ =	swait.ge [sflag:s10], $0x280  }
0x7c: {  	[sflag:s10] =	ssyncset.done $0x0  }
0x7d: {  	[sflag:s10] =	ssyncadd.s32 $0xFFFFFD80  }
0x7e: {  	_ =	sfence.sel $0x180000  }
0x7f: {  	[bflag:$0x0] =	sbarrier.arrive $0xFFFF  }
0x80: {  	p0 =	sne.s32 s1, $0x0;
	_ =	strace $0x90000047  }
0x81: {  	s0 =	sadd.s32 @!p0 $0x100000, s0;
	[bflag:$0x2] =	sbarrier.arrive $0xFFFF  }
0x82: {  	[sflag:s0] =	ssyncadd.tile.s32 @!p0 $0x1;
	_ =	shalt  }
.Lfunc_end2:
_tile_overlayer_lowered:
.L_overlay_start_2:
0x83: {  	(tag) =	ssettag $0x2  }
0x84: {  	s0 =	rddreg [dreg:$0x0];
	s2 =	stileid.u32  }
0x85: {  	s1 =	rddreg [dreg:$0x1];
	p0 =	sne.s32 s2, $0x0  }
0x86: {  	s3 =	rddreg [dreg:$0x2];
	[bflag:$0x3] =	sbarrier.arrive $0xFFFF;
	s2 =	simm.s32 @!p0 $0x1C01  }
0x87: {  	[timem:s3], [sflag:s2] =	dma.local @!p0 [hbm:s0], s1  }
0x88: {  	s0 =	simm.s32 @!p0 $0x1  }
0x89: {  	_ =	swait.ge @!p0 [sflag:s0], s1  }
0x8a: {  	s1 =	ssub.s32 @!p0 $0x0, s1;
	[sflag:s0] =	ssyncset.done @!p0 $0x0  }
0x8b: {  	[sflag:s0] =	ssyncadd.s32 @!p0 s1  }
0x8c: {  	[bflag:$0x3] =	sbarrier.arrive $0xFFFF  }
0x8d: {  	_ =	shalt  }

</sc_bundles>
